<compile_context>
chip_gen: v7x
topology: tpu7x:2x2x1
jax: 0.10.2.dev20260603
libtpu: 0.0.44.dev20260713+nightly
codegen_flags: <defaults>
</compile_context>

<pallas_src>
import dataclasses

import jax
import jax.numpy as jnp
from jax import lax
from jax.experimental import pallas as pl
from jax.experimental.pallas import tpu as pltpu
from jax.experimental.pallas import tpu_sc as plsc

_BATCH = 1024
_CH = 30
_NW = 32
_BW = 512
_UNITS = 14 * 14 * (_BATCH // _BW)
_L_COORD = 5.0
_L_NOOBJ = 0.5


def _sqrt_pos(x):
    i = plsc.bitcast(x, jnp.int32)
    i = jnp.int32(0x5F3759DF) - lax.shift_right_arithmetic(i, 1)
    y = plsc.bitcast(i, jnp.float32)
    y = y * (1.5 - 0.5 * x * y * y)
    y = y * (1.5 - 0.5 * x * y * y)
    y = y * (1.5 - 0.5 * x * y * y)
    return x * y


def _unit_coords(u):
    cell = u // 2
    h = u - cell * 2
    i = cell // 14
    j = cell - i * 14
    b0 = pl.multiple_of(h * _BW, 128)
    return i, j, b0


def _sc_body(xp_hbm, xt_hbm, o_hbm, pb0, tb0, pb1, tb1, out16, acc_ref,
             sem0, sem1, osem):
    wid = lax.axis_index("c") * 16 + lax.axis_index("s")
    nu = jnp.where(wid < 8, 13, 12)
    u_base = wid * 12 + jnp.minimum(wid, 8)
    acc_ref[...] = jnp.zeros((16,), jnp.float32)

    def issue(u, pbuf, tbuf, sem):
        i, j, b0 = _unit_coords(u)
        pltpu.make_async_copy(
            xp_hbm.at[i, j, :, pl.ds(b0, _BW)], pbuf, sem).start()
        pltpu.make_async_copy(
            xt_hbm.at[i, j, :, pl.ds(b0, _BW)], tbuf, sem).start()

    def wait(u, pbuf, tbuf, sem):
        i, j, b0 = _unit_coords(u)
        pltpu.make_async_copy(
            xp_hbm.at[i, j, :, pl.ds(b0, _BW)], pbuf, sem).wait()
        pltpu.make_async_copy(
            xt_hbm.at[i, j, :, pl.ds(b0, _BW)], tbuf, sem).wait()

    def compute(pbuf, tbuf):
        @pl.loop(0, _BW // 16)
        def _(g8):
            b0 = g8 * 16

            def cp(c):
                return pbuf[c, pl.ds(b0, 16)]

            def ct(c):
                return tbuf[c, pl.ds(b0, 16)]

            t4 = ct(4)
            coo = (t4 > 0.0).astype(jnp.float32)
            noo = 1.0 - coo

            p4 = cp(4)
            p9 = cp(9)
            t9 = ct(9)
            d4 = p4 - t4
            d9 = p9 - t9
            noo_term = noo * (d4 * d4 + d9 * d9)

            p0, p1, p2, p3 = cp(0), cp(1), cp(2), cp(3)
            p5, p6, p7, p8 = cp(5), cp(6), cp(7), cp(8)
            t0, t1, t2, t3 = ct(0), ct(1), ct(2), ct(3)

            t_min_x = t0 * 64.0 - t2 * 224.0
            t_max_x = t0 * 64.0 + t2 * 224.0
            t_min_y = t1 * 64.0 - t3 * 224.0
            t_max_y = t1 * 64.0 + t3 * 224.0
            t_area = (t_max_x - t_min_x) * (t_max_y - t_min_y)

            def iou(x, y, w, h):
                mnx = x * 64.0 - w * 224.0
                mxx = x * 64.0 + w * 224.0
                mny = y * 64.0 - h * 224.0
                mxy = y * 64.0 + h * 224.0
                iw = jnp.maximum(
                    jnp.minimum(mxx, t_max_x) - jnp.maximum(mnx, t_min_x), 0.0)
                ih = jnp.maximum(
                    jnp.minimum(mxy, t_max_y) - jnp.maximum(mny, t_min_y), 0.0)
                inter = iw * ih
                area = (mxx - mnx) * (mxy - mny)
                return inter / (area + t_area - inter)

            iou_a = iou(p0, p1, p2, p3)
            iou_b = iou(p5, p6, p7, p8)
            sel = iou_a >= iou_b
            max_iou = jnp.maximum(iou_a, iou_b)

            resp_c = jnp.where(sel, p4, p9)
            nrsp_c = jnp.where(sel, p9, p4)
            dcon = resp_c - max_iou
            contain = coo * dcon * dcon
            ncl = coo * nrsp_c * nrsp_c

            t5, t6 = ct(5), ct(6)
            rx = jnp.where(sel, p0, p5) - jnp.where(sel, t0, t5)
            ry = jnp.where(sel, p1, p6) - jnp.where(sel, t1, t6)
            loc = rx * rx + ry * ry

            t7, t8 = ct(7), ct(8)
            rw_p = jnp.where(sel, p2, p7)
            rw_t = jnp.where(sel, t2, t7)
            rh_p = jnp.where(sel, p3, p8)
            rh_t = jnp.where(sel, t3, t8)
            loc = loc + rw_p + rw_t - 2.0 * _sqrt_pos(rw_p * rw_t)
            loc = loc + rh_p + rh_t - 2.0 * _sqrt_pos(rh_p * rh_t)

            cls = jnp.zeros((16,), jnp.float32)
            for c in range(10, 30):
                d = cp(c) - ct(c)
                cls = cls + d * d

            total = (_L_COORD * coo * loc + contain + ncl
                     + _L_NOOBJ * noo_term + coo * cls)
            acc_ref[...] = acc_ref[...] + total

    issue(u_base, pb0, tb0, sem0)

    @pl.loop(0, 12, step=2)
    def _(k):
        u = u_base + k
        issue(u + 1, pb1, tb1, sem1)
        wait(u, pb0, tb0, sem0)
        compute(pb0, tb0)

        @pl.when(k + 2 < nu)
        def _():
            issue(u + 2, pb0, tb0, sem0)

        wait(u + 1, pb1, tb1, sem1)
        compute(pb1, tb1)

    @pl.when(nu == 13)
    def _():
        wait(u_base + 12, pb0, tb0, sem0)
        compute(pb0, tb0)

    out16[...] = acc_ref[...] * (1.0 / _BATCH)
    pltpu.make_async_copy(out16, o_hbm.at[wid], osem).start()
    pltpu.make_async_copy(out16, o_hbm.at[wid], osem).wait()


def kernel(pred_tensor, target_tensor):
    xp = jnp.transpose(pred_tensor, (1, 2, 3, 0))
    xt = jnp.transpose(target_tensor, (1, 2, 3, 0))
    cp = pltpu.CompilerParams()
    if "needs_layout_passes" in pltpu.CompilerParams.__dataclass_fields__:
        cp = dataclasses.replace(cp, needs_layout_passes=False)
    cp = dataclasses.replace(cp, use_tc_tiling_on_sc=True)
    mesh = plsc.VectorSubcoreMesh(core_axis_name="c", subcore_axis_name="s")
    run = pl.kernel(
        _sc_body,
        out_type=jax.ShapeDtypeStruct((_NW, 16), jnp.float32),
        mesh=mesh,
        scratch_types=[
            pltpu.VMEM((_CH, _BW), jnp.float32),
            pltpu.VMEM((_CH, _BW), jnp.float32),
            pltpu.VMEM((_CH, _BW), jnp.float32),
            pltpu.VMEM((_CH, _BW), jnp.float32),
            pltpu.VMEM((16,), jnp.float32),
            pltpu.VMEM((16,), jnp.float32),
            pltpu.SemaphoreType.DMA,
            pltpu.SemaphoreType.DMA,
            pltpu.SemaphoreType.DMA,
        ],
        compiler_params=cp,
    )
    return jnp.sum(run(xp, xt))

# --- scband reference (transcript-rebuilt; emitter-appended) ---
"""Pipeline reference for scband-yolo-loss-44315472560524 (READ-ONLY COPY).

The authoritative reference and input builder live on the scoring server;
editing this copy changes nothing except your own understanding.
"""

import jax, jax.numpy as jnp
import numpy as np

BATCH = 1024
S = 14
L_COORD = 5.0
L_NOOBJ = 0.5
CF = 1.0
CSF = 1.0
NCW = 1.0

def _to_xyxy(b):
    xy = b[..., :2] * 64.0
    wh = b[..., 2:4] * 448.0
    return jnp.concatenate([xy - 0.5 * wh, xy + 0.5 * wh], axis=-1)

def setup_inputs(seed: int = 0):
    key = jax.random.key(seed)
    k1, k2, k3 = jax.random.split(key, 3)
    pred = jax.random.uniform(k1, (BATCH, S, S, 30), dtype=jnp.float32, minval=0.05, maxval=0.95)
    target = jax.random.uniform(k2, (BATCH, S, S, 30), dtype=jnp.float32, minval=0.05, maxval=0.95)
    obj = jax.random.uniform(k3, (BATCH, S, S)) > 0.85
    conf = jnp.where(obj, target[..., 4], 0.0)
    target = target.at[..., 4].set(conf)
    target = target.at[..., 9].set(conf)
    return {"pred_tensor": pred, "target_tensor": target}

def _loss(pred, target, coo_mask, noo_mask):
    N = pred.shape[0]
    pred_f = pred.reshape(-1, 30)
    target_f = target.reshape(-1, 30)
    coo = coo_mask.astype(pred_f.dtype)
    noo = noo_mask.astype(pred_f.dtype)
    box_pred = pred_f[:, :10].reshape(-1, 2, 5)
    box_target = target_f[:, :10].reshape(-1, 2, 5)
    class_pred = pred_f[:, 10:]
    class_target = target_f[:, 10:]
    cols = np.array([4, 9])
    nooobj_loss = jnp.sum(noo[:, None] * (pred_f[:, cols] - target_f[:, cols]) ** 2)
    b1 = _to_xyxy(box_pred)
    b2 = _to_xyxy(box_target[:, 0:1, :])
    lt = jnp.maximum(b1[..., :2], b2[..., :2])
    rb = jnp.minimum(b1[..., 2:], b2[..., 2:])
    wh = jnp.maximum(rb - lt, 0.0)
    inter = wh[..., 0] * wh[..., 1]
    area1 = (b1[..., 2] - b1[..., 0]) * (b1[..., 3] - b1[..., 1])
    area2 = (b2[..., 2] - b2[..., 0]) * (b2[..., 3] - b2[..., 1])
    iou = inter / (area1 + area2 - inter)
    max_iou = jnp.max(iou, axis=1)
    max_index = jnp.argmax(iou, axis=1)
    rows = jnp.arange(box_pred.shape[0])
    resp_pred = box_pred[rows, max_index]
    not_resp_pred = box_pred[rows, 1 - max_index]
    resp_target = box_target[rows, max_index]
    contain_loss = jnp.sum(coo * (resp_pred[:, 4] - jax.lax.stop_gradient(max_iou)) ** 2)
    loc_loss = jnp.sum(coo[:, None] * (resp_pred[:, :2] - resp_target[:, :2]) ** 2)
    loc_loss = loc_loss + jnp.sum(coo[:, None] * (jnp.sqrt(resp_pred[:, 2:4]) - jnp.sqrt(resp_target[:, 2:4])) ** 2)
    not_contain_loss = jnp.sum(coo * not_resp_pred[:, 4] ** 2)
    class_loss = jnp.sum(coo[:, None] * (class_pred - class_target) ** 2)
    total = (L_COORD * loc_loss + CF * contain_loss + NCW * not_contain_loss + L_NOOBJ * nooobj_loss + CSF * class_loss) / N
    return total

def reference(pred_tensor, target_tensor):
    conf = target_tensor[..., 4].reshape(-1)
    coo_mask = conf > 0
    noo_mask = conf == 0
    return _loss(pred_tensor, target_tensor, coo_mask, noo_mask)

if __name__ == "__main__":
    import jax
    _d = setup_inputs()
    print(jax.jit(kernel)(*tuple(_d.values())))

</pallas_src>

<mosaic_0001>
#map = affine_map<(d0, d1) -> (0, 0, 0, 0)>
#map1 = affine_map<(d0, d1) -> (0, 0)>
module attributes {stable_mosaic.version = 14 : i64} {
  func.func @_sc_body(%arg0: i32, %arg1: i32, %arg2: memref<14x14x30x1024xf32, #tpu.memory_space<hbm>>, %arg3: memref<14x14x30x1024xf32, #tpu.memory_space<hbm>>, %arg4: memref<32x16xf32, #tpu.memory_space<hbm>>, %arg5: memref<30x512xf32, #tpu.memory_space<vmem>>, %arg6: memref<30x512xf32, #tpu.memory_space<vmem>>, %arg7: memref<30x512xf32, #tpu.memory_space<vmem>>, %arg8: memref<30x512xf32, #tpu.memory_space<vmem>>, %arg9: memref<16xf32, #tpu.memory_space<vmem>>, %arg10: memref<16xf32, #tpu.memory_space<vmem>>, %arg11: memref<!tpu.dma_semaphore, #tpu.memory_space<semaphore_mem>>, %arg12: memref<!tpu.dma_semaphore, #tpu.memory_space<semaphore_mem>>, %arg13: memref<!tpu.dma_semaphore, #tpu.memory_space<semaphore_mem>>) attributes {dimension_semantics = [#tpu.dimension_semantics<core_parallel>, #tpu.dimension_semantics<subcore_parallel>], iteration_bounds = array<i64: 2, 16>, scalar_prefetch = 0 : i64, scratch_operands = 9 : i64, tpu.core_type = #tpu.core_type<sc_vector_subcore>, window_params = [{transform_indices = #map}, {transform_indices = #map}, {transform_indices = #map1}]} {
    %mul3A = arith.constant 16 : i32
    %mul3A_0 = arith.muli %arg0, %mul3A : i32
    %add3A = arith.addi %mul3A_0, %arg1 : i32
    %lt3A = arith.constant 8 : i32
    %lt3A_1 = arith.cmpi slt, %add3A, %lt3A : i32
    %jit3A = arith.constant 13 : i32
    %jit3A_2 = arith.constant 12 : i32
    %select_n3A = arith.select %lt3A_1, %jit3A, %jit3A_2 : i32
    %mul3A_3 = arith.constant 12 : i32
    %mul3A_4 = arith.muli %add3A, %mul3A_3 : i32
    %min3A = arith.constant 8 : i32
    %min3A_5 = arith.minsi %add3A, %min3A : i32
    %add3A_6 = arith.addi %mul3A_4, %min3A_5 : i32
    %broadcast_in_dim3A = arith.constant 0.000000e+00 : f32
    %broadcast_in_dim3A_7 = vector.broadcast %broadcast_in_dim3A : f32 to vector<16xf32>
    %swap3A = arith.constant 0 : index
    %swap3A_8 = tpu.vector_load %arg10[%swap3A] {strides = array<i32>} : memref<16xf32, #tpu.memory_space<vmem>>, vector<16xf32>,
    tpu.vector_store %arg10[%swap3A], %broadcast_in_dim3A_7 {strides = array<i32>} : memref<16xf32, #tpu.memory_space<vmem>>, vector<16xf32>,
    %jit3A_9 = arith.constant 2 : i32
    %div3A = arith.divsi %add3A_6, %jit3A_9 : i32
    %sign3A = arith.constant 0 : i32
    %sign3A_10 = arith.cmpi sgt, %add3A_6, %sign3A : i32
    %sign3A_11 = arith.extui %sign3A_10 : i1 to i32
    %sign3A_12 = arith.constant 0 : i32
    %sign3A_13 = arith.cmpi slt, %add3A_6, %sign3A_12 : i32
    %sign3A_14 = arith.extui %sign3A_13 : i1 to i32
    %sign3A_15 = arith.subi %sign3A_11, %sign3A_14 : i32
    %sign3A_16 = arith.constant 0 : i32
    %sign3A_17 = arith.cmpi sgt, %jit3A_9, %sign3A_16 : i32
    %sign3A_18 = arith.extui %sign3A_17 : i1 to i32
    %sign3A_19 = arith.constant 0 : i32
    %sign3A_20 = arith.cmpi slt, %jit3A_9, %sign3A_19 : i32
    %sign3A_21 = arith.extui %sign3A_20 : i1 to i32
    %sign3A_22 = arith.subi %sign3A_18, %sign3A_21 : i32
    %ne3A = arith.cmpi ne, %sign3A_15, %sign3A_22 : i32
    %rem3A = arith.remsi %add3A_6, %jit3A_9 : i32
    %ne3A_23 = arith.constant 0 : i32
    %ne3A_24 = arith.cmpi ne, %rem3A, %ne3A_23 : i32
    %and3A = arith.andi %ne3A, %ne3A_24 : i1
    %sub3A = arith.constant 1 : i32
    %sub3A_25 = arith.subi %div3A, %sub3A : i32
    %select_n3A_26 = arith.select %and3A, %sub3A_25, %div3A : i32
    %mul3A_27 = arith.constant 2 : i32
    %mul3A_28 = arith.muli %select_n3A_26, %mul3A_27 : i32
    %sub3A_29 = arith.subi %add3A_6, %mul3A_28 : i32
    %jit3A_30 = arith.constant 14 : i32
    %div3A_31 = arith.divsi %select_n3A_26, %jit3A_30 : i32
    %sign3A_32 = arith.constant 0 : i32
    %sign3A_33 = arith.cmpi sgt, %select_n3A_26, %sign3A_32 : i32
    %sign3A_34 = arith.extui %sign3A_33 : i1 to i32
    %sign3A_35 = arith.constant 0 : i32
    %sign3A_36 = arith.cmpi slt, %select_n3A_26, %sign3A_35 : i32
    %sign3A_37 = arith.extui %sign3A_36 : i1 to i32
    %sign3A_38 = arith.subi %sign3A_34, %sign3A_37 : i32
    %sign3A_39 = arith.constant 0 : i32
    %sign3A_40 = arith.cmpi sgt, %jit3A_30, %sign3A_39 : i32
    %sign3A_41 = arith.extui %sign3A_40 : i1 to i32
    %sign3A_42 = arith.constant 0 : i32
    %sign3A_43 = arith.cmpi slt, %jit3A_30, %sign3A_42 : i32
    %sign3A_44 = arith.extui %sign3A_43 : i1 to i32
    %sign3A_45 = arith.subi %sign3A_41, %sign3A_44 : i32
    %ne3A_46 = arith.cmpi ne, %sign3A_38, %sign3A_45 : i32
    %rem3A_47 = arith.remsi %select_n3A_26, %jit3A_30 : i32
    %ne3A_48 = arith.constant 0 : i32
    %ne3A_49 = arith.cmpi ne, %rem3A_47, %ne3A_48 : i32
    %and3A_50 = arith.andi %ne3A_46, %ne3A_49 : i1
    %sub3A_51 = arith.constant 1 : i32
    %sub3A_52 = arith.subi %div3A_31, %sub3A_51 : i32
    %select_n3A_53 = arith.select %and3A_50, %sub3A_52, %div3A_31 : i32
    %mul3A_54 = arith.constant 14 : i32
    %mul3A_55 = arith.muli %select_n3A_53, %mul3A_54 : i32
    %sub3A_56 = arith.subi %select_n3A_26, %mul3A_55 : i32
    %mul3A_57 = arith.constant 512 : i32
    %mul3A_58 = arith.muli %sub3A_29, %mul3A_57 : i32
    %multiple_of3A = tpu.assume_multiple %mul3A_58, 128 : i32
    %dma_start3A = arith.constant 0 : i32
    %dma_start3A_59 = tpu.memref_slice %arg2[%select_n3A_53, %sub3A_56, %dma_start3A, %multiple_of3A] : memref<14x14x30x1024xf32, #tpu.memory_space<hbm>> -> memref<1x1x30x512xf32, #tpu.memory_space<hbm>>
    %dma_start3A_60 = tpu.memref_squeeze %dma_start3A_59 : memref<1x1x30x512xf32, #tpu.memory_space<hbm>> -> memref<30x512xf32, #tpu.memory_space<hbm>>
    %dma_start3A_61 = arith.constant 0 : i32
    %dma_start3A_62 = tpu.memref_slice %arg2[%select_n3A_53, %sub3A_56, %dma_start3A_61, %multiple_of3A] : memref<14x14x30x1024xf32, #tpu.memory_space<hbm>> -> memref<1x1x30x512xf32, #tpu.memory_space<hbm>>
    %dma_start3A_63 = tpu.memref_squeeze %dma_start3A_62 : memref<1x1x30x512xf32, #tpu.memory_space<hbm>> -> memref<30x512xf32, #tpu.memory_space<hbm>>
    tpu.enqueue_dma source(%dma_start3A_63 : memref<30x512xf32, #tpu.memory_space<hbm>>) target(%arg5 : memref<30x512xf32, #tpu.memory_space<vmem>>) target_semaphore(%arg11 : memref<!tpu.dma_semaphore, #tpu.memory_space<semaphore_mem>>)
    %dma_start3A_64 = arith.constant 0 : i32
    %dma_start3A_65 = tpu.memref_slice %arg3[%select_n3A_53, %sub3A_56, %dma_start3A_64, %multiple_of3A] : memref<14x14x30x1024xf32, #tpu.memory_space<hbm>> -> memref<1x1x30x512xf32, #tpu.memory_space<hbm>>
    %dma_start3A_66 = tpu.memref_squeeze %dma_start3A_65 : memref<1x1x30x512xf32, #tpu.memory_space<hbm>> -> memref<30x512xf32, #tpu.memory_space<hbm>>
    %dma_start3A_67 = arith.constant 0 : i32
    %dma_start3A_68 = tpu.memref_slice %arg3[%select_n3A_53, %sub3A_56, %dma_start3A_67, %multiple_of3A] : memref<14x14x30x1024xf32, #tpu.memory_space<hbm>> -> memref<1x1x30x512xf32, #tpu.memory_space<hbm>>
    %dma_start3A_69 = tpu.memref_squeeze %dma_start3A_68 : memref<1x1x30x512xf32, #tpu.memory_space<hbm>> -> memref<30x512xf32, #tpu.memory_space<hbm>>
    tpu.enqueue_dma source(%dma_start3A_69 : memref<30x512xf32, #tpu.memory_space<hbm>>) target(%arg6 : memref<30x512xf32, #tpu.memory_space<vmem>>) target_semaphore(%arg11 : memref<!tpu.dma_semaphore, #tpu.memory_space<semaphore_mem>>)
    %scan3A = arith.constant 0 : i32
    %scan3A_70 = arith.constant 6 : i32
    %scan3A_71 = arith.addi %scan3A, %scan3A_70 : i32
    %scan3A_72 = arith.constant 1 : i32
    scf.for %scan3A_93 = %scan3A to %scan3A_71 step %scan3A_72  : i32 {
      %mul3A_94 = arith.constant 2 : i32
      %mul3A_95 = arith.muli %scan3A_93, %mul3A_94 : i32
      %add3A_96 = arith.constant 0 : i32
      %add3A_97 = arith.addi %add3A_96, %mul3A_95 : i32
      %add3A_98 = arith.addi %add3A_6, %add3A_97 : i32
      %add3A_99 = arith.constant 1 : i32
      %add3A_100 = arith.addi %add3A_98, %add3A_99 : i32
      %jit3A_101 = arith.constant 2 : i32
      %div3A_102 = arith.divsi %add3A_100, %jit3A_101 : i32
      %sign3A_103 = arith.constant 0 : i32
      %sign3A_104 = arith.cmpi sgt, %add3A_100, %sign3A_103 : i32
      %sign3A_105 = arith.extui %sign3A_104 : i1 to i32
      %sign3A_106 = arith.constant 0 : i32
      %sign3A_107 = arith.cmpi slt, %add3A_100, %sign3A_106 : i32
      %sign3A_108 = arith.extui %sign3A_107 : i1 to i32
      %sign3A_109 = arith.subi %sign3A_105, %sign3A_108 : i32
      %sign3A_110 = arith.constant 0 : i32
      %sign3A_111 = arith.cmpi sgt, %jit3A_101, %sign3A_110 : i32
      %sign3A_112 = arith.extui %sign3A_111 : i1 to i32
      %sign3A_113 = arith.constant 0 : i32
      %sign3A_114 = arith.cmpi slt, %jit3A_101, %sign3A_113 : i32
      %sign3A_115 = arith.extui %sign3A_114 : i1 to i32
      %sign3A_116 = arith.subi %sign3A_112, %sign3A_115 : i32
      %ne3A_117 = arith.cmpi ne, %sign3A_109, %sign3A_116 : i32
      %rem3A_118 = arith.remsi %add3A_100, %jit3A_101 : i32
      %ne3A_119 = arith.constant 0 : i32
      %ne3A_120 = arith.cmpi ne, %rem3A_118, %ne3A_119 : i32
      %and3A_121 = arith.andi %ne3A_117, %ne3A_120 : i1
      %sub3A_122 = arith.constant 1 : i32
      %sub3A_123 = arith.subi %div3A_102, %sub3A_122 : i32
      %select_n3A_124 = arith.select %and3A_121, %sub3A_123, %div3A_102 : i32
      %mul3A_125 = arith.constant 2 : i32
      %mul3A_126 = arith.muli %select_n3A_124, %mul3A_125 : i32
      %sub3A_127 = arith.subi %add3A_100, %mul3A_126 : i32
      %jit3A_128 = arith.constant 14 : i32
      %div3A_129 = arith.divsi %select_n3A_124, %jit3A_128 : i32
      %sign3A_130 = arith.constant 0 : i32
      %sign3A_131 = arith.cmpi sgt, %select_n3A_124, %sign3A_130 : i32
      %sign3A_132 = arith.extui %sign3A_131 : i1 to i32
      %sign3A_133 = arith.constant 0 : i32
      %sign3A_134 = arith.cmpi slt, %select_n3A_124, %sign3A_133 : i32
      %sign3A_135 = arith.extui %sign3A_134 : i1 to i32
      %sign3A_136 = arith.subi %sign3A_132, %sign3A_135 : i32
      %sign3A_137 = arith.constant 0 : i32
      %sign3A_138 = arith.cmpi sgt, %jit3A_128, %sign3A_137 : i32
      %sign3A_139 = arith.extui %sign3A_138 : i1 to i32
      %sign3A_140 = arith.constant 0 : i32
      %sign3A_141 = arith.cmpi slt, %jit3A_128, %sign3A_140 : i32
      %sign3A_142 = arith.extui %sign3A_141 : i1 to i32
      %sign3A_143 = arith.subi %sign3A_139, %sign3A_142 : i32
      %ne3A_144 = arith.cmpi ne, %sign3A_136, %sign3A_143 : i32
      %rem3A_145 = arith.remsi %select_n3A_124, %jit3A_128 : i32
      %ne3A_146 = arith.constant 0 : i32
      %ne3A_147 = arith.cmpi ne, %rem3A_145, %ne3A_146 : i32
      %and3A_148 = arith.andi %ne3A_144, %ne3A_147 : i1
      %sub3A_149 = arith.constant 1 : i32
      %sub3A_150 = arith.subi %div3A_129, %sub3A_149 : i32
      %select_n3A_151 = arith.select %and3A_148, %sub3A_150, %div3A_129 : i32
      %mul3A_152 = arith.constant 14 : i32
      %mul3A_153 = arith.muli %select_n3A_151, %mul3A_152 : i32
      %sub3A_154 = arith.subi %select_n3A_124, %mul3A_153 : i32
      %mul3A_155 = arith.constant 512 : i32
      %mul3A_156 = arith.muli %sub3A_127, %mul3A_155 : i32
      %multiple_of3A_157 = tpu.assume_multiple %mul3A_156, 128 : i32
      %dma_start3A_158 = arith.constant 0 : i32
      %dma_start3A_159 = tpu.memref_slice %arg2[%select_n3A_151, %sub3A_154, %dma_start3A_158, %multiple_of3A_157] : memref<14x14x30x1024xf32, #tpu.memory_space<hbm>> -> memref<1x1x30x512xf32, #tpu.memory_space<hbm>>
      %dma_start3A_160 = tpu.memref_squeeze %dma_start3A_159 : memref<1x1x30x512xf32, #tpu.memory_space<hbm>> -> memref<30x512xf32, #tpu.memory_space<hbm>>
      %dma_start3A_161 = arith.constant 0 : i32
      %dma_start3A_162 = tpu.memref_slice %arg2[%select_n3A_151, %sub3A_154, %dma_start3A_161, %multiple_of3A_157] : memref<14x14x30x1024xf32, #tpu.memory_space<hbm>> -> memref<1x1x30x512xf32, #tpu.memory_space<hbm>>
      %dma_start3A_163 = tpu.memref_squeeze %dma_start3A_162 : memref<1x1x30x512xf32, #tpu.memory_space<hbm>> -> memref<30x512xf32, #tpu.memory_space<hbm>>
      tpu.enqueue_dma source(%dma_start3A_163 : memref<30x512xf32, #tpu.memory_space<hbm>>) target(%arg7 : memref<30x512xf32, #tpu.memory_space<vmem>>) target_semaphore(%arg12 : memref<!tpu.dma_semaphore, #tpu.memory_space<semaphore_mem>>)
      %dma_start3A_164 = arith.constant 0 : i32
      %dma_start3A_165 = tpu.memref_slice %arg3[%select_n3A_151, %sub3A_154, %dma_start3A_164, %multiple_of3A_157] : memref<14x14x30x1024xf32, #tpu.memory_space<hbm>> -> memref<1x1x30x512xf32, #tpu.memory_space<hbm>>
      %dma_start3A_166 = tpu.memref_squeeze %dma_start3A_165 : memref<1x1x30x512xf32, #tpu.memory_space<hbm>> -> memref<30x512xf32, #tpu.memory_space<hbm>>
      %dma_start3A_167 = arith.constant 0 : i32
      %dma_start3A_168 = tpu.memref_slice %arg3[%select_n3A_151, %sub3A_154, %dma_start3A_167, %multiple_of3A_157] : memref<14x14x30x1024xf32, #tpu.memory_space<hbm>> -> memref<1x1x30x512xf32, #tpu.memory_space<hbm>>
      %dma_start3A_169 = tpu.memref_squeeze %dma_start3A_168 : memref<1x1x30x512xf32, #tpu.memory_space<hbm>> -> memref<30x512xf32, #tpu.memory_space<hbm>>
      tpu.enqueue_dma source(%dma_start3A_169 : memref<30x512xf32, #tpu.memory_space<hbm>>) target(%arg8 : memref<30x512xf32, #tpu.memory_space<vmem>>) target_semaphore(%arg12 : memref<!tpu.dma_semaphore, #tpu.memory_space<semaphore_mem>>)
      %jit3A_170 = arith.constant 2 : i32
      %div3A_171 = arith.divsi %add3A_98, %jit3A_170 : i32
      %sign3A_172 = arith.constant 0 : i32
      %sign3A_173 = arith.cmpi sgt, %add3A_98, %sign3A_172 : i32
      %sign3A_174 = arith.extui %sign3A_173 : i1 to i32
      %sign3A_175 = arith.constant 0 : i32
      %sign3A_176 = arith.cmpi slt, %add3A_98, %sign3A_175 : i32
      %sign3A_177 = arith.extui %sign3A_176 : i1 to i32
      %sign3A_178 = arith.subi %sign3A_174, %sign3A_177 : i32
      %sign3A_179 = arith.constant 0 : i32
      %sign3A_180 = arith.cmpi sgt, %jit3A_170, %sign3A_179 : i32
      %sign3A_181 = arith.extui %sign3A_180 : i1 to i32
      %sign3A_182 = arith.constant 0 : i32
      %sign3A_183 = arith.cmpi slt, %jit3A_170, %sign3A_182 : i32
      %sign3A_184 = arith.extui %sign3A_183 : i1 to i32
      %sign3A_185 = arith.subi %sign3A_181, %sign3A_184 : i32
      %ne3A_186 = arith.cmpi ne, %sign3A_178, %sign3A_185 : i32
      %rem3A_187 = arith.remsi %add3A_98, %jit3A_170 : i32
      %ne3A_188 = arith.constant 0 : i32
      %ne3A_189 = arith.cmpi ne, %rem3A_187, %ne3A_188 : i32
      %and3A_190 = arith.andi %ne3A_186, %ne3A_189 : i1
      %sub3A_191 = arith.constant 1 : i32
      %sub3A_192 = arith.subi %div3A_171, %sub3A_191 : i32
      %select_n3A_193 = arith.select %and3A_190, %sub3A_192, %div3A_171 : i32
      %mul3A_194 = arith.constant 2 : i32
      %mul3A_195 = arith.muli %select_n3A_193, %mul3A_194 : i32
      %sub3A_196 = arith.subi %add3A_98, %mul3A_195 : i32
      %jit3A_197 = arith.constant 14 : i32
      %div3A_198 = arith.divsi %select_n3A_193, %jit3A_197 : i32
      %sign3A_199 = arith.constant 0 : i32
      %sign3A_200 = arith.cmpi sgt, %select_n3A_193, %sign3A_199 : i32
      %sign3A_201 = arith.extui %sign3A_200 : i1 to i32
      %sign3A_202 = arith.constant 0 : i32
      %sign3A_203 = arith.cmpi slt, %select_n3A_193, %sign3A_202 : i32
      %sign3A_204 = arith.extui %sign3A_203 : i1 to i32
      %sign3A_205 = arith.subi %sign3A_201, %sign3A_204 : i32
      %sign3A_206 = arith.constant 0 : i32
      %sign3A_207 = arith.cmpi sgt, %jit3A_197, %sign3A_206 : i32
      %sign3A_208 = arith.extui %sign3A_207 : i1 to i32
      %sign3A_209 = arith.constant 0 : i32
      %sign3A_210 = arith.cmpi slt, %jit3A_197, %sign3A_209 : i32
      %sign3A_211 = arith.extui %sign3A_210 : i1 to i32
      %sign3A_212 = arith.subi %sign3A_208, %sign3A_211 : i32
      %ne3A_213 = arith.cmpi ne, %sign3A_205, %sign3A_212 : i32
      %rem3A_214 = arith.remsi %select_n3A_193, %jit3A_197 : i32
      %ne3A_215 = arith.constant 0 : i32
      %ne3A_216 = arith.cmpi ne, %rem3A_214, %ne3A_215 : i32
      %and3A_217 = arith.andi %ne3A_213, %ne3A_216 : i1
      %sub3A_218 = arith.constant 1 : i32
      %sub3A_219 = arith.subi %div3A_198, %sub3A_218 : i32
      %select_n3A_220 = arith.select %and3A_217, %sub3A_219, %div3A_198 : i32
      %mul3A_221 = arith.constant 14 : i32
      %mul3A_222 = arith.muli %select_n3A_220, %mul3A_221 : i32
      %sub3A_223 = arith.subi %select_n3A_193, %mul3A_222 : i32
      %mul3A_224 = arith.constant 512 : i32
      %mul3A_225 = arith.muli %sub3A_196, %mul3A_224 : i32
      %multiple_of3A_226 = tpu.assume_multiple %mul3A_225, 128 : i32
      %dma_wait3A_227 = arith.constant 0 : i32
      %dma_wait3A_228 = tpu.memref_slice %arg2[%select_n3A_220, %sub3A_223, %dma_wait3A_227, %multiple_of3A_226] : memref<14x14x30x1024xf32, #tpu.memory_space<hbm>> -> memref<1x1x30x512xf32, #tpu.memory_space<hbm>>
      %dma_wait3A_229 = tpu.memref_squeeze %dma_wait3A_228 : memref<1x1x30x512xf32, #tpu.memory_space<hbm>> -> memref<30x512xf32, #tpu.memory_space<hbm>>
      %dma_wait3A_230 = arith.constant 0 : i32
      %dma_wait3A_231 = tpu.memref_slice %arg2[%select_n3A_220, %sub3A_223, %dma_wait3A_230, %multiple_of3A_226] : memref<14x14x30x1024xf32, #tpu.memory_space<hbm>> -> memref<1x1x30x512xf32, #tpu.memory_space<hbm>>
      %dma_wait3A_232 = tpu.memref_squeeze %dma_wait3A_231 : memref<1x1x30x512xf32, #tpu.memory_space<hbm>> -> memref<30x512xf32, #tpu.memory_space<hbm>>
      tpu.wait_dma2 semaphore(%arg11 : memref<!tpu.dma_semaphore, #tpu.memory_space<semaphore_mem>>) src(%dma_wait3A_232 : memref<30x512xf32, #tpu.memory_space<hbm>>) dst(%arg5 : memref<30x512xf32, #tpu.memory_space<vmem>>)
      %dma_wait3A_233 = arith.constant 0 : i32
      %dma_wait3A_234 = tpu.memref_slice %arg3[%select_n3A_220, %sub3A_223, %dma_wait3A_233, %multiple_of3A_226] : memref<14x14x30x1024xf32, #tpu.memory_space<hbm>> -> memref<1x1x30x512xf32, #tpu.memory_space<hbm>>
      %dma_wait3A_235 = tpu.memref_squeeze %dma_wait3A_234 : memref<1x1x30x512xf32, #tpu.memory_space<hbm>> -> memref<30x512xf32, #tpu.memory_space<hbm>>
      %dma_wait3A_236 = arith.constant 0 : i32
      %dma_wait3A_237 = tpu.memref_slice %arg3[%select_n3A_220, %sub3A_223, %dma_wait3A_236, %multiple_of3A_226] : memref<14x14x30x1024xf32, #tpu.memory_space<hbm>> -> memref<1x1x30x512xf32, #tpu.memory_space<hbm>>
      %dma_wait3A_238 = tpu.memref_squeeze %dma_wait3A_237 : memref<1x1x30x512xf32, #tpu.memory_space<hbm>> -> memref<30x512xf32, #tpu.memory_space<hbm>>
      tpu.wait_dma2 semaphore(%arg11 : memref<!tpu.dma_semaphore, #tpu.memory_space<semaphore_mem>>) src(%dma_wait3A_238 : memref<30x512xf32, #tpu.memory_space<hbm>>) dst(%arg6 : memref<30x512xf32, #tpu.memory_space<vmem>>)
      %scan3A_239 = arith.constant 0 : i32
      %scan3A_240 = arith.constant 32 : i32
      %scan3A_241 = arith.addi %scan3A_239, %scan3A_240 : i32
      %scan3A_242 = arith.constant 1 : i32
      scf.for %scan3A_326 = %scan3A_239 to %scan3A_241 step %scan3A_242  : i32 {
        %mul3A_327 = arith.constant 1 : i32
        %mul3A_328 = arith.muli %scan3A_326, %mul3A_327 : i32
        %add3A_329 = arith.constant 0 : i32
        %add3A_330 = arith.addi %add3A_329, %mul3A_328 : i32
        %mul3A_331 = arith.constant 16 : i32
        %mul3A_332 = arith.muli %add3A_330, %mul3A_331 : i32
        %get3A_333 = arith.constant 4 : i32
        %get3A_334 = arith.index_cast %get3A_333 : i32 to index
        %get3A_335 = arith.index_cast %mul3A_332 : i32 to index
        %get3A_336 = tpu.vector_load %arg6[%get3A_334, %get3A_335] {strides = array<i32>} : memref<30x512xf32, #tpu.memory_space<vmem>>, vector<16xf32>,
        %gt3A = arith.constant 0.000000e+00 : f32
        %gt3A_337 = vector.broadcast %gt3A : f32 to vector<16xf32>
        %gt3A_338 = arith.cmpf ogt, %get3A_336, %gt3A_337 : vector<16xf32>
        %convert_element_type3A_339 = arith.extui %gt3A_338 : vector<16xi1> to vector<16xi32>
        %convert_element_type3A_340 = arith.sitofp %convert_element_type3A_339 : vector<16xi32> to vector<16xf32>
        %sub3A_341 = arith.constant 1.000000e+00 : f32
        %sub3A_342 = vector.broadcast %sub3A_341 : f32 to vector<16xf32>
        %sub3A_343 = arith.subf %sub3A_342, %convert_element_type3A_340 : vector<16xf32>
        %get3A_344 = arith.constant 4 : i32
        %get3A_345 = arith.index_cast %get3A_344 : i32 to index
        %get3A_346 = arith.index_cast %mul3A_332 : i32 to index
        %get3A_347 = tpu.vector_load %arg5[%get3A_345, %get3A_346] {strides = array<i32>} : memref<30x512xf32, #tpu.memory_space<vmem>>, vector<16xf32>,
        %get3A_348 = arith.constant 9 : i32
        %get3A_349 = arith.index_cast %get3A_348 : i32 to index
        %get3A_350 = arith.index_cast %mul3A_332 : i32 to index
        %get3A_351 = tpu.vector_load %arg5[%get3A_349, %get3A_350] {strides = array<i32>} : memref<30x512xf32, #tpu.memory_space<vmem>>, vector<16xf32>,
        %get3A_352 = arith.constant 9 : i32
        %get3A_353 = arith.index_cast %get3A_352 : i32 to index
        %get3A_354 = arith.index_cast %mul3A_332 : i32 to index
        %get3A_355 = tpu.vector_load %arg6[%get3A_353, %get3A_354] {strides = array<i32>} : memref<30x512xf32, #tpu.memory_space<vmem>>, vector<16xf32>,
        %sub3A_356 = arith.subf %get3A_347, %get3A_336 : vector<16xf32>
        %sub3A_357 = arith.subf %get3A_351, %get3A_355 : vector<16xf32>
        %mul3A_358 = arith.mulf %sub3A_356, %sub3A_356 : vector<16xf32>
        %mul3A_359 = arith.mulf %sub3A_357, %sub3A_357 : vector<16xf32>
        %add3A_360 = arith.addf %mul3A_358, %mul3A_359 : vector<16xf32>
        %mul3A_361 = arith.mulf %sub3A_343, %add3A_360 : vector<16xf32>
        %get3A_362 = arith.constant 0 : i32
        %get3A_363 = arith.index_cast %get3A_362 : i32 to index
        %get3A_364 = arith.index_cast %mul3A_332 : i32 to index
        %get3A_365 = tpu.vector_load %arg5[%get3A_363, %get3A_364] {strides = array<i32>} : memref<30x512xf32, #tpu.memory_space<vmem>>, vector<16xf32>,
        %get3A_366 = arith.constant 1 : i32
        %get3A_367 = arith.index_cast %get3A_366 : i32 to index
        %get3A_368 = arith.index_cast %mul3A_332 : i32 to index
        %get3A_369 = tpu.vector_load %arg5[%get3A_367, %get3A_368] {strides = array<i32>} : memref<30x512xf32, #tpu.memory_space<vmem>>, vector<16xf32>,
        %get3A_370 = arith.constant 2 : i32
        %get3A_371 = arith.index_cast %get3A_370 : i32 to index
        %get3A_372 = arith.index_cast %mul3A_332 : i32 to index
        %get3A_373 = tpu.vector_load %arg5[%get3A_371, %get3A_372] {strides = array<i32>} : memref<30x512xf32, #tpu.memory_space<vmem>>, vector<16xf32>,
        %get3A_374 = arith.constant 3 : i32
        %get3A_375 = arith.index_cast %get3A_374 : i32 to index
        %get3A_376 = arith.index_cast %mul3A_332 : i32 to index
        %get3A_377 = tpu.vector_load %arg5[%get3A_375, %get3A_376] {strides = array<i32>} : memref<30x512xf32, #tpu.memory_space<vmem>>, vector<16xf32>,
        %get3A_378 = arith.constant 5 : i32
        %get3A_379 = arith.index_cast %get3A_378 : i32 to index
        %get3A_380 = arith.index_cast %mul3A_332 : i32 to index
        %get3A_381 = tpu.vector_load %arg5[%get3A_379, %get3A_380] {strides = array<i32>} : memref<30x512xf32, #tpu.memory_space<vmem>>, vector<16xf32>,
        %get3A_382 = arith.constant 6 : i32
        %get3A_383 = arith.index_cast %get3A_382 : i32 to index
        %get3A_384 = arith.index_cast %mul3A_332 : i32 to index
        %get3A_385 = tpu.vector_load %arg5[%get3A_383, %get3A_384] {strides = array<i32>} : memref<30x512xf32, #tpu.memory_space<vmem>>, vector<16xf32>,
        %get3A_386 = arith.constant 7 : i32
        %get3A_387 = arith.index_cast %get3A_386 : i32 to index
        %get3A_388 = arith.index_cast %mul3A_332 : i32 to index
        %get3A_389 = tpu.vector_load %arg5[%get3A_387, %get3A_388] {strides = array<i32>} : memref<30x512xf32, #tpu.memory_space<vmem>>, vector<16xf32>,
        %get3A_390 = arith.constant 8 : i32
        %get3A_391 = arith.index_cast %get3A_390 : i32 to index
        %get3A_392 = arith.index_cast %mul3A_332 : i32 to index
        %get3A_393 = tpu.vector_load %arg5[%get3A_391, %get3A_392] {strides = array<i32>} : memref<30x512xf32, #tpu.memory_space<vmem>>, vector<16xf32>,
        %get3A_394 = arith.constant 0 : i32
        %get3A_395 = arith.index_cast %get3A_394 : i32 to index
        %get3A_396 = arith.index_cast %mul3A_332 : i32 to index
        %get3A_397 = tpu.vector_load %arg6[%get3A_395, %get3A_396] {strides = array<i32>} : memref<30x512xf32, #tpu.memory_space<vmem>>, vector<16xf32>,
        %get3A_398 = arith.constant 1 : i32
        %get3A_399 = arith.index_cast %get3A_398 : i32 to index
        %get3A_400 = arith.index_cast %mul3A_332 : i32 to index
        %get3A_401 = tpu.vector_load %arg6[%get3A_399, %get3A_400] {strides = array<i32>} : memref<30x512xf32, #tpu.memory_space<vmem>>, vector<16xf32>,
        %get3A_402 = arith.constant 2 : i32
        %get3A_403 = arith.index_cast %get3A_402 : i32 to index
        %get3A_404 = arith.index_cast %mul3A_332 : i32 to index
        %get3A_405 = tpu.vector_load %arg6[%get3A_403, %get3A_404] {strides = array<i32>} : memref<30x512xf32, #tpu.memory_space<vmem>>, vector<16xf32>,
        %get3A_406 = arith.constant 3 : i32
        %get3A_407 = arith.index_cast %get3A_406 : i32 to index
        %get3A_408 = arith.index_cast %mul3A_332 : i32 to index
        %get3A_409 = tpu.vector_load %arg6[%get3A_407, %get3A_408] {strides = array<i32>} : memref<30x512xf32, #tpu.memory_space<vmem>>, vector<16xf32>,
        %mul3A_410 = arith.constant 6.400000e+01 : f32
        %mul3A_411 = vector.broadcast %mul3A_410 : f32 to vector<16xf32>
        %mul3A_412 = arith.mulf %get3A_397, %mul3A_411 : vector<16xf32>
        %mul3A_413 = arith.constant 2.240000e+02 : f32
        %mul3A_414 = vector.broadcast %mul3A_413 : f32 to vector<16xf32>
        %mul3A_415 = arith.mulf %get3A_405, %mul3A_414 : vector<16xf32>
        %sub3A_416 = arith.subf %mul3A_412, %mul3A_415 : vector<16xf32>
        %mul3A_417 = arith.constant 6.400000e+01 : f32
        %mul3A_418 = vector.broadcast %mul3A_417 : f32 to vector<16xf32>
        %mul3A_419 = arith.mulf %get3A_397, %mul3A_418 : vector<16xf32>
        %mul3A_420 = arith.constant 2.240000e+02 : f32
        %mul3A_421 = vector.broadcast %mul3A_420 : f32 to vector<16xf32>
        %mul3A_422 = arith.mulf %get3A_405, %mul3A_421 : vector<16xf32>
        %add3A_423 = arith.addf %mul3A_419, %mul3A_422 : vector<16xf32>
        %mul3A_424 = arith.constant 6.400000e+01 : f32
        %mul3A_425 = vector.broadcast %mul3A_424 : f32 to vector<16xf32>
        %mul3A_426 = arith.mulf %get3A_401, %mul3A_425 : vector<16xf32>
        %mul3A_427 = arith.constant 2.240000e+02 : f32
        %mul3A_428 = vector.broadcast %mul3A_427 : f32 to vector<16xf32>
        %mul3A_429 = arith.mulf %get3A_409, %mul3A_428 : vector<16xf32>
        %sub3A_430 = arith.subf %mul3A_426, %mul3A_429 : vector<16xf32>
        %mul3A_431 = arith.constant 6.400000e+01 : f32
        %mul3A_432 = vector.broadcast %mul3A_431 : f32 to vector<16xf32>
        %mul3A_433 = arith.mulf %get3A_401, %mul3A_432 : vector<16xf32>
        %mul3A_434 = arith.constant 2.240000e+02 : f32
        %mul3A_435 = vector.broadcast %mul3A_434 : f32 to vector<16xf32>
        %mul3A_436 = arith.mulf %get3A_409, %mul3A_435 : vector<16xf32>
        %add3A_437 = arith.addf %mul3A_433, %mul3A_436 : vector<16xf32>
        %sub3A_438 = arith.subf %add3A_423, %sub3A_416 : vector<16xf32>
        %sub3A_439 = arith.subf %add3A_437, %sub3A_430 : vector<16xf32>
        %mul3A_440 = arith.mulf %sub3A_438, %sub3A_439 : vector<16xf32>
        %mul3A_441 = arith.constant 6.400000e+01 : f32
        %mul3A_442 = vector.broadcast %mul3A_441 : f32 to vector<16xf32>
        %mul3A_443 = arith.mulf %get3A_365, %mul3A_442 : vector<16xf32>
        %mul3A_444 = arith.constant 2.240000e+02 : f32
        %mul3A_445 = vector.broadcast %mul3A_444 : f32 to vector<16xf32>
        %mul3A_446 = arith.mulf %get3A_373, %mul3A_445 : vector<16xf32>
        %sub3A_447 = arith.subf %mul3A_443, %mul3A_446 : vector<16xf32>
        %mul3A_448 = arith.constant 6.400000e+01 : f32
        %mul3A_449 = vector.broadcast %mul3A_448 : f32 to vector<16xf32>
        %mul3A_450 = arith.mulf %get3A_365, %mul3A_449 : vector<16xf32>
        %mul3A_451 = arith.constant 2.240000e+02 : f32
        %mul3A_452 = vector.broadcast %mul3A_451 : f32 to vector<16xf32>
        %mul3A_453 = arith.mulf %get3A_373, %mul3A_452 : vector<16xf32>
        %add3A_454 = arith.addf %mul3A_450, %mul3A_453 : vector<16xf32>
        %mul3A_455 = arith.constant 6.400000e+01 : f32
        %mul3A_456 = vector.broadcast %mul3A_455 : f32 to vector<16xf32>
        %mul3A_457 = arith.mulf %get3A_369, %mul3A_456 : vector<16xf32>
        %mul3A_458 = arith.constant 2.240000e+02 : f32
        %mul3A_459 = vector.broadcast %mul3A_458 : f32 to vector<16xf32>
        %mul3A_460 = arith.mulf %get3A_377, %mul3A_459 : vector<16xf32>
        %sub3A_461 = arith.subf %mul3A_457, %mul3A_460 : vector<16xf32>
        %mul3A_462 = arith.constant 6.400000e+01 : f32
        %mul3A_463 = vector.broadcast %mul3A_462 : f32 to vector<16xf32>
        %mul3A_464 = arith.mulf %get3A_369, %mul3A_463 : vector<16xf32>
        %mul3A_465 = arith.constant 2.240000e+02 : f32
        %mul3A_466 = vector.broadcast %mul3A_465 : f32 to vector<16xf32>
        %mul3A_467 = arith.mulf %get3A_377, %mul3A_466 : vector<16xf32>
        %add3A_468 = arith.addf %mul3A_464, %mul3A_467 : vector<16xf32>
        %min3A_469 = arith.minimumf %add3A_454, %add3A_423 : vector<16xf32>
        %max3A = arith.maximumf %sub3A_447, %sub3A_416 : vector<16xf32>
        %sub3A_470 = arith.subf %min3A_469, %max3A : vector<16xf32>
        %max3A_471 = arith.constant 0.000000e+00 : f32
        %max3A_472 = vector.broadcast %max3A_471 : f32 to vector<16xf32>
        %max3A_473 = arith.maximumf %sub3A_470, %max3A_472 : vector<16xf32>
        %min3A_474 = arith.minimumf %add3A_468, %add3A_437 : vector<16xf32>
        %max3A_475 = arith.maximumf %sub3A_461, %sub3A_430 : vector<16xf32>
        %sub3A_476 = arith.subf %min3A_474, %max3A_475 : vector<16xf32>
        %max3A_477 = arith.constant 0.000000e+00 : f32
        %max3A_478 = vector.broadcast %max3A_477 : f32 to vector<16xf32>
        %max3A_479 = arith.maximumf %sub3A_476, %max3A_478 : vector<16xf32>
        %mul3A_480 = arith.mulf %max3A_473, %max3A_479 : vector<16xf32>
        %sub3A_481 = arith.subf %add3A_454, %sub3A_447 : vector<16xf32>
        %sub3A_482 = arith.subf %add3A_468, %sub3A_461 : vector<16xf32>
        %mul3A_483 = arith.mulf %sub3A_481, %sub3A_482 : vector<16xf32>
        %add3A_484 = arith.addf %mul3A_483, %mul3A_440 : vector<16xf32>
        %sub3A_485 = arith.subf %add3A_484, %mul3A_480 : vector<16xf32>
        %div3A_486 = arith.divf %mul3A_480, %sub3A_485 : vector<16xf32>
        %mul3A_487 = arith.constant 6.400000e+01 : f32
        %mul3A_488 = vector.broadcast %mul3A_487 : f32 to vector<16xf32>
        %mul3A_489 = arith.mulf %get3A_381, %mul3A_488 : vector<16xf32>
        %mul3A_490 = arith.constant 2.240000e+02 : f32
        %mul3A_491 = vector.broadcast %mul3A_490 : f32 to vector<16xf32>
        %mul3A_492 = arith.mulf %get3A_389, %mul3A_491 : vector<16xf32>
        %sub3A_493 = arith.subf %mul3A_489, %mul3A_492 : vector<16xf32>
        %mul3A_494 = arith.constant 6.400000e+01 : f32
        %mul3A_495 = vector.broadcast %mul3A_494 : f32 to vector<16xf32>
        %mul3A_496 = arith.mulf %get3A_381, %mul3A_495 : vector<16xf32>
        %mul3A_497 = arith.constant 2.240000e+02 : f32
        %mul3A_498 = vector.broadcast %mul3A_497 : f32 to vector<16xf32>
        %mul3A_499 = arith.mulf %get3A_389, %mul3A_498 : vector<16xf32>
        %add3A_500 = arith.addf %mul3A_496, %mul3A_499 : vector<16xf32>
        %mul3A_501 = arith.constant 6.400000e+01 : f32
        %mul3A_502 = vector.broadcast %mul3A_501 : f32 to vector<16xf32>
        %mul3A_503 = arith.mulf %get3A_385, %mul3A_502 : vector<16xf32>
        %mul3A_504 = arith.constant 2.240000e+02 : f32
        %mul3A_505 = vector.broadcast %mul3A_504 : f32 to vector<16xf32>
        %mul3A_506 = arith.mulf %get3A_393, %mul3A_505 : vector<16xf32>
        %sub3A_507 = arith.subf %mul3A_503, %mul3A_506 : vector<16xf32>
        %mul3A_508 = arith.constant 6.400000e+01 : f32
        %mul3A_509 = vector.broadcast %mul3A_508 : f32 to vector<16xf32>
        %mul3A_510 = arith.mulf %get3A_385, %mul3A_509 : vector<16xf32>
        %mul3A_511 = arith.constant 2.240000e+02 : f32
        %mul3A_512 = vector.broadcast %mul3A_511 : f32 to vector<16xf32>
        %mul3A_513 = arith.mulf %get3A_393, %mul3A_512 : vector<16xf32>
        %add3A_514 = arith.addf %mul3A_510, %mul3A_513 : vector<16xf32>
        %min3A_515 = arith.minimumf %add3A_500, %add3A_423 : vector<16xf32>
        %max3A_516 = arith.maximumf %sub3A_493, %sub3A_416 : vector<16xf32>
        %sub3A_517 = arith.subf %min3A_515, %max3A_516 : vector<16xf32>
        %max3A_518 = arith.constant 0.000000e+00 : f32
        %max3A_519 = vector.broadcast %max3A_518 : f32 to vector<16xf32>
        %max3A_520 = arith.maximumf %sub3A_517, %max3A_519 : vector<16xf32>
        %min3A_521 = arith.minimumf %add3A_514, %add3A_437 : vector<16xf32>
        %max3A_522 = arith.maximumf %sub3A_507, %sub3A_430 : vector<16xf32>
        %sub3A_523 = arith.subf %min3A_521, %max3A_522 : vector<16xf32>
        %max3A_524 = arith.constant 0.000000e+00 : f32
        %max3A_525 = vector.broadcast %max3A_524 : f32 to vector<16xf32>
        %max3A_526 = arith.maximumf %sub3A_523, %max3A_525 : vector<16xf32>
        %mul3A_527 = arith.mulf %max3A_520, %max3A_526 : vector<16xf32>
        %sub3A_528 = arith.subf %add3A_500, %sub3A_493 : vector<16xf32>
        %sub3A_529 = arith.subf %add3A_514, %sub3A_507 : vector<16xf32>
        %mul3A_530 = arith.mulf %sub3A_528, %sub3A_529 : vector<16xf32>
        %add3A_531 = arith.addf %mul3A_530, %mul3A_440 : vector<16xf32>
        %sub3A_532 = arith.subf %add3A_531, %mul3A_527 : vector<16xf32>
        %div3A_533 = arith.divf %mul3A_527, %sub3A_532 : vector<16xf32>
        %ge3A = arith.cmpf oge, %div3A_486, %div3A_533 : vector<16xf32>
        %max3A_534 = arith.maximumf %div3A_486, %div3A_533 : vector<16xf32>
        %select_n3A_535 = arith.select %ge3A, %get3A_347, %get3A_351 : vector<16xi1>, vector<16xf32>
        %select_n3A_536 = arith.select %ge3A, %get3A_351, %get3A_347 : vector<16xi1>, vector<16xf32>
        %sub3A_537 = arith.subf %select_n3A_535, %max3A_534 : vector<16xf32>
        %mul3A_538 = arith.mulf %convert_element_type3A_340, %sub3A_537 : vector<16xf32>
        %mul3A_539 = arith.mulf %mul3A_538, %sub3A_537 : vector<16xf32>
        %mul3A_540 = arith.mulf %convert_element_type3A_340, %select_n3A_536 : vector<16xf32>
        %mul3A_541 = arith.mulf %mul3A_540, %select_n3A_536 : vector<16xf32>
        %get3A_542 = arith.constant 5 : i32
        %get3A_543 = arith.index_cast %get3A_542 : i32 to index
        %get3A_544 = arith.index_cast %mul3A_332 : i32 to index
        %get3A_545 = tpu.vector_load %arg6[%get3A_543, %get3A_544] {strides = array<i32>} : memref<30x512xf32, #tpu.memory_space<vmem>>, vector<16xf32>,
        %get3A_546 = arith.constant 6 : i32
        %get3A_547 = arith.index_cast %get3A_546 : i32 to index
        %get3A_548 = arith.index_cast %mul3A_332 : i32 to index
        %get3A_549 = tpu.vector_load %arg6[%get3A_547, %get3A_548] {strides = array<i32>} : memref<30x512xf32, #tpu.memory_space<vmem>>, vector<16xf32>,
        %select_n3A_550 = arith.select %ge3A, %get3A_365, %get3A_381 : vector<16xi1>, vector<16xf32>
        %select_n3A_551 = arith.select %ge3A, %get3A_397, %get3A_545 : vector<16xi1>, vector<16xf32>
        %sub3A_552 = arith.subf %select_n3A_550, %select_n3A_551 : vector<16xf32>
        %select_n3A_553 = arith.select %ge3A, %get3A_369, %get3A_385 : vector<16xi1>, vector<16xf32>
        %select_n3A_554 = arith.select %ge3A, %get3A_401, %get3A_549 : vector<16xi1>, vector<16xf32>
        %sub3A_555 = arith.subf %select_n3A_553, %select_n3A_554 : vector<16xf32>
        %mul3A_556 = arith.mulf %sub3A_552, %sub3A_552 : vector<16xf32>
        %mul3A_557 = arith.mulf %sub3A_555, %sub3A_555 : vector<16xf32>
        %add3A_558 = arith.addf %mul3A_556, %mul3A_557 : vector<16xf32>
        %get3A_559 = arith.constant 7 : i32
        %get3A_560 = arith.index_cast %get3A_559 : i32 to index
        %get3A_561 = arith.index_cast %mul3A_332 : i32 to index
        %get3A_562 = tpu.vector_load %arg6[%get3A_560, %get3A_561] {strides = array<i32>} : memref<30x512xf32, #tpu.memory_space<vmem>>, vector<16xf32>,
        %get3A_563 = arith.constant 8 : i32
        %get3A_564 = arith.index_cast %get3A_563 : i32 to index
        %get3A_565 = arith.index_cast %mul3A_332 : i32 to index
        %get3A_566 = tpu.vector_load %arg6[%get3A_564, %get3A_565] {strides = array<i32>} : memref<30x512xf32, #tpu.memory_space<vmem>>, vector<16xf32>,
        %select_n3A_567 = arith.select %ge3A, %get3A_373, %get3A_389 : vector<16xi1>, vector<16xf32>
        %select_n3A_568 = arith.select %ge3A, %get3A_405, %get3A_562 : vector<16xi1>, vector<16xf32>
        %select_n3A_569 = arith.select %ge3A, %get3A_377, %get3A_393 : vector<16xi1>, vector<16xf32>
        %select_n3A_570 = arith.select %ge3A, %get3A_409, %get3A_566 : vector<16xi1>, vector<16xf32>
        %add3A_571 = arith.addf %add3A_558, %select_n3A_567 : vector<16xf32>
        %add3A_572 = arith.addf %add3A_571, %select_n3A_568 : vector<16xf32>
        %mul3A_573 = arith.mulf %select_n3A_567, %select_n3A_568 : vector<16xf32>
        %bitcast3A = vector.bitcast %mul3A_573 : vector<16xf32> to vector<16xi32>
        %shift_right_arithmetic3A = arith.constant 1 : i32
        %shift_right_arithmetic3A_574 = vector.broadcast %shift_right_arithmetic3A : i32 to vector<16xi32>
        %shift_right_arithmetic3A_575 = arith.shrsi %bitcast3A, %shift_right_arithmetic3A_574 : vector<16xi32>
        %sub3A_576 = arith.constant 1597463007 : i32
        %sub3A_577 = vector.broadcast %sub3A_576 : i32 to vector<16xi32>
        %sub3A_578 = arith.subi %sub3A_577, %shift_right_arithmetic3A_575 : vector<16xi32>
        %bitcast3A_579 = vector.bitcast %sub3A_578 : vector<16xi32> to vector<16xf32>
        %mul3A_580 = arith.constant 5.000000e-01 : f32
        %mul3A_581 = vector.broadcast %mul3A_580 : f32 to vector<16xf32>
        %mul3A_582 = arith.mulf %mul3A_581, %mul3A_573 : vector<16xf32>
        %mul3A_583 = arith.mulf %mul3A_582, %bitcast3A_579 : vector<16xf32>
        %mul3A_584 = arith.mulf %mul3A_583, %bitcast3A_579 : vector<16xf32>
        %sub3A_585 = arith.constant 1.500000e+00 : f32
        %sub3A_586 = vector.broadcast %sub3A_585 : f32 to vector<16xf32>
        %sub3A_587 = arith.subf %sub3A_586, %mul3A_584 : vector<16xf32>
        %mul3A_588 = arith.mulf %bitcast3A_579, %sub3A_587 : vector<16xf32>
        %mul3A_589 = arith.constant 5.000000e-01 : f32
        %mul3A_590 = vector.broadcast %mul3A_589 : f32 to vector<16xf32>
        %mul3A_591 = arith.mulf %mul3A_590, %mul3A_573 : vector<16xf32>
        %mul3A_592 = arith.mulf %mul3A_591, %mul3A_588 : vector<16xf32>
        %mul3A_593 = arith.mulf %mul3A_592, %mul3A_588 : vector<16xf32>
        %sub3A_594 = arith.constant 1.500000e+00 : f32
        %sub3A_595 = vector.broadcast %sub3A_594 : f32 to vector<16xf32>
        %sub3A_596 = arith.subf %sub3A_595, %mul3A_593 : vector<16xf32>
        %mul3A_597 = arith.mulf %mul3A_588, %sub3A_596 : vector<16xf32>
        %mul3A_598 = arith.constant 5.000000e-01 : f32
        %mul3A_599 = vector.broadcast %mul3A_598 : f32 to vector<16xf32>
        %mul3A_600 = arith.mulf %mul3A_599, %mul3A_573 : vector<16xf32>
        %mul3A_601 = arith.mulf %mul3A_600, %mul3A_597 : vector<16xf32>
        %mul3A_602 = arith.mulf %mul3A_601, %mul3A_597 : vector<16xf32>
        %sub3A_603 = arith.constant 1.500000e+00 : f32
        %sub3A_604 = vector.broadcast %sub3A_603 : f32 to vector<16xf32>
        %sub3A_605 = arith.subf %sub3A_604, %mul3A_602 : vector<16xf32>
        %mul3A_606 = arith.mulf %mul3A_597, %sub3A_605 : vector<16xf32>
        %mul3A_607 = arith.mulf %mul3A_573, %mul3A_606 : vector<16xf32>
        %mul3A_608 = arith.constant 2.000000e+00 : f32
        %mul3A_609 = vector.broadcast %mul3A_608 : f32 to vector<16xf32>
        %mul3A_610 = arith.mulf %mul3A_609, %mul3A_607 : vector<16xf32>
        %sub3A_611 = arith.subf %add3A_572, %mul3A_610 : vector<16xf32>
        %add3A_612 = arith.addf %sub3A_611, %select_n3A_569 : vector<16xf32>
        %add3A_613 = arith.addf %add3A_612, %select_n3A_570 : vector<16xf32>
        %mul3A_614 = arith.mulf %select_n3A_569, %select_n3A_570 : vector<16xf32>
        %bitcast3A_615 = vector.bitcast %mul3A_614 : vector<16xf32> to vector<16xi32>
        %shift_right_arithmetic3A_616 = arith.constant 1 : i32
        %shift_right_arithmetic3A_617 = vector.broadcast %shift_right_arithmetic3A_616 : i32 to vector<16xi32>
        %shift_right_arithmetic3A_618 = arith.shrsi %bitcast3A_615, %shift_right_arithmetic3A_617 : vector<16xi32>
        %sub3A_619 = arith.constant 1597463007 : i32
        %sub3A_620 = vector.broadcast %sub3A_619 : i32 to vector<16xi32>
        %sub3A_621 = arith.subi %sub3A_620, %shift_right_arithmetic3A_618 : vector<16xi32>
        %bitcast3A_622 = vector.bitcast %sub3A_621 : vector<16xi32> to vector<16xf32>
        %mul3A_623 = arith.constant 5.000000e-01 : f32
        %mul3A_624 = vector.broadcast %mul3A_623 : f32 to vector<16xf32>
        %mul3A_625 = arith.mulf %mul3A_624, %mul3A_614 : vector<16xf32>
        %mul3A_626 = arith.mulf %mul3A_625, %bitcast3A_622 : vector<16xf32>
        %mul3A_627 = arith.mulf %mul3A_626, %bitcast3A_622 : vector<16xf32>
        %sub3A_628 = arith.constant 1.500000e+00 : f32
        %sub3A_629 = vector.broadcast %sub3A_628 : f32 to vector<16xf32>
        %sub3A_630 = arith.subf %sub3A_629, %mul3A_627 : vector<16xf32>
        %mul3A_631 = arith.mulf %bitcast3A_622, %sub3A_630 : vector<16xf32>
        %mul3A_632 = arith.constant 5.000000e-01 : f32
        %mul3A_633 = vector.broadcast %mul3A_632 : f32 to vector<16xf32>
        %mul3A_634 = arith.mulf %mul3A_633, %mul3A_614 : vector<16xf32>
        %mul3A_635 = arith.mulf %mul3A_634, %mul3A_631 : vector<16xf32>
        %mul3A_636 = arith.mulf %mul3A_635, %mul3A_631 : vector<16xf32>
        %sub3A_637 = arith.constant 1.500000e+00 : f32
        %sub3A_638 = vector.broadcast %sub3A_637 : f32 to vector<16xf32>
        %sub3A_639 = arith.subf %sub3A_638, %mul3A_636 : vector<16xf32>
        %mul3A_640 = arith.mulf %mul3A_631, %sub3A_639 : vector<16xf32>
        %mul3A_641 = arith.constant 5.000000e-01 : f32
        %mul3A_642 = vector.broadcast %mul3A_641 : f32 to vector<16xf32>
        %mul3A_643 = arith.mulf %mul3A_642, %mul3A_614 : vector<16xf32>
        %mul3A_644 = arith.mulf %mul3A_643, %mul3A_640 : vector<16xf32>
        %mul3A_645 = arith.mulf %mul3A_644, %mul3A_640 : vector<16xf32>
        %sub3A_646 = arith.constant 1.500000e+00 : f32
        %sub3A_647 = vector.broadcast %sub3A_646 : f32 to vector<16xf32>
        %sub3A_648 = arith.subf %sub3A_647, %mul3A_645 : vector<16xf32>
        %mul3A_649 = arith.mulf %mul3A_640, %sub3A_648 : vector<16xf32>
        %mul3A_650 = arith.mulf %mul3A_614, %mul3A_649 : vector<16xf32>
        %mul3A_651 = arith.constant 2.000000e+00 : f32
        %mul3A_652 = vector.broadcast %mul3A_651 : f32 to vector<16xf32>
        %mul3A_653 = arith.mulf %mul3A_652, %mul3A_650 : vector<16xf32>
        %sub3A_654 = arith.subf %add3A_613, %mul3A_653 : vector<16xf32>
        %broadcast_in_dim3A_655 = arith.constant 0.000000e+00 : f32
        %broadcast_in_dim3A_656 = vector.broadcast %broadcast_in_dim3A_655 : f32 to vector<16xf32>
        %get3A_657 = arith.constant 10 : i32
        %get3A_658 = arith.index_cast %get3A_657 : i32 to index
        %get3A_659 = arith.index_cast %mul3A_332 : i32 to index
        %get3A_660 = tpu.vector_load %arg5[%get3A_658, %get3A_659] {strides = array<i32>} : memref<30x512xf32, #tpu.memory_space<vmem>>, vector<16xf32>,
        %get3A_661 = arith.constant 10 : i32
        %get3A_662 = arith.index_cast %get3A_661 : i32 to index
        %get3A_663 = arith.index_cast %mul3A_332 : i32 to index
        %get3A_664 = tpu.vector_load %arg6[%get3A_662, %get3A_663] {strides = array<i32>} : memref<30x512xf32, #tpu.memory_space<vmem>>, vector<16xf32>,
        %sub3A_665 = arith.subf %get3A_660, %get3A_664 : vector<16xf32>
        %mul3A_666 = arith.mulf %sub3A_665, %sub3A_665 : vector<16xf32>
        %add3A_667 = arith.addf %broadcast_in_dim3A_656, %mul3A_666 : vector<16xf32>
        %get3A_668 = arith.constant 11 : i32
        %get3A_669 = arith.index_cast %get3A_668 : i32 to index
        %get3A_670 = arith.index_cast %mul3A_332 : i32 to index
        %get3A_671 = tpu.vector_load %arg5[%get3A_669, %get3A_670] {strides = array<i32>} : memref<30x512xf32, #tpu.memory_space<vmem>>, vector<16xf32>,
        %get3A_672 = arith.constant 11 : i32
        %get3A_673 = arith.index_cast %get3A_672 : i32 to index
        %get3A_674 = arith.index_cast %mul3A_332 : i32 to index
        %get3A_675 = tpu.vector_load %arg6[%get3A_673, %get3A_674] {strides = array<i32>} : memref<30x512xf32, #tpu.memory_space<vmem>>, vector<16xf32>,
        %sub3A_676 = arith.subf %get3A_671, %get3A_675 : vector<16xf32>
        %mul3A_677 = arith.mulf %sub3A_676, %sub3A_676 : vector<16xf32>
        %add3A_678 = arith.addf %add3A_667, %mul3A_677 : vector<16xf32>
        %get3A_679 = arith.constant 12 : i32
        %get3A_680 = arith.index_cast %get3A_679 : i32 to index
        %get3A_681 = arith.index_cast %mul3A_332 : i32 to index
        %get3A_682 = tpu.vector_load %arg5[%get3A_680, %get3A_681] {strides = array<i32>} : memref<30x512xf32, #tpu.memory_space<vmem>>, vector<16xf32>,
        %get3A_683 = arith.constant 12 : i32
        %get3A_684 = arith.index_cast %get3A_683 : i32 to index
        %get3A_685 = arith.index_cast %mul3A_332 : i32 to index
        %get3A_686 = tpu.vector_load %arg6[%get3A_684, %get3A_685] {strides = array<i32>} : memref<30x512xf32, #tpu.memory_space<vmem>>, vector<16xf32>,
        %sub3A_687 = arith.subf %get3A_682, %get3A_686 : vector<16xf32>
        %mul3A_688 = arith.mulf %sub3A_687, %sub3A_687 : vector<16xf32>
        %add3A_689 = arith.addf %add3A_678, %mul3A_688 : vector<16xf32>
        %get3A_690 = arith.constant 13 : i32
        %get3A_691 = arith.index_cast %get3A_690 : i32 to index
        %get3A_692 = arith.index_cast %mul3A_332 : i32 to index
        %get3A_693 = tpu.vector_load %arg5[%get3A_691, %get3A_692] {strides = array<i32>} : memref<30x512xf32, #tpu.memory_space<vmem>>, vector<16xf32>,
        %get3A_694 = arith.constant 13 : i32
        %get3A_695 = arith.index_cast %get3A_694 : i32 to index
        %get3A_696 = arith.index_cast %mul3A_332 : i32 to index
        %get3A_697 = tpu.vector_load %arg6[%get3A_695, %get3A_696] {strides = array<i32>} : memref<30x512xf32, #tpu.memory_space<vmem>>, vector<16xf32>,
        %sub3A_698 = arith.subf %get3A_693, %get3A_697 : vector<16xf32>
        %mul3A_699 = arith.mulf %sub3A_698, %sub3A_698 : vector<16xf32>
        %add3A_700 = arith.addf %add3A_689, %mul3A_699 : vector<16xf32>
        %get3A_701 = arith.constant 14 : i32
        %get3A_702 = arith.index_cast %get3A_701 : i32 to index
        %get3A_703 = arith.index_cast %mul3A_332 : i32 to index
        %get3A_704 = tpu.vector_load %arg5[%get3A_702, %get3A_703] {strides = array<i32>} : memref<30x512xf32, #tpu.memory_space<vmem>>, vector<16xf32>,
        %get3A_705 = arith.constant 14 : i32
        %get3A_706 = arith.index_cast %get3A_705 : i32 to index
        %get3A_707 = arith.index_cast %mul3A_332 : i32 to index
        %get3A_708 = tpu.vector_load %arg6[%get3A_706, %get3A_707] {strides = array<i32>} : memref<30x512xf32, #tpu.memory_space<vmem>>, vector<16xf32>,
        %sub3A_709 = arith.subf %get3A_704, %get3A_708 : vector<16xf32>
        %mul3A_710 = arith.mulf %sub3A_709, %sub3A_709 : vector<16xf32>
        %add3A_711 = arith.addf %add3A_700, %mul3A_710 : vector<16xf32>
        %get3A_712 = arith.constant 15 : i32
        %get3A_713 = arith.index_cast %get3A_712 : i32 to index
        %get3A_714 = arith.index_cast %mul3A_332 : i32 to index
        %get3A_715 = tpu.vector_load %arg5[%get3A_713, %get3A_714] {strides = array<i32>} : memref<30x512xf32, #tpu.memory_space<vmem>>, vector<16xf32>,
        %get3A_716 = arith.constant 15 : i32
        %get3A_717 = arith.index_cast %get3A_716 : i32 to index
        %get3A_718 = arith.index_cast %mul3A_332 : i32 to index
        %get3A_719 = tpu.vector_load %arg6[%get3A_717, %get3A_718] {strides = array<i32>} : memref<30x512xf32, #tpu.memory_space<vmem>>, vector<16xf32>,
        %sub3A_720 = arith.subf %get3A_715, %get3A_719 : vector<16xf32>
        %mul3A_721 = arith.mulf %sub3A_720, %sub3A_720 : vector<16xf32>
        %add3A_722 = arith.addf %add3A_711, %mul3A_721 : vector<16xf32>
        %get3A_723 = arith.constant 16 : i32
        %get3A_724 = arith.index_cast %get3A_723 : i32 to index
        %get3A_725 = arith.index_cast %mul3A_332 : i32 to index
        %get3A_726 = tpu.vector_load %arg5[%get3A_724, %get3A_725] {strides = array<i32>} : memref<30x512xf32, #tpu.memory_space<vmem>>, vector<16xf32>,
        %get3A_727 = arith.constant 16 : i32
        %get3A_728 = arith.index_cast %get3A_727 : i32 to index
        %get3A_729 = arith.index_cast %mul3A_332 : i32 to index
        %get3A_730 = tpu.vector_load %arg6[%get3A_728, %get3A_729] {strides = array<i32>} : memref<30x512xf32, #tpu.memory_space<vmem>>, vector<16xf32>,
        %sub3A_731 = arith.subf %get3A_726, %get3A_730 : vector<16xf32>
        %mul3A_732 = arith.mulf %sub3A_731, %sub3A_731 : vector<16xf32>
        %add3A_733 = arith.addf %add3A_722, %mul3A_732 : vector<16xf32>
        %get3A_734 = arith.constant 17 : i32
        %get3A_735 = arith.index_cast %get3A_734 : i32 to index
        %get3A_736 = arith.index_cast %mul3A_332 : i32 to index
        %get3A_737 = tpu.vector_load %arg5[%get3A_735, %get3A_736] {strides = array<i32>} : memref<30x512xf32, #tpu.memory_space<vmem>>, vector<16xf32>,
        %get3A_738 = arith.constant 17 : i32
        %get3A_739 = arith.index_cast %get3A_738 : i32 to index
        %get3A_740 = arith.index_cast %mul3A_332 : i32 to index
        %get3A_741 = tpu.vector_load %arg6[%get3A_739, %get3A_740] {strides = array<i32>} : memref<30x512xf32, #tpu.memory_space<vmem>>, vector<16xf32>,
        %sub3A_742 = arith.subf %get3A_737, %get3A_741 : vector<16xf32>
        %mul3A_743 = arith.mulf %sub3A_742, %sub3A_742 : vector<16xf32>
        %add3A_744 = arith.addf %add3A_733, %mul3A_743 : vector<16xf32>
        %get3A_745 = arith.constant 18 : i32
        %get3A_746 = arith.index_cast %get3A_745 : i32 to index
        %get3A_747 = arith.index_cast %mul3A_332 : i32 to index
        %get3A_748 = tpu.vector_load %arg5[%get3A_746, %get3A_747] {strides = array<i32>} : memref<30x512xf32, #tpu.memory_space<vmem>>, vector<16xf32>,
        %get3A_749 = arith.constant 18 : i32
        %get3A_750 = arith.index_cast %get3A_749 : i32 to index
        %get3A_751 = arith.index_cast %mul3A_332 : i32 to index
        %get3A_752 = tpu.vector_load %arg6[%get3A_750, %get3A_751] {strides = array<i32>} : memref<30x512xf32, #tpu.memory_space<vmem>>, vector<16xf32>,
        %sub3A_753 = arith.subf %get3A_748, %get3A_752 : vector<16xf32>
        %mul3A_754 = arith.mulf %sub3A_753, %sub3A_753 : vector<16xf32>
        %add3A_755 = arith.addf %add3A_744, %mul3A_754 : vector<16xf32>
        %get3A_756 = arith.constant 19 : i32
        %get3A_757 = arith.index_cast %get3A_756 : i32 to index
        %get3A_758 = arith.index_cast %mul3A_332 : i32 to index
        %get3A_759 = tpu.vector_load %arg5[%get3A_757, %get3A_758] {strides = array<i32>} : memref<30x512xf32, #tpu.memory_space<vmem>>, vector<16xf32>,
        %get3A_760 = arith.constant 19 : i32
        %get3A_761 = arith.index_cast %get3A_760 : i32 to index
        %get3A_762 = arith.index_cast %mul3A_332 : i32 to index
        %get3A_763 = tpu.vector_load %arg6[%get3A_761, %get3A_762] {strides = array<i32>} : memref<30x512xf32, #tpu.memory_space<vmem>>, vector<16xf32>,
        %sub3A_764 = arith.subf %get3A_759, %get3A_763 : vector<16xf32>
        %mul3A_765 = arith.mulf %sub3A_764, %sub3A_764 : vector<16xf32>
        %add3A_766 = arith.addf %add3A_755, %mul3A_765 : vector<16xf32>
        %get3A_767 = arith.constant 20 : i32
        %get3A_768 = arith.index_cast %get3A_767 : i32 to index
        %get3A_769 = arith.index_cast %mul3A_332 : i32 to index
        %get3A_770 = tpu.vector_load %arg5[%get3A_768, %get3A_769] {strides = array<i32>} : memref<30x512xf32, #tpu.memory_space<vmem>>, vector<16xf32>,
        %get3A_771 = arith.constant 20 : i32
        %get3A_772 = arith.index_cast %get3A_771 : i32 to index
        %get3A_773 = arith.index_cast %mul3A_332 : i32 to index
        %get3A_774 = tpu.vector_load %arg6[%get3A_772, %get3A_773] {strides = array<i32>} : memref<30x512xf32, #tpu.memory_space<vmem>>, vector<16xf32>,
        %sub3A_775 = arith.subf %get3A_770, %get3A_774 : vector<16xf32>
        %mul3A_776 = arith.mulf %sub3A_775, %sub3A_775 : vector<16xf32>
        %add3A_777 = arith.addf %add3A_766, %mul3A_776 : vector<16xf32>
        %get3A_778 = arith.constant 21 : i32
        %get3A_779 = arith.index_cast %get3A_778 : i32 to index
        %get3A_780 = arith.index_cast %mul3A_332 : i32 to index
        %get3A_781 = tpu.vector_load %arg5[%get3A_779, %get3A_780] {strides = array<i32>} : memref<30x512xf32, #tpu.memory_space<vmem>>, vector<16xf32>,
        %get3A_782 = arith.constant 21 : i32
        %get3A_783 = arith.index_cast %get3A_782 : i32 to index
        %get3A_784 = arith.index_cast %mul3A_332 : i32 to index
        %get3A_785 = tpu.vector_load %arg6[%get3A_783, %get3A_784] {strides = array<i32>} : memref<30x512xf32, #tpu.memory_space<vmem>>, vector<16xf32>,
        %sub3A_786 = arith.subf %get3A_781, %get3A_785 : vector<16xf32>
        %mul3A_787 = arith.mulf %sub3A_786, %sub3A_786 : vector<16xf32>
        %add3A_788 = arith.addf %add3A_777, %mul3A_787 : vector<16xf32>
        %get3A_789 = arith.constant 22 : i32
        %get3A_790 = arith.index_cast %get3A_789 : i32 to index
        %get3A_791 = arith.index_cast %mul3A_332 : i32 to index
        %get3A_792 = tpu.vector_load %arg5[%get3A_790, %get3A_791] {strides = array<i32>} : memref<30x512xf32, #tpu.memory_space<vmem>>, vector<16xf32>,
        %get3A_793 = arith.constant 22 : i32
        %get3A_794 = arith.index_cast %get3A_793 : i32 to index
        %get3A_795 = arith.index_cast %mul3A_332 : i32 to index
        %get3A_796 = tpu.vector_load %arg6[%get3A_794, %get3A_795] {strides = array<i32>} : memref<30x512xf32, #tpu.memory_space<vmem>>, vector<16xf32>,
        %sub3A_797 = arith.subf %get3A_792, %get3A_796 : vector<16xf32>
        %mul3A_798 = arith.mulf %sub3A_797, %sub3A_797 : vector<16xf32>
        %add3A_799 = arith.addf %add3A_788, %mul3A_798 : vector<16xf32>
        %get3A_800 = arith.constant 23 : i32
        %get3A_801 = arith.index_cast %get3A_800 : i32 to index
        %get3A_802 = arith.index_cast %mul3A_332 : i32 to index
        %get3A_803 = tpu.vector_load %arg5[%get3A_801, %get3A_802] {strides = array<i32>} : memref<30x512xf32, #tpu.memory_space<vmem>>, vector<16xf32>,
        %get3A_804 = arith.constant 23 : i32
        %get3A_805 = arith.index_cast %get3A_804 : i32 to index
        %get3A_806 = arith.index_cast %mul3A_332 : i32 to index
        %get3A_807 = tpu.vector_load %arg6[%get3A_805, %get3A_806] {strides = array<i32>} : memref<30x512xf32, #tpu.memory_space<vmem>>, vector<16xf32>,
        %sub3A_808 = arith.subf %get3A_803, %get3A_807 : vector<16xf32>
        %mul3A_809 = arith.mulf %sub3A_808, %sub3A_808 : vector<16xf32>
        %add3A_810 = arith.addf %add3A_799, %mul3A_809 : vector<16xf32>
        %get3A_811 = arith.constant 24 : i32
        %get3A_812 = arith.index_cast %get3A_811 : i32 to index
        %get3A_813 = arith.index_cast %mul3A_332 : i32 to index
        %get3A_814 = tpu.vector_load %arg5[%get3A_812, %get3A_813] {strides = array<i32>} : memref<30x512xf32, #tpu.memory_space<vmem>>, vector<16xf32>,
        %get3A_815 = arith.constant 24 : i32
        %get3A_816 = arith.index_cast %get3A_815 : i32 to index
        %get3A_817 = arith.index_cast %mul3A_332 : i32 to index
        %get3A_818 = tpu.vector_load %arg6[%get3A_816, %get3A_817] {strides = array<i32>} : memref<30x512xf32, #tpu.memory_space<vmem>>, vector<16xf32>,
        %sub3A_819 = arith.subf %get3A_814, %get3A_818 : vector<16xf32>
        %mul3A_820 = arith.mulf %sub3A_819, %sub3A_819 : vector<16xf32>
        %add3A_821 = arith.addf %add3A_810, %mul3A_820 : vector<16xf32>
        %get3A_822 = arith.constant 25 : i32
        %get3A_823 = arith.index_cast %get3A_822 : i32 to index
        %get3A_824 = arith.index_cast %mul3A_332 : i32 to index
        %get3A_825 = tpu.vector_load %arg5[%get3A_823, %get3A_824] {strides = array<i32>} : memref<30x512xf32, #tpu.memory_space<vmem>>, vector<16xf32>,
        %get3A_826 = arith.constant 25 : i32
        %get3A_827 = arith.index_cast %get3A_826 : i32 to index
        %get3A_828 = arith.index_cast %mul3A_332 : i32 to index
        %get3A_829 = tpu.vector_load %arg6[%get3A_827, %get3A_828] {strides = array<i32>} : memref<30x512xf32, #tpu.memory_space<vmem>>, vector<16xf32>,
        %sub3A_830 = arith.subf %get3A_825, %get3A_829 : vector<16xf32>
        %mul3A_831 = arith.mulf %sub3A_830, %sub3A_830 : vector<16xf32>
        %add3A_832 = arith.addf %add3A_821, %mul3A_831 : vector<16xf32>
        %get3A_833 = arith.constant 26 : i32
        %get3A_834 = arith.index_cast %get3A_833 : i32 to index
        %get3A_835 = arith.index_cast %mul3A_332 : i32 to index
        %get3A_836 = tpu.vector_load %arg5[%get3A_834, %get3A_835] {strides = array<i32>} : memref<30x512xf32, #tpu.memory_space<vmem>>, vector<16xf32>,
        %get3A_837 = arith.constant 26 : i32
        %get3A_838 = arith.index_cast %get3A_837 : i32 to index
        %get3A_839 = arith.index_cast %mul3A_332 : i32 to index
        %get3A_840 = tpu.vector_load %arg6[%get3A_838, %get3A_839] {strides = array<i32>} : memref<30x512xf32, #tpu.memory_space<vmem>>, vector<16xf32>,
        %sub3A_841 = arith.subf %get3A_836, %get3A_840 : vector<16xf32>
        %mul3A_842 = arith.mulf %sub3A_841, %sub3A_841 : vector<16xf32>
        %add3A_843 = arith.addf %add3A_832, %mul3A_842 : vector<16xf32>
        %get3A_844 = arith.constant 27 : i32
        %get3A_845 = arith.index_cast %get3A_844 : i32 to index
        %get3A_846 = arith.index_cast %mul3A_332 : i32 to index
        %get3A_847 = tpu.vector_load %arg5[%get3A_845, %get3A_846] {strides = array<i32>} : memref<30x512xf32, #tpu.memory_space<vmem>>, vector<16xf32>,
        %get3A_848 = arith.constant 27 : i32
        %get3A_849 = arith.index_cast %get3A_848 : i32 to index
        %get3A_850 = arith.index_cast %mul3A_332 : i32 to index
        %get3A_851 = tpu.vector_load %arg6[%get3A_849, %get3A_850] {strides = array<i32>} : memref<30x512xf32, #tpu.memory_space<vmem>>, vector<16xf32>,
        %sub3A_852 = arith.subf %get3A_847, %get3A_851 : vector<16xf32>
        %mul3A_853 = arith.mulf %sub3A_852, %sub3A_852 : vector<16xf32>
        %add3A_854 = arith.addf %add3A_843, %mul3A_853 : vector<16xf32>
        %get3A_855 = arith.constant 28 : i32
        %get3A_856 = arith.index_cast %get3A_855 : i32 to index
        %get3A_857 = arith.index_cast %mul3A_332 : i32 to index
        %get3A_858 = tpu.vector_load %arg5[%get3A_856, %get3A_857] {strides = array<i32>} : memref<30x512xf32, #tpu.memory_space<vmem>>, vector<16xf32>,
        %get3A_859 = arith.constant 28 : i32
        %get3A_860 = arith.index_cast %get3A_859 : i32 to index
        %get3A_861 = arith.index_cast %mul3A_332 : i32 to index
        %get3A_862 = tpu.vector_load %arg6[%get3A_860, %get3A_861] {strides = array<i32>} : memref<30x512xf32, #tpu.memory_space<vmem>>, vector<16xf32>,
        %sub3A_863 = arith.subf %get3A_858, %get3A_862 : vector<16xf32>
        %mul3A_864 = arith.mulf %sub3A_863, %sub3A_863 : vector<16xf32>
        %add3A_865 = arith.addf %add3A_854, %mul3A_864 : vector<16xf32>
        %get3A_866 = arith.constant 29 : i32
        %get3A_867 = arith.index_cast %get3A_866 : i32 to index
        %get3A_868 = arith.index_cast %mul3A_332 : i32 to index
        %get3A_869 = tpu.vector_load %arg5[%get3A_867, %get3A_868] {strides = array<i32>} : memref<30x512xf32, #tpu.memory_space<vmem>>, vector<16xf32>,
        %get3A_870 = arith.constant 29 : i32
        %get3A_871 = arith.index_cast %get3A_870 : i32 to index
        %get3A_872 = arith.index_cast %mul3A_332 : i32 to index
        %get3A_873 = tpu.vector_load %arg6[%get3A_871, %get3A_872] {strides = array<i32>} : memref<30x512xf32, #tpu.memory_space<vmem>>, vector<16xf32>,
        %sub3A_874 = arith.subf %get3A_869, %get3A_873 : vector<16xf32>
        %mul3A_875 = arith.mulf %sub3A_874, %sub3A_874 : vector<16xf32>
        %add3A_876 = arith.addf %add3A_865, %mul3A_875 : vector<16xf32>
        %mul3A_877 = arith.constant 5.000000e+00 : f32
        %mul3A_878 = vector.broadcast %mul3A_877 : f32 to vector<16xf32>
        %mul3A_879 = arith.mulf %mul3A_878, %convert_element_type3A_340 : vector<16xf32>
        %mul3A_880 = arith.mulf %mul3A_879, %sub3A_654 : vector<16xf32>
        %add3A_881 = arith.addf %mul3A_880, %mul3A_539 : vector<16xf32>
        %add3A_882 = arith.addf %add3A_881, %mul3A_541 : vector<16xf32>
        %mul3A_883 = arith.constant 5.000000e-01 : f32
        %mul3A_884 = vector.broadcast %mul3A_883 : f32 to vector<16xf32>
        %mul3A_885 = arith.mulf %mul3A_884, %mul3A_361 : vector<16xf32>
        %add3A_886 = arith.addf %add3A_882, %mul3A_885 : vector<16xf32>
        %mul3A_887 = arith.mulf %convert_element_type3A_340, %add3A_876 : vector<16xf32>
        %add3A_888 = arith.addf %add3A_886, %mul3A_887 : vector<16xf32>
        %get3A_889 = arith.constant 0 : index
        %get3A_890 = tpu.vector_load %arg10[%get3A_889] {strides = array<i32>} : memref<16xf32, #tpu.memory_space<vmem>>, vector<16xf32>,
        %add3A_891 = arith.addf %get3A_890, %add3A_888 : vector<16xf32>
        %swap3A_892 = arith.constant 0 : index
        %swap3A_893 = tpu.vector_load %arg10[%swap3A_892] {strides = array<i32>} : memref<16xf32, #tpu.memory_space<vmem>>, vector<16xf32>,
        tpu.vector_store %arg10[%swap3A_892], %add3A_891 {strides = array<i32>} : memref<16xf32, #tpu.memory_space<vmem>>, vector<16xf32>,
      }
      %scan3A_243 = arith.constant 32 : i32
      %add3A_244 = arith.constant 2 : i32
      %add3A_245 = arith.addi %add3A_97, %add3A_244 : i32
      %lt3A_246 = arith.cmpi slt, %add3A_245, %select_n3A : i32
      %convert_element_type3A_247 = arith.extui %lt3A_246 : i1 to i32
      %cond3A_248 = arith.constant 0 : i32
      %cond3A_249 = arith.cmpi ne, %convert_element_type3A_247, %cond3A_248 : i32
      scf.if %cond3A_249 {
        %add3A_326 = arith.constant 2 : i32
        %add3A_327 = arith.addi %add3A_98, %add3A_326 : i32
        %jit3A_328 = arith.constant 2 : i32
        %div3A_329 = arith.divsi %add3A_327, %jit3A_328 : i32
        %sign3A_330 = arith.constant 0 : i32
        %sign3A_331 = arith.cmpi sgt, %add3A_327, %sign3A_330 : i32
        %sign3A_332 = arith.extui %sign3A_331 : i1 to i32
        %sign3A_333 = arith.constant 0 : i32
        %sign3A_334 = arith.cmpi slt, %add3A_327, %sign3A_333 : i32
        %sign3A_335 = arith.extui %sign3A_334 : i1 to i32
        %sign3A_336 = arith.subi %sign3A_332, %sign3A_335 : i32
        %sign3A_337 = arith.constant 0 : i32
        %sign3A_338 = arith.cmpi sgt, %jit3A_328, %sign3A_337 : i32
        %sign3A_339 = arith.extui %sign3A_338 : i1 to i32
        %sign3A_340 = arith.constant 0 : i32
        %sign3A_341 = arith.cmpi slt, %jit3A_328, %sign3A_340 : i32
        %sign3A_342 = arith.extui %sign3A_341 : i1 to i32
        %sign3A_343 = arith.subi %sign3A_339, %sign3A_342 : i32
        %ne3A_344 = arith.cmpi ne, %sign3A_336, %sign3A_343 : i32
        %rem3A_345 = arith.remsi %add3A_327, %jit3A_328 : i32
        %ne3A_346 = arith.constant 0 : i32
        %ne3A_347 = arith.cmpi ne, %rem3A_345, %ne3A_346 : i32
        %and3A_348 = arith.andi %ne3A_344, %ne3A_347 : i1
        %sub3A_349 = arith.constant 1 : i32
        %sub3A_350 = arith.subi %div3A_329, %sub3A_349 : i32
        %select_n3A_351 = arith.select %and3A_348, %sub3A_350, %div3A_329 : i32
        %mul3A_352 = arith.constant 2 : i32
        %mul3A_353 = arith.muli %select_n3A_351, %mul3A_352 : i32
        %sub3A_354 = arith.subi %add3A_327, %mul3A_353 : i32
        %jit3A_355 = arith.constant 14 : i32
        %div3A_356 = arith.divsi %select_n3A_351, %jit3A_355 : i32
        %sign3A_357 = arith.constant 0 : i32
        %sign3A_358 = arith.cmpi sgt, %select_n3A_351, %sign3A_357 : i32
        %sign3A_359 = arith.extui %sign3A_358 : i1 to i32
        %sign3A_360 = arith.constant 0 : i32
        %sign3A_361 = arith.cmpi slt, %select_n3A_351, %sign3A_360 : i32
        %sign3A_362 = arith.extui %sign3A_361 : i1 to i32
        %sign3A_363 = arith.subi %sign3A_359, %sign3A_362 : i32
        %sign3A_364 = arith.constant 0 : i32
        %sign3A_365 = arith.cmpi sgt, %jit3A_355, %sign3A_364 : i32
        %sign3A_366 = arith.extui %sign3A_365 : i1 to i32
        %sign3A_367 = arith.constant 0 : i32
        %sign3A_368 = arith.cmpi slt, %jit3A_355, %sign3A_367 : i32
        %sign3A_369 = arith.extui %sign3A_368 : i1 to i32
        %sign3A_370 = arith.subi %sign3A_366, %sign3A_369 : i32
        %ne3A_371 = arith.cmpi ne, %sign3A_363, %sign3A_370 : i32
        %rem3A_372 = arith.remsi %select_n3A_351, %jit3A_355 : i32
        %ne3A_373 = arith.constant 0 : i32
        %ne3A_374 = arith.cmpi ne, %rem3A_372, %ne3A_373 : i32
        %and3A_375 = arith.andi %ne3A_371, %ne3A_374 : i1
        %sub3A_376 = arith.constant 1 : i32
        %sub3A_377 = arith.subi %div3A_356, %sub3A_376 : i32
        %select_n3A_378 = arith.select %and3A_375, %sub3A_377, %div3A_356 : i32
        %mul3A_379 = arith.constant 14 : i32
        %mul3A_380 = arith.muli %select_n3A_378, %mul3A_379 : i32
        %sub3A_381 = arith.subi %select_n3A_351, %mul3A_380 : i32
        %mul3A_382 = arith.constant 512 : i32
        %mul3A_383 = arith.muli %sub3A_354, %mul3A_382 : i32
        %multiple_of3A_384 = tpu.assume_multiple %mul3A_383, 128 : i32
        %dma_start3A_385 = arith.constant 0 : i32
        %dma_start3A_386 = tpu.memref_slice %arg2[%select_n3A_378, %sub3A_381, %dma_start3A_385, %multiple_of3A_384] : memref<14x14x30x1024xf32, #tpu.memory_space<hbm>> -> memref<1x1x30x512xf32, #tpu.memory_space<hbm>>
        %dma_start3A_387 = tpu.memref_squeeze %dma_start3A_386 : memref<1x1x30x512xf32, #tpu.memory_space<hbm>> -> memref<30x512xf32, #tpu.memory_space<hbm>>
        %dma_start3A_388 = arith.constant 0 : i32
        %dma_start3A_389 = tpu.memref_slice %arg2[%select_n3A_378, %sub3A_381, %dma_start3A_388, %multiple_of3A_384] : memref<14x14x30x1024xf32, #tpu.memory_space<hbm>> -> memref<1x1x30x512xf32, #tpu.memory_space<hbm>>
        %dma_start3A_390 = tpu.memref_squeeze %dma_start3A_389 : memref<1x1x30x512xf32, #tpu.memory_space<hbm>> -> memref<30x512xf32, #tpu.memory_space<hbm>>
        tpu.enqueue_dma source(%dma_start3A_390 : memref<30x512xf32, #tpu.memory_space<hbm>>) target(%arg5 : memref<30x512xf32, #tpu.memory_space<vmem>>) target_semaphore(%arg11 : memref<!tpu.dma_semaphore, #tpu.memory_space<semaphore_mem>>)
        %dma_start3A_391 = arith.constant 0 : i32
        %dma_start3A_392 = tpu.memref_slice %arg3[%select_n3A_378, %sub3A_381, %dma_start3A_391, %multiple_of3A_384] : memref<14x14x30x1024xf32, #tpu.memory_space<hbm>> -> memref<1x1x30x512xf32, #tpu.memory_space<hbm>>
        %dma_start3A_393 = tpu.memref_squeeze %dma_start3A_392 : memref<1x1x30x512xf32, #tpu.memory_space<hbm>> -> memref<30x512xf32, #tpu.memory_space<hbm>>
        %dma_start3A_394 = arith.constant 0 : i32
        %dma_start3A_395 = tpu.memref_slice %arg3[%select_n3A_378, %sub3A_381, %dma_start3A_394, %multiple_of3A_384] : memref<14x14x30x1024xf32, #tpu.memory_space<hbm>> -> memref<1x1x30x512xf32, #tpu.memory_space<hbm>>
        %dma_start3A_396 = tpu.memref_squeeze %dma_start3A_395 : memref<1x1x30x512xf32, #tpu.memory_space<hbm>> -> memref<30x512xf32, #tpu.memory_space<hbm>>
        tpu.enqueue_dma source(%dma_start3A_396 : memref<30x512xf32, #tpu.memory_space<hbm>>) target(%arg6 : memref<30x512xf32, #tpu.memory_space<vmem>>) target_semaphore(%arg11 : memref<!tpu.dma_semaphore, #tpu.memory_space<semaphore_mem>>)
      } else {
      }
      %add3A_250 = arith.constant 1 : i32
      %add3A_251 = arith.addi %add3A_98, %add3A_250 : i32
      %jit3A_252 = arith.constant 2 : i32
      %div3A_253 = arith.divsi %add3A_251, %jit3A_252 : i32
      %sign3A_254 = arith.constant 0 : i32
      %sign3A_255 = arith.cmpi sgt, %add3A_251, %sign3A_254 : i32
      %sign3A_256 = arith.extui %sign3A_255 : i1 to i32
      %sign3A_257 = arith.constant 0 : i32
      %sign3A_258 = arith.cmpi slt, %add3A_251, %sign3A_257 : i32
      %sign3A_259 = arith.extui %sign3A_258 : i1 to i32
      %sign3A_260 = arith.subi %sign3A_256, %sign3A_259 : i32
      %sign3A_261 = arith.constant 0 : i32
      %sign3A_262 = arith.cmpi sgt, %jit3A_252, %sign3A_261 : i32
      %sign3A_263 = arith.extui %sign3A_262 : i1 to i32
      %sign3A_264 = arith.constant 0 : i32
      %sign3A_265 = arith.cmpi slt, %jit3A_252, %sign3A_264 : i32
      %sign3A_266 = arith.extui %sign3A_265 : i1 to i32
      %sign3A_267 = arith.subi %sign3A_263, %sign3A_266 : i32
      %ne3A_268 = arith.cmpi ne, %sign3A_260, %sign3A_267 : i32
      %rem3A_269 = arith.remsi %add3A_251, %jit3A_252 : i32
      %ne3A_270 = arith.constant 0 : i32
      %ne3A_271 = arith.cmpi ne, %rem3A_269, %ne3A_270 : i32
      %and3A_272 = arith.andi %ne3A_268, %ne3A_271 : i1
      %sub3A_273 = arith.constant 1 : i32
      %sub3A_274 = arith.subi %div3A_253, %sub3A_273 : i32
      %select_n3A_275 = arith.select %and3A_272, %sub3A_274, %div3A_253 : i32
      %mul3A_276 = arith.constant 2 : i32
      %mul3A_277 = arith.muli %select_n3A_275, %mul3A_276 : i32
      %sub3A_278 = arith.subi %add3A_251, %mul3A_277 : i32
      %jit3A_279 = arith.constant 14 : i32
      %div3A_280 = arith.divsi %select_n3A_275, %jit3A_279 : i32
      %sign3A_281 = arith.constant 0 : i32
      %sign3A_282 = arith.cmpi sgt, %select_n3A_275, %sign3A_281 : i32
      %sign3A_283 = arith.extui %sign3A_282 : i1 to i32
      %sign3A_284 = arith.constant 0 : i32
      %sign3A_285 = arith.cmpi slt, %select_n3A_275, %sign3A_284 : i32
      %sign3A_286 = arith.extui %sign3A_285 : i1 to i32
      %sign3A_287 = arith.subi %sign3A_283, %sign3A_286 : i32
      %sign3A_288 = arith.constant 0 : i32
      %sign3A_289 = arith.cmpi sgt, %jit3A_279, %sign3A_288 : i32
      %sign3A_290 = arith.extui %sign3A_289 : i1 to i32
      %sign3A_291 = arith.constant 0 : i32
      %sign3A_292 = arith.cmpi slt, %jit3A_279, %sign3A_291 : i32
      %sign3A_293 = arith.extui %sign3A_292 : i1 to i32
      %sign3A_294 = arith.subi %sign3A_290, %sign3A_293 : i32
      %ne3A_295 = arith.cmpi ne, %sign3A_287, %sign3A_294 : i32
      %rem3A_296 = arith.remsi %select_n3A_275, %jit3A_279 : i32
      %ne3A_297 = arith.constant 0 : i32
      %ne3A_298 = arith.cmpi ne, %rem3A_296, %ne3A_297 : i32
      %and3A_299 = arith.andi %ne3A_295, %ne3A_298 : i1
      %sub3A_300 = arith.constant 1 : i32
      %sub3A_301 = arith.subi %div3A_280, %sub3A_300 : i32
      %select_n3A_302 = arith.select %and3A_299, %sub3A_301, %div3A_280 : i32
      %mul3A_303 = arith.constant 14 : i32
      %mul3A_304 = arith.muli %select_n3A_302, %mul3A_303 : i32
      %sub3A_305 = arith.subi %select_n3A_275, %mul3A_304 : i32
      %mul3A_306 = arith.constant 512 : i32
      %mul3A_307 = arith.muli %sub3A_278, %mul3A_306 : i32
      %multiple_of3A_308 = tpu.assume_multiple %mul3A_307, 128 : i32
      %dma_wait3A_309 = arith.constant 0 : i32
      %dma_wait3A_310 = tpu.memref_slice %arg2[%select_n3A_302, %sub3A_305, %dma_wait3A_309, %multiple_of3A_308] : memref<14x14x30x1024xf32, #tpu.memory_space<hbm>> -> memref<1x1x30x512xf32, #tpu.memory_space<hbm>>
      %dma_wait3A_311 = tpu.memref_squeeze %dma_wait3A_310 : memref<1x1x30x512xf32, #tpu.memory_space<hbm>> -> memref<30x512xf32, #tpu.memory_space<hbm>>
      %dma_wait3A_312 = arith.constant 0 : i32
      %dma_wait3A_313 = tpu.memref_slice %arg2[%select_n3A_302, %sub3A_305, %dma_wait3A_312, %multiple_of3A_308] : memref<14x14x30x1024xf32, #tpu.memory_space<hbm>> -> memref<1x1x30x512xf32, #tpu.memory_space<hbm>>
      %dma_wait3A_314 = tpu.memref_squeeze %dma_wait3A_313 : memref<1x1x30x512xf32, #tpu.memory_space<hbm>> -> memref<30x512xf32, #tpu.memory_space<hbm>>
      tpu.wait_dma2 semaphore(%arg12 : memref<!tpu.dma_semaphore, #tpu.memory_space<semaphore_mem>>) src(%dma_wait3A_314 : memref<30x512xf32, #tpu.memory_space<hbm>>) dst(%arg7 : memref<30x512xf32, #tpu.memory_space<vmem>>)
      %dma_wait3A_315 = arith.constant 0 : i32
      %dma_wait3A_316 = tpu.memref_slice %arg3[%select_n3A_302, %sub3A_305, %dma_wait3A_315, %multiple_of3A_308] : memref<14x14x30x1024xf32, #tpu.memory_space<hbm>> -> memref<1x1x30x512xf32, #tpu.memory_space<hbm>>
      %dma_wait3A_317 = tpu.memref_squeeze %dma_wait3A_316 : memref<1x1x30x512xf32, #tpu.memory_space<hbm>> -> memref<30x512xf32, #tpu.memory_space<hbm>>
      %dma_wait3A_318 = arith.constant 0 : i32
      %dma_wait3A_319 = tpu.memref_slice %arg3[%select_n3A_302, %sub3A_305, %dma_wait3A_318, %multiple_of3A_308] : memref<14x14x30x1024xf32, #tpu.memory_space<hbm>> -> memref<1x1x30x512xf32, #tpu.memory_space<hbm>>
      %dma_wait3A_320 = tpu.memref_squeeze %dma_wait3A_319 : memref<1x1x30x512xf32, #tpu.memory_space<hbm>> -> memref<30x512xf32, #tpu.memory_space<hbm>>
      tpu.wait_dma2 semaphore(%arg12 : memref<!tpu.dma_semaphore, #tpu.memory_space<semaphore_mem>>) src(%dma_wait3A_320 : memref<30x512xf32, #tpu.memory_space<hbm>>) dst(%arg8 : memref<30x512xf32, #tpu.memory_space<vmem>>)
      %scan3A_321 = arith.constant 0 : i32
      %scan3A_322 = arith.constant 32 : i32
      %scan3A_323 = arith.addi %scan3A_321, %scan3A_322 : i32
      %scan3A_324 = arith.constant 1 : i32
      scf.for %scan3A_326 = %scan3A_321 to %scan3A_323 step %scan3A_324  : i32 {
        %mul3A_327 = arith.constant 1 : i32
        %mul3A_328 = arith.muli %scan3A_326, %mul3A_327 : i32
        %add3A_329 = arith.constant 0 : i32
        %add3A_330 = arith.addi %add3A_329, %mul3A_328 : i32
        %mul3A_331 = arith.constant 16 : i32
        %mul3A_332 = arith.muli %add3A_330, %mul3A_331 : i32
        %get3A_333 = arith.constant 4 : i32
        %get3A_334 = arith.index_cast %get3A_333 : i32 to index
        %get3A_335 = arith.index_cast %mul3A_332 : i32 to index
        %get3A_336 = tpu.vector_load %arg8[%get3A_334, %get3A_335] {strides = array<i32>} : memref<30x512xf32, #tpu.memory_space<vmem>>, vector<16xf32>,
        %gt3A = arith.constant 0.000000e+00 : f32
        %gt3A_337 = vector.broadcast %gt3A : f32 to vector<16xf32>
        %gt3A_338 = arith.cmpf ogt, %get3A_336, %gt3A_337 : vector<16xf32>
        %convert_element_type3A_339 = arith.extui %gt3A_338 : vector<16xi1> to vector<16xi32>
        %convert_element_type3A_340 = arith.sitofp %convert_element_type3A_339 : vector<16xi32> to vector<16xf32>
        %sub3A_341 = arith.constant 1.000000e+00 : f32
        %sub3A_342 = vector.broadcast %sub3A_341 : f32 to vector<16xf32>
        %sub3A_343 = arith.subf %sub3A_342, %convert_element_type3A_340 : vector<16xf32>
        %get3A_344 = arith.constant 4 : i32
        %get3A_345 = arith.index_cast %get3A_344 : i32 to index
        %get3A_346 = arith.index_cast %mul3A_332 : i32 to index
        %get3A_347 = tpu.vector_load %arg7[%get3A_345, %get3A_346] {strides = array<i32>} : memref<30x512xf32, #tpu.memory_space<vmem>>, vector<16xf32>,
        %get3A_348 = arith.constant 9 : i32
        %get3A_349 = arith.index_cast %get3A_348 : i32 to index
        %get3A_350 = arith.index_cast %mul3A_332 : i32 to index
        %get3A_351 = tpu.vector_load %arg7[%get3A_349, %get3A_350] {strides = array<i32>} : memref<30x512xf32, #tpu.memory_space<vmem>>, vector<16xf32>,
        %get3A_352 = arith.constant 9 : i32
        %get3A_353 = arith.index_cast %get3A_352 : i32 to index
        %get3A_354 = arith.index_cast %mul3A_332 : i32 to index
        %get3A_355 = tpu.vector_load %arg8[%get3A_353, %get3A_354] {strides = array<i32>} : memref<30x512xf32, #tpu.memory_space<vmem>>, vector<16xf32>,
        %sub3A_356 = arith.subf %get3A_347, %get3A_336 : vector<16xf32>
        %sub3A_357 = arith.subf %get3A_351, %get3A_355 : vector<16xf32>
        %mul3A_358 = arith.mulf %sub3A_356, %sub3A_356 : vector<16xf32>
        %mul3A_359 = arith.mulf %sub3A_357, %sub3A_357 : vector<16xf32>
        %add3A_360 = arith.addf %mul3A_358, %mul3A_359 : vector<16xf32>
        %mul3A_361 = arith.mulf %sub3A_343, %add3A_360 : vector<16xf32>
        %get3A_362 = arith.constant 0 : i32
        %get3A_363 = arith.index_cast %get3A_362 : i32 to index
        %get3A_364 = arith.index_cast %mul3A_332 : i32 to index
        %get3A_365 = tpu.vector_load %arg7[%get3A_363, %get3A_364] {strides = array<i32>} : memref<30x512xf32, #tpu.memory_space<vmem>>, vector<16xf32>,
        %get3A_366 = arith.constant 1 : i32
        %get3A_367 = arith.index_cast %get3A_366 : i32 to index
        %get3A_368 = arith.index_cast %mul3A_332 : i32 to index
        %get3A_369 = tpu.vector_load %arg7[%get3A_367, %get3A_368] {strides = array<i32>} : memref<30x512xf32, #tpu.memory_space<vmem>>, vector<16xf32>,
        %get3A_370 = arith.constant 2 : i32
        %get3A_371 = arith.index_cast %get3A_370 : i32 to index
        %get3A_372 = arith.index_cast %mul3A_332 : i32 to index
        %get3A_373 = tpu.vector_load %arg7[%get3A_371, %get3A_372] {strides = array<i32>} : memref<30x512xf32, #tpu.memory_space<vmem>>, vector<16xf32>,
        %get3A_374 = arith.constant 3 : i32
        %get3A_375 = arith.index_cast %get3A_374 : i32 to index
        %get3A_376 = arith.index_cast %mul3A_332 : i32 to index
        %get3A_377 = tpu.vector_load %arg7[%get3A_375, %get3A_376] {strides = array<i32>} : memref<30x512xf32, #tpu.memory_space<vmem>>, vector<16xf32>,
        %get3A_378 = arith.constant 5 : i32
        %get3A_379 = arith.index_cast %get3A_378 : i32 to index
        %get3A_380 = arith.index_cast %mul3A_332 : i32 to index
        %get3A_381 = tpu.vector_load %arg7[%get3A_379, %get3A_380] {strides = array<i32>} : memref<30x512xf32, #tpu.memory_space<vmem>>, vector<16xf32>,
        %get3A_382 = arith.constant 6 : i32
        %get3A_383 = arith.index_cast %get3A_382 : i32 to index
        %get3A_384 = arith.index_cast %mul3A_332 : i32 to index
        %get3A_385 = tpu.vector_load %arg7[%get3A_383, %get3A_384] {strides = array<i32>} : memref<30x512xf32, #tpu.memory_space<vmem>>, vector<16xf32>,
        %get3A_386 = arith.constant 7 : i32
        %get3A_387 = arith.index_cast %get3A_386 : i32 to index
        %get3A_388 = arith.index_cast %mul3A_332 : i32 to index
        %get3A_389 = tpu.vector_load %arg7[%get3A_387, %get3A_388] {strides = array<i32>} : memref<30x512xf32, #tpu.memory_space<vmem>>, vector<16xf32>,
        %get3A_390 = arith.constant 8 : i32
        %get3A_391 = arith.index_cast %get3A_390 : i32 to index
        %get3A_392 = arith.index_cast %mul3A_332 : i32 to index
        %get3A_393 = tpu.vector_load %arg7[%get3A_391, %get3A_392] {strides = array<i32>} : memref<30x512xf32, #tpu.memory_space<vmem>>, vector<16xf32>,
        %get3A_394 = arith.constant 0 : i32
        %get3A_395 = arith.index_cast %get3A_394 : i32 to index
        %get3A_396 = arith.index_cast %mul3A_332 : i32 to index
        %get3A_397 = tpu.vector_load %arg8[%get3A_395, %get3A_396] {strides = array<i32>} : memref<30x512xf32, #tpu.memory_space<vmem>>, vector<16xf32>,
        %get3A_398 = arith.constant 1 : i32
        %get3A_399 = arith.index_cast %get3A_398 : i32 to index
        %get3A_400 = arith.index_cast %mul3A_332 : i32 to index
        %get3A_401 = tpu.vector_load %arg8[%get3A_399, %get3A_400] {strides = array<i32>} : memref<30x512xf32, #tpu.memory_space<vmem>>, vector<16xf32>,
        %get3A_402 = arith.constant 2 : i32
        %get3A_403 = arith.index_cast %get3A_402 : i32 to index
        %get3A_404 = arith.index_cast %mul3A_332 : i32 to index
        %get3A_405 = tpu.vector_load %arg8[%get3A_403, %get3A_404] {strides = array<i32>} : memref<30x512xf32, #tpu.memory_space<vmem>>, vector<16xf32>,
        %get3A_406 = arith.constant 3 : i32
        %get3A_407 = arith.index_cast %get3A_406 : i32 to index
        %get3A_408 = arith.index_cast %mul3A_332 : i32 to index
        %get3A_409 = tpu.vector_load %arg8[%get3A_407, %get3A_408] {strides = array<i32>} : memref<30x512xf32, #tpu.memory_space<vmem>>, vector<16xf32>,
        %mul3A_410 = arith.constant 6.400000e+01 : f32
        %mul3A_411 = vector.broadcast %mul3A_410 : f32 to vector<16xf32>
        %mul3A_412 = arith.mulf %get3A_397, %mul3A_411 : vector<16xf32>
        %mul3A_413 = arith.constant 2.240000e+02 : f32
        %mul3A_414 = vector.broadcast %mul3A_413 : f32 to vector<16xf32>
        %mul3A_415 = arith.mulf %get3A_405, %mul3A_414 : vector<16xf32>
        %sub3A_416 = arith.subf %mul3A_412, %mul3A_415 : vector<16xf32>
        %mul3A_417 = arith.constant 6.400000e+01 : f32
        %mul3A_418 = vector.broadcast %mul3A_417 : f32 to vector<16xf32>
        %mul3A_419 = arith.mulf %get3A_397, %mul3A_418 : vector<16xf32>
        %mul3A_420 = arith.constant 2.240000e+02 : f32
        %mul3A_421 = vector.broadcast %mul3A_420 : f32 to vector<16xf32>
        %mul3A_422 = arith.mulf %get3A_405, %mul3A_421 : vector<16xf32>
        %add3A_423 = arith.addf %mul3A_419, %mul3A_422 : vector<16xf32>
        %mul3A_424 = arith.constant 6.400000e+01 : f32
        %mul3A_425 = vector.broadcast %mul3A_424 : f32 to vector<16xf32>
        %mul3A_426 = arith.mulf %get3A_401, %mul3A_425 : vector<16xf32>
        %mul3A_427 = arith.constant 2.240000e+02 : f32
        %mul3A_428 = vector.broadcast %mul3A_427 : f32 to vector<16xf32>
        %mul3A_429 = arith.mulf %get3A_409, %mul3A_428 : vector<16xf32>
        %sub3A_430 = arith.subf %mul3A_426, %mul3A_429 : vector<16xf32>
        %mul3A_431 = arith.constant 6.400000e+01 : f32
        %mul3A_432 = vector.broadcast %mul3A_431 : f32 to vector<16xf32>
        %mul3A_433 = arith.mulf %get3A_401, %mul3A_432 : vector<16xf32>
        %mul3A_434 = arith.constant 2.240000e+02 : f32
        %mul3A_435 = vector.broadcast %mul3A_434 : f32 to vector<16xf32>
        %mul3A_436 = arith.mulf %get3A_409, %mul3A_435 : vector<16xf32>
        %add3A_437 = arith.addf %mul3A_433, %mul3A_436 : vector<16xf32>
        %sub3A_438 = arith.subf %add3A_423, %sub3A_416 : vector<16xf32>
        %sub3A_439 = arith.subf %add3A_437, %sub3A_430 : vector<16xf32>
        %mul3A_440 = arith.mulf %sub3A_438, %sub3A_439 : vector<16xf32>
        %mul3A_441 = arith.constant 6.400000e+01 : f32
        %mul3A_442 = vector.broadcast %mul3A_441 : f32 to vector<16xf32>
        %mul3A_443 = arith.mulf %get3A_365, %mul3A_442 : vector<16xf32>
        %mul3A_444 = arith.constant 2.240000e+02 : f32
        %mul3A_445 = vector.broadcast %mul3A_444 : f32 to vector<16xf32>
        %mul3A_446 = arith.mulf %get3A_373, %mul3A_445 : vector<16xf32>
        %sub3A_447 = arith.subf %mul3A_443, %mul3A_446 : vector<16xf32>
        %mul3A_448 = arith.constant 6.400000e+01 : f32
        %mul3A_449 = vector.broadcast %mul3A_448 : f32 to vector<16xf32>
        %mul3A_450 = arith.mulf %get3A_365, %mul3A_449 : vector<16xf32>
        %mul3A_451 = arith.constant 2.240000e+02 : f32
        %mul3A_452 = vector.broadcast %mul3A_451 : f32 to vector<16xf32>
        %mul3A_453 = arith.mulf %get3A_373, %mul3A_452 : vector<16xf32>
        %add3A_454 = arith.addf %mul3A_450, %mul3A_453 : vector<16xf32>
        %mul3A_455 = arith.constant 6.400000e+01 : f32
        %mul3A_456 = vector.broadcast %mul3A_455 : f32 to vector<16xf32>
        %mul3A_457 = arith.mulf %get3A_369, %mul3A_456 : vector<16xf32>
        %mul3A_458 = arith.constant 2.240000e+02 : f32
        %mul3A_459 = vector.broadcast %mul3A_458 : f32 to vector<16xf32>
        %mul3A_460 = arith.mulf %get3A_377, %mul3A_459 : vector<16xf32>
        %sub3A_461 = arith.subf %mul3A_457, %mul3A_460 : vector<16xf32>
        %mul3A_462 = arith.constant 6.400000e+01 : f32
        %mul3A_463 = vector.broadcast %mul3A_462 : f32 to vector<16xf32>
        %mul3A_464 = arith.mulf %get3A_369, %mul3A_463 : vector<16xf32>
        %mul3A_465 = arith.constant 2.240000e+02 : f32
        %mul3A_466 = vector.broadcast %mul3A_465 : f32 to vector<16xf32>
        %mul3A_467 = arith.mulf %get3A_377, %mul3A_466 : vector<16xf32>
        %add3A_468 = arith.addf %mul3A_464, %mul3A_467 : vector<16xf32>
        %min3A_469 = arith.minimumf %add3A_454, %add3A_423 : vector<16xf32>
        %max3A = arith.maximumf %sub3A_447, %sub3A_416 : vector<16xf32>
        %sub3A_470 = arith.subf %min3A_469, %max3A : vector<16xf32>
        %max3A_471 = arith.constant 0.000000e+00 : f32
        %max3A_472 = vector.broadcast %max3A_471 : f32 to vector<16xf32>
        %max3A_473 = arith.maximumf %sub3A_470, %max3A_472 : vector<16xf32>
        %min3A_474 = arith.minimumf %add3A_468, %add3A_437 : vector<16xf32>
        %max3A_475 = arith.maximumf %sub3A_461, %sub3A_430 : vector<16xf32>
        %sub3A_476 = arith.subf %min3A_474, %max3A_475 : vector<16xf32>
        %max3A_477 = arith.constant 0.000000e+00 : f32
        %max3A_478 = vector.broadcast %max3A_477 : f32 to vector<16xf32>
        %max3A_479 = arith.maximumf %sub3A_476, %max3A_478 : vector<16xf32>
        %mul3A_480 = arith.mulf %max3A_473, %max3A_479 : vector<16xf32>
        %sub3A_481 = arith.subf %add3A_454, %sub3A_447 : vector<16xf32>
        %sub3A_482 = arith.subf %add3A_468, %sub3A_461 : vector<16xf32>
        %mul3A_483 = arith.mulf %sub3A_481, %sub3A_482 : vector<16xf32>
        %add3A_484 = arith.addf %mul3A_483, %mul3A_440 : vector<16xf32>
        %sub3A_485 = arith.subf %add3A_484, %mul3A_480 : vector<16xf32>
        %div3A_486 = arith.divf %mul3A_480, %sub3A_485 : vector<16xf32>
        %mul3A_487 = arith.constant 6.400000e+01 : f32
        %mul3A_488 = vector.broadcast %mul3A_487 : f32 to vector<16xf32>
        %mul3A_489 = arith.mulf %get3A_381, %mul3A_488 : vector<16xf32>
        %mul3A_490 = arith.constant 2.240000e+02 : f32
        %mul3A_491 = vector.broadcast %mul3A_490 : f32 to vector<16xf32>
        %mul3A_492 = arith.mulf %get3A_389, %mul3A_491 : vector<16xf32>
        %sub3A_493 = arith.subf %mul3A_489, %mul3A_492 : vector<16xf32>
        %mul3A_494 = arith.constant 6.400000e+01 : f32
        %mul3A_495 = vector.broadcast %mul3A_494 : f32 to vector<16xf32>
        %mul3A_496 = arith.mulf %get3A_381, %mul3A_495 : vector<16xf32>
        %mul3A_497 = arith.constant 2.240000e+02 : f32
        %mul3A_498 = vector.broadcast %mul3A_497 : f32 to vector<16xf32>
        %mul3A_499 = arith.mulf %get3A_389, %mul3A_498 : vector<16xf32>
        %add3A_500 = arith.addf %mul3A_496, %mul3A_499 : vector<16xf32>
        %mul3A_501 = arith.constant 6.400000e+01 : f32
        %mul3A_502 = vector.broadcast %mul3A_501 : f32 to vector<16xf32>
        %mul3A_503 = arith.mulf %get3A_385, %mul3A_502 : vector<16xf32>
        %mul3A_504 = arith.constant 2.240000e+02 : f32
        %mul3A_505 = vector.broadcast %mul3A_504 : f32 to vector<16xf32>
        %mul3A_506 = arith.mulf %get3A_393, %mul3A_505 : vector<16xf32>
        %sub3A_507 = arith.subf %mul3A_503, %mul3A_506 : vector<16xf32>
        %mul3A_508 = arith.constant 6.400000e+01 : f32
        %mul3A_509 = vector.broadcast %mul3A_508 : f32 to vector<16xf32>
        %mul3A_510 = arith.mulf %get3A_385, %mul3A_509 : vector<16xf32>
        %mul3A_511 = arith.constant 2.240000e+02 : f32
        %mul3A_512 = vector.broadcast %mul3A_511 : f32 to vector<16xf32>
        %mul3A_513 = arith.mulf %get3A_393, %mul3A_512 : vector<16xf32>
        %add3A_514 = arith.addf %mul3A_510, %mul3A_513 : vector<16xf32>
        %min3A_515 = arith.minimumf %add3A_500, %add3A_423 : vector<16xf32>
        %max3A_516 = arith.maximumf %sub3A_493, %sub3A_416 : vector<16xf32>
        %sub3A_517 = arith.subf %min3A_515, %max3A_516 : vector<16xf32>
        %max3A_518 = arith.constant 0.000000e+00 : f32
        %max3A_519 = vector.broadcast %max3A_518 : f32 to vector<16xf32>
        %max3A_520 = arith.maximumf %sub3A_517, %max3A_519 : vector<16xf32>
        %min3A_521 = arith.minimumf %add3A_514, %add3A_437 : vector<16xf32>
        %max3A_522 = arith.maximumf %sub3A_507, %sub3A_430 : vector<16xf32>
        %sub3A_523 = arith.subf %min3A_521, %max3A_522 : vector<16xf32>
        %max3A_524 = arith.constant 0.000000e+00 : f32
        %max3A_525 = vector.broadcast %max3A_524 : f32 to vector<16xf32>
        %max3A_526 = arith.maximumf %sub3A_523, %max3A_525 : vector<16xf32>
        %mul3A_527 = arith.mulf %max3A_520, %max3A_526 : vector<16xf32>
        %sub3A_528 = arith.subf %add3A_500, %sub3A_493 : vector<16xf32>
        %sub3A_529 = arith.subf %add3A_514, %sub3A_507 : vector<16xf32>
        %mul3A_530 = arith.mulf %sub3A_528, %sub3A_529 : vector<16xf32>
        %add3A_531 = arith.addf %mul3A_530, %mul3A_440 : vector<16xf32>
        %sub3A_532 = arith.subf %add3A_531, %mul3A_527 : vector<16xf32>
        %div3A_533 = arith.divf %mul3A_527, %sub3A_532 : vector<16xf32>
        %ge3A = arith.cmpf oge, %div3A_486, %div3A_533 : vector<16xf32>
        %max3A_534 = arith.maximumf %div3A_486, %div3A_533 : vector<16xf32>
        %select_n3A_535 = arith.select %ge3A, %get3A_347, %get3A_351 : vector<16xi1>, vector<16xf32>
        %select_n3A_536 = arith.select %ge3A, %get3A_351, %get3A_347 : vector<16xi1>, vector<16xf32>
        %sub3A_537 = arith.subf %select_n3A_535, %max3A_534 : vector<16xf32>
        %mul3A_538 = arith.mulf %convert_element_type3A_340, %sub3A_537 : vector<16xf32>
        %mul3A_539 = arith.mulf %mul3A_538, %sub3A_537 : vector<16xf32>
        %mul3A_540 = arith.mulf %convert_element_type3A_340, %select_n3A_536 : vector<16xf32>
        %mul3A_541 = arith.mulf %mul3A_540, %select_n3A_536 : vector<16xf32>
        %get3A_542 = arith.constant 5 : i32
        %get3A_543 = arith.index_cast %get3A_542 : i32 to index
        %get3A_544 = arith.index_cast %mul3A_332 : i32 to index
        %get3A_545 = tpu.vector_load %arg8[%get3A_543, %get3A_544] {strides = array<i32>} : memref<30x512xf32, #tpu.memory_space<vmem>>, vector<16xf32>,
        %get3A_546 = arith.constant 6 : i32
        %get3A_547 = arith.index_cast %get3A_546 : i32 to index
        %get3A_548 = arith.index_cast %mul3A_332 : i32 to index
        %get3A_549 = tpu.vector_load %arg8[%get3A_547, %get3A_548] {strides = array<i32>} : memref<30x512xf32, #tpu.memory_space<vmem>>, vector<16xf32>,
        %select_n3A_550 = arith.select %ge3A, %get3A_365, %get3A_381 : vector<16xi1>, vector<16xf32>
        %select_n3A_551 = arith.select %ge3A, %get3A_397, %get3A_545 : vector<16xi1>, vector<16xf32>
        %sub3A_552 = arith.subf %select_n3A_550, %select_n3A_551 : vector<16xf32>
        %select_n3A_553 = arith.select %ge3A, %get3A_369, %get3A_385 : vector<16xi1>, vector<16xf32>
        %select_n3A_554 = arith.select %ge3A, %get3A_401, %get3A_549 : vector<16xi1>, vector<16xf32>
        %sub3A_555 = arith.subf %select_n3A_553, %select_n3A_554 : vector<16xf32>
        %mul3A_556 = arith.mulf %sub3A_552, %sub3A_552 : vector<16xf32>
        %mul3A_557 = arith.mulf %sub3A_555, %sub3A_555 : vector<16xf32>
        %add3A_558 = arith.addf %mul3A_556, %mul3A_557 : vector<16xf32>
        %get3A_559 = arith.constant 7 : i32
        %get3A_560 = arith.index_cast %get3A_559 : i32 to index
        %get3A_561 = arith.index_cast %mul3A_332 : i32 to index
        %get3A_562 = tpu.vector_load %arg8[%get3A_560, %get3A_561] {strides = array<i32>} : memref<30x512xf32, #tpu.memory_space<vmem>>, vector<16xf32>,
        %get3A_563 = arith.constant 8 : i32
        %get3A_564 = arith.index_cast %get3A_563 : i32 to index
        %get3A_565 = arith.index_cast %mul3A_332 : i32 to index
        %get3A_566 = tpu.vector_load %arg8[%get3A_564, %get3A_565] {strides = array<i32>} : memref<30x512xf32, #tpu.memory_space<vmem>>, vector<16xf32>,
        %select_n3A_567 = arith.select %ge3A, %get3A_373, %get3A_389 : vector<16xi1>, vector<16xf32>
        %select_n3A_568 = arith.select %ge3A, %get3A_405, %get3A_562 : vector<16xi1>, vector<16xf32>
        %select_n3A_569 = arith.select %ge3A, %get3A_377, %get3A_393 : vector<16xi1>, vector<16xf32>
        %select_n3A_570 = arith.select %ge3A, %get3A_409, %get3A_566 : vector<16xi1>, vector<16xf32>
        %add3A_571 = arith.addf %add3A_558, %select_n3A_567 : vector<16xf32>
        %add3A_572 = arith.addf %add3A_571, %select_n3A_568 : vector<16xf32>
        %mul3A_573 = arith.mulf %select_n3A_567, %select_n3A_568 : vector<16xf32>
        %bitcast3A = vector.bitcast %mul3A_573 : vector<16xf32> to vector<16xi32>
        %shift_right_arithmetic3A = arith.constant 1 : i32
        %shift_right_arithmetic3A_574 = vector.broadcast %shift_right_arithmetic3A : i32 to vector<16xi32>
        %shift_right_arithmetic3A_575 = arith.shrsi %bitcast3A, %shift_right_arithmetic3A_574 : vector<16xi32>
        %sub3A_576 = arith.constant 1597463007 : i32
        %sub3A_577 = vector.broadcast %sub3A_576 : i32 to vector<16xi32>
        %sub3A_578 = arith.subi %sub3A_577, %shift_right_arithmetic3A_575 : vector<16xi32>
        %bitcast3A_579 = vector.bitcast %sub3A_578 : vector<16xi32> to vector<16xf32>
        %mul3A_580 = arith.constant 5.000000e-01 : f32
        %mul3A_581 = vector.broadcast %mul3A_580 : f32 to vector<16xf32>
        %mul3A_582 = arith.mulf %mul3A_581, %mul3A_573 : vector<16xf32>
        %mul3A_583 = arith.mulf %mul3A_582, %bitcast3A_579 : vector<16xf32>
        %mul3A_584 = arith.mulf %mul3A_583, %bitcast3A_579 : vector<16xf32>
        %sub3A_585 = arith.constant 1.500000e+00 : f32
        %sub3A_586 = vector.broadcast %sub3A_585 : f32 to vector<16xf32>
        %sub3A_587 = arith.subf %sub3A_586, %mul3A_584 : vector<16xf32>
        %mul3A_588 = arith.mulf %bitcast3A_579, %sub3A_587 : vector<16xf32>
        %mul3A_589 = arith.constant 5.000000e-01 : f32
        %mul3A_590 = vector.broadcast %mul3A_589 : f32 to vector<16xf32>
        %mul3A_591 = arith.mulf %mul3A_590, %mul3A_573 : vector<16xf32>
        %mul3A_592 = arith.mulf %mul3A_591, %mul3A_588 : vector<16xf32>
        %mul3A_593 = arith.mulf %mul3A_592, %mul3A_588 : vector<16xf32>
        %sub3A_594 = arith.constant 1.500000e+00 : f32
        %sub3A_595 = vector.broadcast %sub3A_594 : f32 to vector<16xf32>
        %sub3A_596 = arith.subf %sub3A_595, %mul3A_593 : vector<16xf32>
        %mul3A_597 = arith.mulf %mul3A_588, %sub3A_596 : vector<16xf32>
        %mul3A_598 = arith.constant 5.000000e-01 : f32
        %mul3A_599 = vector.broadcast %mul3A_598 : f32 to vector<16xf32>
        %mul3A_600 = arith.mulf %mul3A_599, %mul3A_573 : vector<16xf32>
        %mul3A_601 = arith.mulf %mul3A_600, %mul3A_597 : vector<16xf32>
        %mul3A_602 = arith.mulf %mul3A_601, %mul3A_597 : vector<16xf32>
        %sub3A_603 = arith.constant 1.500000e+00 : f32
        %sub3A_604 = vector.broadcast %sub3A_603 : f32 to vector<16xf32>
        %sub3A_605 = arith.subf %sub3A_604, %mul3A_602 : vector<16xf32>
        %mul3A_606 = arith.mulf %mul3A_597, %sub3A_605 : vector<16xf32>
        %mul3A_607 = arith.mulf %mul3A_573, %mul3A_606 : vector<16xf32>
        %mul3A_608 = arith.constant 2.000000e+00 : f32
        %mul3A_609 = vector.broadcast %mul3A_608 : f32 to vector<16xf32>
        %mul3A_610 = arith.mulf %mul3A_609, %mul3A_607 : vector<16xf32>
        %sub3A_611 = arith.subf %add3A_572, %mul3A_610 : vector<16xf32>
        %add3A_612 = arith.addf %sub3A_611, %select_n3A_569 : vector<16xf32>
        %add3A_613 = arith.addf %add3A_612, %select_n3A_570 : vector<16xf32>
        %mul3A_614 = arith.mulf %select_n3A_569, %select_n3A_570 : vector<16xf32>
        %bitcast3A_615 = vector.bitcast %mul3A_614 : vector<16xf32> to vector<16xi32>
        %shift_right_arithmetic3A_616 = arith.constant 1 : i32
        %shift_right_arithmetic3A_617 = vector.broadcast %shift_right_arithmetic3A_616 : i32 to vector<16xi32>
        %shift_right_arithmetic3A_618 = arith.shrsi %bitcast3A_615, %shift_right_arithmetic3A_617 : vector<16xi32>
        %sub3A_619 = arith.constant 1597463007 : i32
        %sub3A_620 = vector.broadcast %sub3A_619 : i32 to vector<16xi32>
        %sub3A_621 = arith.subi %sub3A_620, %shift_right_arithmetic3A_618 : vector<16xi32>
        %bitcast3A_622 = vector.bitcast %sub3A_621 : vector<16xi32> to vector<16xf32>
        %mul3A_623 = arith.constant 5.000000e-01 : f32
        %mul3A_624 = vector.broadcast %mul3A_623 : f32 to vector<16xf32>
        %mul3A_625 = arith.mulf %mul3A_624, %mul3A_614 : vector<16xf32>
        %mul3A_626 = arith.mulf %mul3A_625, %bitcast3A_622 : vector<16xf32>
        %mul3A_627 = arith.mulf %mul3A_626, %bitcast3A_622 : vector<16xf32>
        %sub3A_628 = arith.constant 1.500000e+00 : f32
        %sub3A_629 = vector.broadcast %sub3A_628 : f32 to vector<16xf32>
        %sub3A_630 = arith.subf %sub3A_629, %mul3A_627 : vector<16xf32>
        %mul3A_631 = arith.mulf %bitcast3A_622, %sub3A_630 : vector<16xf32>
        %mul3A_632 = arith.constant 5.000000e-01 : f32
        %mul3A_633 = vector.broadcast %mul3A_632 : f32 to vector<16xf32>
        %mul3A_634 = arith.mulf %mul3A_633, %mul3A_614 : vector<16xf32>
        %mul3A_635 = arith.mulf %mul3A_634, %mul3A_631 : vector<16xf32>
        %mul3A_636 = arith.mulf %mul3A_635, %mul3A_631 : vector<16xf32>
        %sub3A_637 = arith.constant 1.500000e+00 : f32
        %sub3A_638 = vector.broadcast %sub3A_637 : f32 to vector<16xf32>
        %sub3A_639 = arith.subf %sub3A_638, %mul3A_636 : vector<16xf32>
        %mul3A_640 = arith.mulf %mul3A_631, %sub3A_639 : vector<16xf32>
        %mul3A_641 = arith.constant 5.000000e-01 : f32
        %mul3A_642 = vector.broadcast %mul3A_641 : f32 to vector<16xf32>
        %mul3A_643 = arith.mulf %mul3A_642, %mul3A_614 : vector<16xf32>
        %mul3A_644 = arith.mulf %mul3A_643, %mul3A_640 : vector<16xf32>
        %mul3A_645 = arith.mulf %mul3A_644, %mul3A_640 : vector<16xf32>
        %sub3A_646 = arith.constant 1.500000e+00 : f32
        %sub3A_647 = vector.broadcast %sub3A_646 : f32 to vector<16xf32>
        %sub3A_648 = arith.subf %sub3A_647, %mul3A_645 : vector<16xf32>
        %mul3A_649 = arith.mulf %mul3A_640, %sub3A_648 : vector<16xf32>
        %mul3A_650 = arith.mulf %mul3A_614, %mul3A_649 : vector<16xf32>
        %mul3A_651 = arith.constant 2.000000e+00 : f32
        %mul3A_652 = vector.broadcast %mul3A_651 : f32 to vector<16xf32>
        %mul3A_653 = arith.mulf %mul3A_652, %mul3A_650 : vector<16xf32>
        %sub3A_654 = arith.subf %add3A_613, %mul3A_653 : vector<16xf32>
        %broadcast_in_dim3A_655 = arith.constant 0.000000e+00 : f32
        %broadcast_in_dim3A_656 = vector.broadcast %broadcast_in_dim3A_655 : f32 to vector<16xf32>
        %get3A_657 = arith.constant 10 : i32
        %get3A_658 = arith.index_cast %get3A_657 : i32 to index
        %get3A_659 = arith.index_cast %mul3A_332 : i32 to index
        %get3A_660 = tpu.vector_load %arg7[%get3A_658, %get3A_659] {strides = array<i32>} : memref<30x512xf32, #tpu.memory_space<vmem>>, vector<16xf32>,
        %get3A_661 = arith.constant 10 : i32
        %get3A_662 = arith.index_cast %get3A_661 : i32 to index
        %get3A_663 = arith.index_cast %mul3A_332 : i32 to index
        %get3A_664 = tpu.vector_load %arg8[%get3A_662, %get3A_663] {strides = array<i32>} : memref<30x512xf32, #tpu.memory_space<vmem>>, vector<16xf32>,
        %sub3A_665 = arith.subf %get3A_660, %get3A_664 : vector<16xf32>
        %mul3A_666 = arith.mulf %sub3A_665, %sub3A_665 : vector<16xf32>
        %add3A_667 = arith.addf %broadcast_in_dim3A_656, %mul3A_666 : vector<16xf32>
        %get3A_668 = arith.constant 11 : i32
        %get3A_669 = arith.index_cast %get3A_668 : i32 to index
        %get3A_670 = arith.index_cast %mul3A_332 : i32 to index
        %get3A_671 = tpu.vector_load %arg7[%get3A_669, %get3A_670] {strides = array<i32>} : memref<30x512xf32, #tpu.memory_space<vmem>>, vector<16xf32>,
        %get3A_672 = arith.constant 11 : i32
        %get3A_673 = arith.index_cast %get3A_672 : i32 to index
        %get3A_674 = arith.index_cast %mul3A_332 : i32 to index
        %get3A_675 = tpu.vector_load %arg8[%get3A_673, %get3A_674] {strides = array<i32>} : memref<30x512xf32, #tpu.memory_space<vmem>>, vector<16xf32>,
        %sub3A_676 = arith.subf %get3A_671, %get3A_675 : vector<16xf32>
        %mul3A_677 = arith.mulf %sub3A_676, %sub3A_676 : vector<16xf32>
        %add3A_678 = arith.addf %add3A_667, %mul3A_677 : vector<16xf32>
        %get3A_679 = arith.constant 12 : i32
        %get3A_680 = arith.index_cast %get3A_679 : i32 to index
        %get3A_681 = arith.index_cast %mul3A_332 : i32 to index
        %get3A_682 = tpu.vector_load %arg7[%get3A_680, %get3A_681] {strides = array<i32>} : memref<30x512xf32, #tpu.memory_space<vmem>>, vector<16xf32>,
        %get3A_683 = arith.constant 12 : i32
        %get3A_684 = arith.index_cast %get3A_683 : i32 to index
        %get3A_685 = arith.index_cast %mul3A_332 : i32 to index
        %get3A_686 = tpu.vector_load %arg8[%get3A_684, %get3A_685] {strides = array<i32>} : memref<30x512xf32, #tpu.memory_space<vmem>>, vector<16xf32>,
        %sub3A_687 = arith.subf %get3A_682, %get3A_686 : vector<16xf32>
        %mul3A_688 = arith.mulf %sub3A_687, %sub3A_687 : vector<16xf32>
        %add3A_689 = arith.addf %add3A_678, %mul3A_688 : vector<16xf32>
        %get3A_690 = arith.constant 13 : i32
        %get3A_691 = arith.index_cast %get3A_690 : i32 to index
        %get3A_692 = arith.index_cast %mul3A_332 : i32 to index
        %get3A_693 = tpu.vector_load %arg7[%get3A_691, %get3A_692] {strides = array<i32>} : memref<30x512xf32, #tpu.memory_space<vmem>>, vector<16xf32>,
        %get3A_694 = arith.constant 13 : i32
        %get3A_695 = arith.index_cast %get3A_694 : i32 to index
        %get3A_696 = arith.index_cast %mul3A_332 : i32 to index
        %get3A_697 = tpu.vector_load %arg8[%get3A_695, %get3A_696] {strides = array<i32>} : memref<30x512xf32, #tpu.memory_space<vmem>>, vector<16xf32>,
        %sub3A_698 = arith.subf %get3A_693, %get3A_697 : vector<16xf32>
        %mul3A_699 = arith.mulf %sub3A_698, %sub3A_698 : vector<16xf32>
        %add3A_700 = arith.addf %add3A_689, %mul3A_699 : vector<16xf32>
        %get3A_701 = arith.constant 14 : i32
        %get3A_702 = arith.index_cast %get3A_701 : i32 to index
        %get3A_703 = arith.index_cast %mul3A_332 : i32 to index
        %get3A_704 = tpu.vector_load %arg7[%get3A_702, %get3A_703] {strides = array<i32>} : memref<30x512xf32, #tpu.memory_space<vmem>>, vector<16xf32>,
        %get3A_705 = arith.constant 14 : i32
        %get3A_706 = arith.index_cast %get3A_705 : i32 to index
        %get3A_707 = arith.index_cast %mul3A_332 : i32 to index
        %get3A_708 = tpu.vector_load %arg8[%get3A_706, %get3A_707] {strides = array<i32>} : memref<30x512xf32, #tpu.memory_space<vmem>>, vector<16xf32>,
        %sub3A_709 = arith.subf %get3A_704, %get3A_708 : vector<16xf32>
        %mul3A_710 = arith.mulf %sub3A_709, %sub3A_709 : vector<16xf32>
        %add3A_711 = arith.addf %add3A_700, %mul3A_710 : vector<16xf32>
        %get3A_712 = arith.constant 15 : i32
        %get3A_713 = arith.index_cast %get3A_712 : i32 to index
        %get3A_714 = arith.index_cast %mul3A_332 : i32 to index
        %get3A_715 = tpu.vector_load %arg7[%get3A_713, %get3A_714] {strides = array<i32>} : memref<30x512xf32, #tpu.memory_space<vmem>>, vector<16xf32>,
        %get3A_716 = arith.constant 15 : i32
        %get3A_717 = arith.index_cast %get3A_716 : i32 to index
        %get3A_718 = arith.index_cast %mul3A_332 : i32 to index
        %get3A_719 = tpu.vector_load %arg8[%get3A_717, %get3A_718] {strides = array<i32>} : memref<30x512xf32, #tpu.memory_space<vmem>>, vector<16xf32>,
        %sub3A_720 = arith.subf %get3A_715, %get3A_719 : vector<16xf32>
        %mul3A_721 = arith.mulf %sub3A_720, %sub3A_720 : vector<16xf32>
        %add3A_722 = arith.addf %add3A_711, %mul3A_721 : vector<16xf32>
        %get3A_723 = arith.constant 16 : i32
        %get3A_724 = arith.index_cast %get3A_723 : i32 to index
        %get3A_725 = arith.index_cast %mul3A_332 : i32 to index
        %get3A_726 = tpu.vector_load %arg7[%get3A_724, %get3A_725] {strides = array<i32>} : memref<30x512xf32, #tpu.memory_space<vmem>>, vector<16xf32>,
        %get3A_727 = arith.constant 16 : i32
        %get3A_728 = arith.index_cast %get3A_727 : i32 to index
        %get3A_729 = arith.index_cast %mul3A_332 : i32 to index
        %get3A_730 = tpu.vector_load %arg8[%get3A_728, %get3A_729] {strides = array<i32>} : memref<30x512xf32, #tpu.memory_space<vmem>>, vector<16xf32>,
        %sub3A_731 = arith.subf %get3A_726, %get3A_730 : vector<16xf32>
        %mul3A_732 = arith.mulf %sub3A_731, %sub3A_731 : vector<16xf32>
        %add3A_733 = arith.addf %add3A_722, %mul3A_732 : vector<16xf32>
        %get3A_734 = arith.constant 17 : i32
        %get3A_735 = arith.index_cast %get3A_734 : i32 to index
        %get3A_736 = arith.index_cast %mul3A_332 : i32 to index
        %get3A_737 = tpu.vector_load %arg7[%get3A_735, %get3A_736] {strides = array<i32>} : memref<30x512xf32, #tpu.memory_space<vmem>>, vector<16xf32>,
        %get3A_738 = arith.constant 17 : i32
        %get3A_739 = arith.index_cast %get3A_738 : i32 to index
        %get3A_740 = arith.index_cast %mul3A_332 : i32 to index
        %get3A_741 = tpu.vector_load %arg8[%get3A_739, %get3A_740] {strides = array<i32>} : memref<30x512xf32, #tpu.memory_space<vmem>>, vector<16xf32>,
        %sub3A_742 = arith.subf %get3A_737, %get3A_741 : vector<16xf32>
        %mul3A_743 = arith.mulf %sub3A_742, %sub3A_742 : vector<16xf32>
        %add3A_744 = arith.addf %add3A_733, %mul3A_743 : vector<16xf32>
        %get3A_745 = arith.constant 18 : i32
        %get3A_746 = arith.index_cast %get3A_745 : i32 to index
        %get3A_747 = arith.index_cast %mul3A_332 : i32 to index
        %get3A_748 = tpu.vector_load %arg7[%get3A_746, %get3A_747] {strides = array<i32>} : memref<30x512xf32, #tpu.memory_space<vmem>>, vector<16xf32>,
        %get3A_749 = arith.constant 18 : i32
        %get3A_750 = arith.index_cast %get3A_749 : i32 to index
        %get3A_751 = arith.index_cast %mul3A_332 : i32 to index
        %get3A_752 = tpu.vector_load %arg8[%get3A_750, %get3A_751] {strides = array<i32>} : memref<30x512xf32, #tpu.memory_space<vmem>>, vector<16xf32>,
        %sub3A_753 = arith.subf %get3A_748, %get3A_752 : vector<16xf32>
        %mul3A_754 = arith.mulf %sub3A_753, %sub3A_753 : vector<16xf32>
        %add3A_755 = arith.addf %add3A_744, %mul3A_754 : vector<16xf32>
        %get3A_756 = arith.constant 19 : i32
        %get3A_757 = arith.index_cast %get3A_756 : i32 to index
        %get3A_758 = arith.index_cast %mul3A_332 : i32 to index
        %get3A_759 = tpu.vector_load %arg7[%get3A_757, %get3A_758] {strides = array<i32>} : memref<30x512xf32, #tpu.memory_space<vmem>>, vector<16xf32>,
        %get3A_760 = arith.constant 19 : i32
        %get3A_761 = arith.index_cast %get3A_760 : i32 to index
        %get3A_762 = arith.index_cast %mul3A_332 : i32 to index
        %get3A_763 = tpu.vector_load %arg8[%get3A_761, %get3A_762] {strides = array<i32>} : memref<30x512xf32, #tpu.memory_space<vmem>>, vector<16xf32>,
        %sub3A_764 = arith.subf %get3A_759, %get3A_763 : vector<16xf32>
        %mul3A_765 = arith.mulf %sub3A_764, %sub3A_764 : vector<16xf32>
        %add3A_766 = arith.addf %add3A_755, %mul3A_765 : vector<16xf32>
        %get3A_767 = arith.constant 20 : i32
        %get3A_768 = arith.index_cast %get3A_767 : i32 to index
        %get3A_769 = arith.index_cast %mul3A_332 : i32 to index
        %get3A_770 = tpu.vector_load %arg7[%get3A_768, %get3A_769] {strides = array<i32>} : memref<30x512xf32, #tpu.memory_space<vmem>>, vector<16xf32>,
        %get3A_771 = arith.constant 20 : i32
        %get3A_772 = arith.index_cast %get3A_771 : i32 to index
        %get3A_773 = arith.index_cast %mul3A_332 : i32 to index
        %get3A_774 = tpu.vector_load %arg8[%get3A_772, %get3A_773] {strides = array<i32>} : memref<30x512xf32, #tpu.memory_space<vmem>>, vector<16xf32>,
        %sub3A_775 = arith.subf %get3A_770, %get3A_774 : vector<16xf32>
        %mul3A_776 = arith.mulf %sub3A_775, %sub3A_775 : vector<16xf32>
        %add3A_777 = arith.addf %add3A_766, %mul3A_776 : vector<16xf32>
        %get3A_778 = arith.constant 21 : i32
        %get3A_779 = arith.index_cast %get3A_778 : i32 to index
        %get3A_780 = arith.index_cast %mul3A_332 : i32 to index
        %get3A_781 = tpu.vector_load %arg7[%get3A_779, %get3A_780] {strides = array<i32>} : memref<30x512xf32, #tpu.memory_space<vmem>>, vector<16xf32>,
        %get3A_782 = arith.constant 21 : i32
        %get3A_783 = arith.index_cast %get3A_782 : i32 to index
        %get3A_784 = arith.index_cast %mul3A_332 : i32 to index
        %get3A_785 = tpu.vector_load %arg8[%get3A_783, %get3A_784] {strides = array<i32>} : memref<30x512xf32, #tpu.memory_space<vmem>>, vector<16xf32>,
        %sub3A_786 = arith.subf %get3A_781, %get3A_785 : vector<16xf32>
        %mul3A_787 = arith.mulf %sub3A_786, %sub3A_786 : vector<16xf32>
        %add3A_788 = arith.addf %add3A_777, %mul3A_787 : vector<16xf32>
        %get3A_789 = arith.constant 22 : i32
        %get3A_790 = arith.index_cast %get3A_789 : i32 to index
        %get3A_791 = arith.index_cast %mul3A_332 : i32 to index
        %get3A_792 = tpu.vector_load %arg7[%get3A_790, %get3A_791] {strides = array<i32>} : memref<30x512xf32, #tpu.memory_space<vmem>>, vector<16xf32>,
        %get3A_793 = arith.constant 22 : i32
        %get3A_794 = arith.index_cast %get3A_793 : i32 to index
        %get3A_795 = arith.index_cast %mul3A_332 : i32 to index
        %get3A_796 = tpu.vector_load %arg8[%get3A_794, %get3A_795] {strides = array<i32>} : memref<30x512xf32, #tpu.memory_space<vmem>>, vector<16xf32>,
        %sub3A_797 = arith.subf %get3A_792, %get3A_796 : vector<16xf32>
        %mul3A_798 = arith.mulf %sub3A_797, %sub3A_797 : vector<16xf32>
        %add3A_799 = arith.addf %add3A_788, %mul3A_798 : vector<16xf32>
        %get3A_800 = arith.constant 23 : i32
        %get3A_801 = arith.index_cast %get3A_800 : i32 to index
        %get3A_802 = arith.index_cast %mul3A_332 : i32 to index
        %get3A_803 = tpu.vector_load %arg7[%get3A_801, %get3A_802] {strides = array<i32>} : memref<30x512xf32, #tpu.memory_space<vmem>>, vector<16xf32>,
        %get3A_804 = arith.constant 23 : i32
        %get3A_805 = arith.index_cast %get3A_804 : i32 to index
        %get3A_806 = arith.index_cast %mul3A_332 : i32 to index
        %get3A_807 = tpu.vector_load %arg8[%get3A_805, %get3A_806] {strides = array<i32>} : memref<30x512xf32, #tpu.memory_space<vmem>>, vector<16xf32>,
        %sub3A_808 = arith.subf %get3A_803, %get3A_807 : vector<16xf32>
        %mul3A_809 = arith.mulf %sub3A_808, %sub3A_808 : vector<16xf32>
        %add3A_810 = arith.addf %add3A_799, %mul3A_809 : vector<16xf32>
        %get3A_811 = arith.constant 24 : i32
        %get3A_812 = arith.index_cast %get3A_811 : i32 to index
        %get3A_813 = arith.index_cast %mul3A_332 : i32 to index
        %get3A_814 = tpu.vector_load %arg7[%get3A_812, %get3A_813] {strides = array<i32>} : memref<30x512xf32, #tpu.memory_space<vmem>>, vector<16xf32>,
        %get3A_815 = arith.constant 24 : i32
        %get3A_816 = arith.index_cast %get3A_815 : i32 to index
        %get3A_817 = arith.index_cast %mul3A_332 : i32 to index
        %get3A_818 = tpu.vector_load %arg8[%get3A_816, %get3A_817] {strides = array<i32>} : memref<30x512xf32, #tpu.memory_space<vmem>>, vector<16xf32>,
        %sub3A_819 = arith.subf %get3A_814, %get3A_818 : vector<16xf32>
        %mul3A_820 = arith.mulf %sub3A_819, %sub3A_819 : vector<16xf32>
        %add3A_821 = arith.addf %add3A_810, %mul3A_820 : vector<16xf32>
        %get3A_822 = arith.constant 25 : i32
        %get3A_823 = arith.index_cast %get3A_822 : i32 to index
        %get3A_824 = arith.index_cast %mul3A_332 : i32 to index
        %get3A_825 = tpu.vector_load %arg7[%get3A_823, %get3A_824] {strides = array<i32>} : memref<30x512xf32, #tpu.memory_space<vmem>>, vector<16xf32>,
        %get3A_826 = arith.constant 25 : i32
        %get3A_827 = arith.index_cast %get3A_826 : i32 to index
        %get3A_828 = arith.index_cast %mul3A_332 : i32 to index
        %get3A_829 = tpu.vector_load %arg8[%get3A_827, %get3A_828] {strides = array<i32>} : memref<30x512xf32, #tpu.memory_space<vmem>>, vector<16xf32>,
        %sub3A_830 = arith.subf %get3A_825, %get3A_829 : vector<16xf32>
        %mul3A_831 = arith.mulf %sub3A_830, %sub3A_830 : vector<16xf32>
        %add3A_832 = arith.addf %add3A_821, %mul3A_831 : vector<16xf32>
        %get3A_833 = arith.constant 26 : i32
        %get3A_834 = arith.index_cast %get3A_833 : i32 to index
        %get3A_835 = arith.index_cast %mul3A_332 : i32 to index
        %get3A_836 = tpu.vector_load %arg7[%get3A_834, %get3A_835] {strides = array<i32>} : memref<30x512xf32, #tpu.memory_space<vmem>>, vector<16xf32>,
        %get3A_837 = arith.constant 26 : i32
        %get3A_838 = arith.index_cast %get3A_837 : i32 to index
        %get3A_839 = arith.index_cast %mul3A_332 : i32 to index
        %get3A_840 = tpu.vector_load %arg8[%get3A_838, %get3A_839] {strides = array<i32>} : memref<30x512xf32, #tpu.memory_space<vmem>>, vector<16xf32>,
        %sub3A_841 = arith.subf %get3A_836, %get3A_840 : vector<16xf32>
        %mul3A_842 = arith.mulf %sub3A_841, %sub3A_841 : vector<16xf32>
        %add3A_843 = arith.addf %add3A_832, %mul3A_842 : vector<16xf32>
        %get3A_844 = arith.constant 27 : i32
        %get3A_845 = arith.index_cast %get3A_844 : i32 to index
        %get3A_846 = arith.index_cast %mul3A_332 : i32 to index
        %get3A_847 = tpu.vector_load %arg7[%get3A_845, %get3A_846] {strides = array<i32>} : memref<30x512xf32, #tpu.memory_space<vmem>>, vector<16xf32>,
        %get3A_848 = arith.constant 27 : i32
        %get3A_849 = arith.index_cast %get3A_848 : i32 to index
        %get3A_850 = arith.index_cast %mul3A_332 : i32 to index
        %get3A_851 = tpu.vector_load %arg8[%get3A_849, %get3A_850] {strides = array<i32>} : memref<30x512xf32, #tpu.memory_space<vmem>>, vector<16xf32>,
        %sub3A_852 = arith.subf %get3A_847, %get3A_851 : vector<16xf32>
        %mul3A_853 = arith.mulf %sub3A_852, %sub3A_852 : vector<16xf32>
        %add3A_854 = arith.addf %add3A_843, %mul3A_853 : vector<16xf32>
        %get3A_855 = arith.constant 28 : i32
        %get3A_856 = arith.index_cast %get3A_855 : i32 to index
        %get3A_857 = arith.index_cast %mul3A_332 : i32 to index
        %get3A_858 = tpu.vector_load %arg7[%get3A_856, %get3A_857] {strides = array<i32>} : memref<30x512xf32, #tpu.memory_space<vmem>>, vector<16xf32>,
        %get3A_859 = arith.constant 28 : i32
        %get3A_860 = arith.index_cast %get3A_859 : i32 to index
        %get3A_861 = arith.index_cast %mul3A_332 : i32 to index
        %get3A_862 = tpu.vector_load %arg8[%get3A_860, %get3A_861] {strides = array<i32>} : memref<30x512xf32, #tpu.memory_space<vmem>>, vector<16xf32>,
        %sub3A_863 = arith.subf %get3A_858, %get3A_862 : vector<16xf32>
        %mul3A_864 = arith.mulf %sub3A_863, %sub3A_863 : vector<16xf32>
        %add3A_865 = arith.addf %add3A_854, %mul3A_864 : vector<16xf32>
        %get3A_866 = arith.constant 29 : i32
        %get3A_867 = arith.index_cast %get3A_866 : i32 to index
        %get3A_868 = arith.index_cast %mul3A_332 : i32 to index
        %get3A_869 = tpu.vector_load %arg7[%get3A_867, %get3A_868] {strides = array<i32>} : memref<30x512xf32, #tpu.memory_space<vmem>>, vector<16xf32>,
        %get3A_870 = arith.constant 29 : i32
        %get3A_871 = arith.index_cast %get3A_870 : i32 to index
        %get3A_872 = arith.index_cast %mul3A_332 : i32 to index
        %get3A_873 = tpu.vector_load %arg8[%get3A_871, %get3A_872] {strides = array<i32>} : memref<30x512xf32, #tpu.memory_space<vmem>>, vector<16xf32>,
        %sub3A_874 = arith.subf %get3A_869, %get3A_873 : vector<16xf32>
        %mul3A_875 = arith.mulf %sub3A_874, %sub3A_874 : vector<16xf32>
        %add3A_876 = arith.addf %add3A_865, %mul3A_875 : vector<16xf32>
        %mul3A_877 = arith.constant 5.000000e+00 : f32
        %mul3A_878 = vector.broadcast %mul3A_877 : f32 to vector<16xf32>
        %mul3A_879 = arith.mulf %mul3A_878, %convert_element_type3A_340 : vector<16xf32>
        %mul3A_880 = arith.mulf %mul3A_879, %sub3A_654 : vector<16xf32>
        %add3A_881 = arith.addf %mul3A_880, %mul3A_539 : vector<16xf32>
        %add3A_882 = arith.addf %add3A_881, %mul3A_541 : vector<16xf32>
        %mul3A_883 = arith.constant 5.000000e-01 : f32
        %mul3A_884 = vector.broadcast %mul3A_883 : f32 to vector<16xf32>
        %mul3A_885 = arith.mulf %mul3A_884, %mul3A_361 : vector<16xf32>
        %add3A_886 = arith.addf %add3A_882, %mul3A_885 : vector<16xf32>
        %mul3A_887 = arith.mulf %convert_element_type3A_340, %add3A_876 : vector<16xf32>
        %add3A_888 = arith.addf %add3A_886, %mul3A_887 : vector<16xf32>
        %get3A_889 = arith.constant 0 : index
        %get3A_890 = tpu.vector_load %arg10[%get3A_889] {strides = array<i32>} : memref<16xf32, #tpu.memory_space<vmem>>, vector<16xf32>,
        %add3A_891 = arith.addf %get3A_890, %add3A_888 : vector<16xf32>
        %swap3A_892 = arith.constant 0 : index
        %swap3A_893 = tpu.vector_load %arg10[%swap3A_892] {strides = array<i32>} : memref<16xf32, #tpu.memory_space<vmem>>, vector<16xf32>,
        tpu.vector_store %arg10[%swap3A_892], %add3A_891 {strides = array<i32>} : memref<16xf32, #tpu.memory_space<vmem>>, vector<16xf32>,
      }
      %scan3A_325 = arith.constant 32 : i32
    }
    %scan3A_73 = arith.constant 6 : i32
    %eq3A = arith.constant 13 : i32
    %eq3A_74 = arith.cmpi eq, %select_n3A, %eq3A : i32
    %convert_element_type3A = arith.extui %eq3A_74 : i1 to i32
    %cond3A = arith.constant 0 : i32
    %cond3A_75 = arith.cmpi ne, %convert_element_type3A, %cond3A : i32
    scf.if %cond3A_75 {
      %add3A_93 = arith.constant 12 : i32
      %add3A_94 = arith.addi %add3A_6, %add3A_93 : i32
      %jit3A_95 = arith.constant 2 : i32
      %div3A_96 = arith.divsi %add3A_94, %jit3A_95 : i32
      %sign3A_97 = arith.constant 0 : i32
      %sign3A_98 = arith.cmpi sgt, %add3A_94, %sign3A_97 : i32
      %sign3A_99 = arith.extui %sign3A_98 : i1 to i32
      %sign3A_100 = arith.constant 0 : i32
      %sign3A_101 = arith.cmpi slt, %add3A_94, %sign3A_100 : i32
      %sign3A_102 = arith.extui %sign3A_101 : i1 to i32
      %sign3A_103 = arith.subi %sign3A_99, %sign3A_102 : i32
      %sign3A_104 = arith.constant 0 : i32
      %sign3A_105 = arith.cmpi sgt, %jit3A_95, %sign3A_104 : i32
      %sign3A_106 = arith.extui %sign3A_105 : i1 to i32
      %sign3A_107 = arith.constant 0 : i32
      %sign3A_108 = arith.cmpi slt, %jit3A_95, %sign3A_107 : i32
      %sign3A_109 = arith.extui %sign3A_108 : i1 to i32
      %sign3A_110 = arith.subi %sign3A_106, %sign3A_109 : i32
      %ne3A_111 = arith.cmpi ne, %sign3A_103, %sign3A_110 : i32
      %rem3A_112 = arith.remsi %add3A_94, %jit3A_95 : i32
      %ne3A_113 = arith.constant 0 : i32
      %ne3A_114 = arith.cmpi ne, %rem3A_112, %ne3A_113 : i32
      %and3A_115 = arith.andi %ne3A_111, %ne3A_114 : i1
      %sub3A_116 = arith.constant 1 : i32
      %sub3A_117 = arith.subi %div3A_96, %sub3A_116 : i32
      %select_n3A_118 = arith.select %and3A_115, %sub3A_117, %div3A_96 : i32
      %mul3A_119 = arith.constant 2 : i32
      %mul3A_120 = arith.muli %select_n3A_118, %mul3A_119 : i32
      %sub3A_121 = arith.subi %add3A_94, %mul3A_120 : i32
      %jit3A_122 = arith.constant 14 : i32
      %div3A_123 = arith.divsi %select_n3A_118, %jit3A_122 : i32
      %sign3A_124 = arith.constant 0 : i32
      %sign3A_125 = arith.cmpi sgt, %select_n3A_118, %sign3A_124 : i32
      %sign3A_126 = arith.extui %sign3A_125 : i1 to i32
      %sign3A_127 = arith.constant 0 : i32
      %sign3A_128 = arith.cmpi slt, %select_n3A_118, %sign3A_127 : i32
      %sign3A_129 = arith.extui %sign3A_128 : i1 to i32
      %sign3A_130 = arith.subi %sign3A_126, %sign3A_129 : i32
      %sign3A_131 = arith.constant 0 : i32
      %sign3A_132 = arith.cmpi sgt, %jit3A_122, %sign3A_131 : i32
      %sign3A_133 = arith.extui %sign3A_132 : i1 to i32
      %sign3A_134 = arith.constant 0 : i32
      %sign3A_135 = arith.cmpi slt, %jit3A_122, %sign3A_134 : i32
      %sign3A_136 = arith.extui %sign3A_135 : i1 to i32
      %sign3A_137 = arith.subi %sign3A_133, %sign3A_136 : i32
      %ne3A_138 = arith.cmpi ne, %sign3A_130, %sign3A_137 : i32
      %rem3A_139 = arith.remsi %select_n3A_118, %jit3A_122 : i32
      %ne3A_140 = arith.constant 0 : i32
      %ne3A_141 = arith.cmpi ne, %rem3A_139, %ne3A_140 : i32
      %and3A_142 = arith.andi %ne3A_138, %ne3A_141 : i1
      %sub3A_143 = arith.constant 1 : i32
      %sub3A_144 = arith.subi %div3A_123, %sub3A_143 : i32
      %select_n3A_145 = arith.select %and3A_142, %sub3A_144, %div3A_123 : i32
      %mul3A_146 = arith.constant 14 : i32
      %mul3A_147 = arith.muli %select_n3A_145, %mul3A_146 : i32
      %sub3A_148 = arith.subi %select_n3A_118, %mul3A_147 : i32
      %mul3A_149 = arith.constant 512 : i32
      %mul3A_150 = arith.muli %sub3A_121, %mul3A_149 : i32
      %multiple_of3A_151 = tpu.assume_multiple %mul3A_150, 128 : i32
      %dma_wait3A_152 = arith.constant 0 : i32
      %dma_wait3A_153 = tpu.memref_slice %arg2[%select_n3A_145, %sub3A_148, %dma_wait3A_152, %multiple_of3A_151] : memref<14x14x30x1024xf32, #tpu.memory_space<hbm>> -> memref<1x1x30x512xf32, #tpu.memory_space<hbm>>
      %dma_wait3A_154 = tpu.memref_squeeze %dma_wait3A_153 : memref<1x1x30x512xf32, #tpu.memory_space<hbm>> -> memref<30x512xf32, #tpu.memory_space<hbm>>
      %dma_wait3A_155 = arith.constant 0 : i32
      %dma_wait3A_156 = tpu.memref_slice %arg2[%select_n3A_145, %sub3A_148, %dma_wait3A_155, %multiple_of3A_151] : memref<14x14x30x1024xf32, #tpu.memory_space<hbm>> -> memref<1x1x30x512xf32, #tpu.memory_space<hbm>>
      %dma_wait3A_157 = tpu.memref_squeeze %dma_wait3A_156 : memref<1x1x30x512xf32, #tpu.memory_space<hbm>> -> memref<30x512xf32, #tpu.memory_space<hbm>>
      tpu.wait_dma2 semaphore(%arg11 : memref<!tpu.dma_semaphore, #tpu.memory_space<semaphore_mem>>) src(%dma_wait3A_157 : memref<30x512xf32, #tpu.memory_space<hbm>>) dst(%arg5 : memref<30x512xf32, #tpu.memory_space<vmem>>)
      %dma_wait3A_158 = arith.constant 0 : i32
      %dma_wait3A_159 = tpu.memref_slice %arg3[%select_n3A_145, %sub3A_148, %dma_wait3A_158, %multiple_of3A_151] : memref<14x14x30x1024xf32, #tpu.memory_space<hbm>> -> memref<1x1x30x512xf32, #tpu.memory_space<hbm>>
      %dma_wait3A_160 = tpu.memref_squeeze %dma_wait3A_159 : memref<1x1x30x512xf32, #tpu.memory_space<hbm>> -> memref<30x512xf32, #tpu.memory_space<hbm>>
      %dma_wait3A_161 = arith.constant 0 : i32
      %dma_wait3A_162 = tpu.memref_slice %arg3[%select_n3A_145, %sub3A_148, %dma_wait3A_161, %multiple_of3A_151] : memref<14x14x30x1024xf32, #tpu.memory_space<hbm>> -> memref<1x1x30x512xf32, #tpu.memory_space<hbm>>
      %dma_wait3A_163 = tpu.memref_squeeze %dma_wait3A_162 : memref<1x1x30x512xf32, #tpu.memory_space<hbm>> -> memref<30x512xf32, #tpu.memory_space<hbm>>
      tpu.wait_dma2 semaphore(%arg11 : memref<!tpu.dma_semaphore, #tpu.memory_space<semaphore_mem>>) src(%dma_wait3A_163 : memref<30x512xf32, #tpu.memory_space<hbm>>) dst(%arg6 : memref<30x512xf32, #tpu.memory_space<vmem>>)
      %scan3A_164 = arith.constant 0 : i32
      %scan3A_165 = arith.constant 32 : i32
      %scan3A_166 = arith.addi %scan3A_164, %scan3A_165 : i32
      %scan3A_167 = arith.constant 1 : i32
      scf.for %scan3A_169 = %scan3A_164 to %scan3A_166 step %scan3A_167  : i32 {
        %mul3A_170 = arith.constant 1 : i32
        %mul3A_171 = arith.muli %scan3A_169, %mul3A_170 : i32
        %add3A_172 = arith.constant 0 : i32
        %add3A_173 = arith.addi %add3A_172, %mul3A_171 : i32
        %mul3A_174 = arith.constant 16 : i32
        %mul3A_175 = arith.muli %add3A_173, %mul3A_174 : i32
        %get3A_176 = arith.constant 4 : i32
        %get3A_177 = arith.index_cast %get3A_176 : i32 to index
        %get3A_178 = arith.index_cast %mul3A_175 : i32 to index
        %get3A_179 = tpu.vector_load %arg6[%get3A_177, %get3A_178] {strides = array<i32>} : memref<30x512xf32, #tpu.memory_space<vmem>>, vector<16xf32>,
        %gt3A = arith.constant 0.000000e+00 : f32
        %gt3A_180 = vector.broadcast %gt3A : f32 to vector<16xf32>
        %gt3A_181 = arith.cmpf ogt, %get3A_179, %gt3A_180 : vector<16xf32>
        %convert_element_type3A_182 = arith.extui %gt3A_181 : vector<16xi1> to vector<16xi32>
        %convert_element_type3A_183 = arith.sitofp %convert_element_type3A_182 : vector<16xi32> to vector<16xf32>
        %sub3A_184 = arith.constant 1.000000e+00 : f32
        %sub3A_185 = vector.broadcast %sub3A_184 : f32 to vector<16xf32>
        %sub3A_186 = arith.subf %sub3A_185, %convert_element_type3A_183 : vector<16xf32>
        %get3A_187 = arith.constant 4 : i32
        %get3A_188 = arith.index_cast %get3A_187 : i32 to index
        %get3A_189 = arith.index_cast %mul3A_175 : i32 to index
        %get3A_190 = tpu.vector_load %arg5[%get3A_188, %get3A_189] {strides = array<i32>} : memref<30x512xf32, #tpu.memory_space<vmem>>, vector<16xf32>,
        %get3A_191 = arith.constant 9 : i32
        %get3A_192 = arith.index_cast %get3A_191 : i32 to index
        %get3A_193 = arith.index_cast %mul3A_175 : i32 to index
        %get3A_194 = tpu.vector_load %arg5[%get3A_192, %get3A_193] {strides = array<i32>} : memref<30x512xf32, #tpu.memory_space<vmem>>, vector<16xf32>,
        %get3A_195 = arith.constant 9 : i32
        %get3A_196 = arith.index_cast %get3A_195 : i32 to index
        %get3A_197 = arith.index_cast %mul3A_175 : i32 to index
        %get3A_198 = tpu.vector_load %arg6[%get3A_196, %get3A_197] {strides = array<i32>} : memref<30x512xf32, #tpu.memory_space<vmem>>, vector<16xf32>,
        %sub3A_199 = arith.subf %get3A_190, %get3A_179 : vector<16xf32>
        %sub3A_200 = arith.subf %get3A_194, %get3A_198 : vector<16xf32>
        %mul3A_201 = arith.mulf %sub3A_199, %sub3A_199 : vector<16xf32>
        %mul3A_202 = arith.mulf %sub3A_200, %sub3A_200 : vector<16xf32>
        %add3A_203 = arith.addf %mul3A_201, %mul3A_202 : vector<16xf32>
        %mul3A_204 = arith.mulf %sub3A_186, %add3A_203 : vector<16xf32>
        %get3A_205 = arith.constant 0 : i32
        %get3A_206 = arith.index_cast %get3A_205 : i32 to index
        %get3A_207 = arith.index_cast %mul3A_175 : i32 to index
        %get3A_208 = tpu.vector_load %arg5[%get3A_206, %get3A_207] {strides = array<i32>} : memref<30x512xf32, #tpu.memory_space<vmem>>, vector<16xf32>,
        %get3A_209 = arith.constant 1 : i32
        %get3A_210 = arith.index_cast %get3A_209 : i32 to index
        %get3A_211 = arith.index_cast %mul3A_175 : i32 to index
        %get3A_212 = tpu.vector_load %arg5[%get3A_210, %get3A_211] {strides = array<i32>} : memref<30x512xf32, #tpu.memory_space<vmem>>, vector<16xf32>,
        %get3A_213 = arith.constant 2 : i32
        %get3A_214 = arith.index_cast %get3A_213 : i32 to index
        %get3A_215 = arith.index_cast %mul3A_175 : i32 to index
        %get3A_216 = tpu.vector_load %arg5[%get3A_214, %get3A_215] {strides = array<i32>} : memref<30x512xf32, #tpu.memory_space<vmem>>, vector<16xf32>,
        %get3A_217 = arith.constant 3 : i32
        %get3A_218 = arith.index_cast %get3A_217 : i32 to index
        %get3A_219 = arith.index_cast %mul3A_175 : i32 to index
        %get3A_220 = tpu.vector_load %arg5[%get3A_218, %get3A_219] {strides = array<i32>} : memref<30x512xf32, #tpu.memory_space<vmem>>, vector<16xf32>,
        %get3A_221 = arith.constant 5 : i32
        %get3A_222 = arith.index_cast %get3A_221 : i32 to index
        %get3A_223 = arith.index_cast %mul3A_175 : i32 to index
        %get3A_224 = tpu.vector_load %arg5[%get3A_222, %get3A_223] {strides = array<i32>} : memref<30x512xf32, #tpu.memory_space<vmem>>, vector<16xf32>,
        %get3A_225 = arith.constant 6 : i32
        %get3A_226 = arith.index_cast %get3A_225 : i32 to index
        %get3A_227 = arith.index_cast %mul3A_175 : i32 to index
        %get3A_228 = tpu.vector_load %arg5[%get3A_226, %get3A_227] {strides = array<i32>} : memref<30x512xf32, #tpu.memory_space<vmem>>, vector<16xf32>,
        %get3A_229 = arith.constant 7 : i32
        %get3A_230 = arith.index_cast %get3A_229 : i32 to index
        %get3A_231 = arith.index_cast %mul3A_175 : i32 to index
        %get3A_232 = tpu.vector_load %arg5[%get3A_230, %get3A_231] {strides = array<i32>} : memref<30x512xf32, #tpu.memory_space<vmem>>, vector<16xf32>,
        %get3A_233 = arith.constant 8 : i32
        %get3A_234 = arith.index_cast %get3A_233 : i32 to index
        %get3A_235 = arith.index_cast %mul3A_175 : i32 to index
        %get3A_236 = tpu.vector_load %arg5[%get3A_234, %get3A_235] {strides = array<i32>} : memref<30x512xf32, #tpu.memory_space<vmem>>, vector<16xf32>,
        %get3A_237 = arith.constant 0 : i32
        %get3A_238 = arith.index_cast %get3A_237 : i32 to index
        %get3A_239 = arith.index_cast %mul3A_175 : i32 to index
        %get3A_240 = tpu.vector_load %arg6[%get3A_238, %get3A_239] {strides = array<i32>} : memref<30x512xf32, #tpu.memory_space<vmem>>, vector<16xf32>,
        %get3A_241 = arith.constant 1 : i32
        %get3A_242 = arith.index_cast %get3A_241 : i32 to index
        %get3A_243 = arith.index_cast %mul3A_175 : i32 to index
        %get3A_244 = tpu.vector_load %arg6[%get3A_242, %get3A_243] {strides = array<i32>} : memref<30x512xf32, #tpu.memory_space<vmem>>, vector<16xf32>,
        %get3A_245 = arith.constant 2 : i32
        %get3A_246 = arith.index_cast %get3A_245 : i32 to index
        %get3A_247 = arith.index_cast %mul3A_175 : i32 to index
        %get3A_248 = tpu.vector_load %arg6[%get3A_246, %get3A_247] {strides = array<i32>} : memref<30x512xf32, #tpu.memory_space<vmem>>, vector<16xf32>,
        %get3A_249 = arith.constant 3 : i32
        %get3A_250 = arith.index_cast %get3A_249 : i32 to index
        %get3A_251 = arith.index_cast %mul3A_175 : i32 to index
        %get3A_252 = tpu.vector_load %arg6[%get3A_250, %get3A_251] {strides = array<i32>} : memref<30x512xf32, #tpu.memory_space<vmem>>, vector<16xf32>,
        %mul3A_253 = arith.constant 6.400000e+01 : f32
        %mul3A_254 = vector.broadcast %mul3A_253 : f32 to vector<16xf32>
        %mul3A_255 = arith.mulf %get3A_240, %mul3A_254 : vector<16xf32>
        %mul3A_256 = arith.constant 2.240000e+02 : f32
        %mul3A_257 = vector.broadcast %mul3A_256 : f32 to vector<16xf32>
        %mul3A_258 = arith.mulf %get3A_248, %mul3A_257 : vector<16xf32>
        %sub3A_259 = arith.subf %mul3A_255, %mul3A_258 : vector<16xf32>
        %mul3A_260 = arith.constant 6.400000e+01 : f32
        %mul3A_261 = vector.broadcast %mul3A_260 : f32 to vector<16xf32>
        %mul3A_262 = arith.mulf %get3A_240, %mul3A_261 : vector<16xf32>
        %mul3A_263 = arith.constant 2.240000e+02 : f32
        %mul3A_264 = vector.broadcast %mul3A_263 : f32 to vector<16xf32>
        %mul3A_265 = arith.mulf %get3A_248, %mul3A_264 : vector<16xf32>
        %add3A_266 = arith.addf %mul3A_262, %mul3A_265 : vector<16xf32>
        %mul3A_267 = arith.constant 6.400000e+01 : f32
        %mul3A_268 = vector.broadcast %mul3A_267 : f32 to vector<16xf32>
        %mul3A_269 = arith.mulf %get3A_244, %mul3A_268 : vector<16xf32>
        %mul3A_270 = arith.constant 2.240000e+02 : f32
        %mul3A_271 = vector.broadcast %mul3A_270 : f32 to vector<16xf32>
        %mul3A_272 = arith.mulf %get3A_252, %mul3A_271 : vector<16xf32>
        %sub3A_273 = arith.subf %mul3A_269, %mul3A_272 : vector<16xf32>
        %mul3A_274 = arith.constant 6.400000e+01 : f32
        %mul3A_275 = vector.broadcast %mul3A_274 : f32 to vector<16xf32>
        %mul3A_276 = arith.mulf %get3A_244, %mul3A_275 : vector<16xf32>
        %mul3A_277 = arith.constant 2.240000e+02 : f32
        %mul3A_278 = vector.broadcast %mul3A_277 : f32 to vector<16xf32>
        %mul3A_279 = arith.mulf %get3A_252, %mul3A_278 : vector<16xf32>
        %add3A_280 = arith.addf %mul3A_276, %mul3A_279 : vector<16xf32>
        %sub3A_281 = arith.subf %add3A_266, %sub3A_259 : vector<16xf32>
        %sub3A_282 = arith.subf %add3A_280, %sub3A_273 : vector<16xf32>
        %mul3A_283 = arith.mulf %sub3A_281, %sub3A_282 : vector<16xf32>
        %mul3A_284 = arith.constant 6.400000e+01 : f32
        %mul3A_285 = vector.broadcast %mul3A_284 : f32 to vector<16xf32>
        %mul3A_286 = arith.mulf %get3A_208, %mul3A_285 : vector<16xf32>
        %mul3A_287 = arith.constant 2.240000e+02 : f32
        %mul3A_288 = vector.broadcast %mul3A_287 : f32 to vector<16xf32>
        %mul3A_289 = arith.mulf %get3A_216, %mul3A_288 : vector<16xf32>
        %sub3A_290 = arith.subf %mul3A_286, %mul3A_289 : vector<16xf32>
        %mul3A_291 = arith.constant 6.400000e+01 : f32
        %mul3A_292 = vector.broadcast %mul3A_291 : f32 to vector<16xf32>
        %mul3A_293 = arith.mulf %get3A_208, %mul3A_292 : vector<16xf32>
        %mul3A_294 = arith.constant 2.240000e+02 : f32
        %mul3A_295 = vector.broadcast %mul3A_294 : f32 to vector<16xf32>
        %mul3A_296 = arith.mulf %get3A_216, %mul3A_295 : vector<16xf32>
        %add3A_297 = arith.addf %mul3A_293, %mul3A_296 : vector<16xf32>
        %mul3A_298 = arith.constant 6.400000e+01 : f32
        %mul3A_299 = vector.broadcast %mul3A_298 : f32 to vector<16xf32>
        %mul3A_300 = arith.mulf %get3A_212, %mul3A_299 : vector<16xf32>
        %mul3A_301 = arith.constant 2.240000e+02 : f32
        %mul3A_302 = vector.broadcast %mul3A_301 : f32 to vector<16xf32>
        %mul3A_303 = arith.mulf %get3A_220, %mul3A_302 : vector<16xf32>
        %sub3A_304 = arith.subf %mul3A_300, %mul3A_303 : vector<16xf32>
        %mul3A_305 = arith.constant 6.400000e+01 : f32
        %mul3A_306 = vector.broadcast %mul3A_305 : f32 to vector<16xf32>
        %mul3A_307 = arith.mulf %get3A_212, %mul3A_306 : vector<16xf32>
        %mul3A_308 = arith.constant 2.240000e+02 : f32
        %mul3A_309 = vector.broadcast %mul3A_308 : f32 to vector<16xf32>
        %mul3A_310 = arith.mulf %get3A_220, %mul3A_309 : vector<16xf32>
        %add3A_311 = arith.addf %mul3A_307, %mul3A_310 : vector<16xf32>
        %min3A_312 = arith.minimumf %add3A_297, %add3A_266 : vector<16xf32>
        %max3A = arith.maximumf %sub3A_290, %sub3A_259 : vector<16xf32>
        %sub3A_313 = arith.subf %min3A_312, %max3A : vector<16xf32>
        %max3A_314 = arith.constant 0.000000e+00 : f32
        %max3A_315 = vector.broadcast %max3A_314 : f32 to vector<16xf32>
        %max3A_316 = arith.maximumf %sub3A_313, %max3A_315 : vector<16xf32>
        %min3A_317 = arith.minimumf %add3A_311, %add3A_280 : vector<16xf32>
        %max3A_318 = arith.maximumf %sub3A_304, %sub3A_273 : vector<16xf32>
        %sub3A_319 = arith.subf %min3A_317, %max3A_318 : vector<16xf32>
        %max3A_320 = arith.constant 0.000000e+00 : f32
        %max3A_321 = vector.broadcast %max3A_320 : f32 to vector<16xf32>
        %max3A_322 = arith.maximumf %sub3A_319, %max3A_321 : vector<16xf32>
        %mul3A_323 = arith.mulf %max3A_316, %max3A_322 : vector<16xf32>
        %sub3A_324 = arith.subf %add3A_297, %sub3A_290 : vector<16xf32>
        %sub3A_325 = arith.subf %add3A_311, %sub3A_304 : vector<16xf32>
        %mul3A_326 = arith.mulf %sub3A_324, %sub3A_325 : vector<16xf32>
        %add3A_327 = arith.addf %mul3A_326, %mul3A_283 : vector<16xf32>
        %sub3A_328 = arith.subf %add3A_327, %mul3A_323 : vector<16xf32>
        %div3A_329 = arith.divf %mul3A_323, %sub3A_328 : vector<16xf32>
        %mul3A_330 = arith.constant 6.400000e+01 : f32
        %mul3A_331 = vector.broadcast %mul3A_330 : f32 to vector<16xf32>
        %mul3A_332 = arith.mulf %get3A_224, %mul3A_331 : vector<16xf32>
        %mul3A_333 = arith.constant 2.240000e+02 : f32
        %mul3A_334 = vector.broadcast %mul3A_333 : f32 to vector<16xf32>
        %mul3A_335 = arith.mulf %get3A_232, %mul3A_334 : vector<16xf32>
        %sub3A_336 = arith.subf %mul3A_332, %mul3A_335 : vector<16xf32>
        %mul3A_337 = arith.constant 6.400000e+01 : f32
        %mul3A_338 = vector.broadcast %mul3A_337 : f32 to vector<16xf32>
        %mul3A_339 = arith.mulf %get3A_224, %mul3A_338 : vector<16xf32>
        %mul3A_340 = arith.constant 2.240000e+02 : f32
        %mul3A_341 = vector.broadcast %mul3A_340 : f32 to vector<16xf32>
        %mul3A_342 = arith.mulf %get3A_232, %mul3A_341 : vector<16xf32>
        %add3A_343 = arith.addf %mul3A_339, %mul3A_342 : vector<16xf32>
        %mul3A_344 = arith.constant 6.400000e+01 : f32
        %mul3A_345 = vector.broadcast %mul3A_344 : f32 to vector<16xf32>
        %mul3A_346 = arith.mulf %get3A_228, %mul3A_345 : vector<16xf32>
        %mul3A_347 = arith.constant 2.240000e+02 : f32
        %mul3A_348 = vector.broadcast %mul3A_347 : f32 to vector<16xf32>
        %mul3A_349 = arith.mulf %get3A_236, %mul3A_348 : vector<16xf32>
        %sub3A_350 = arith.subf %mul3A_346, %mul3A_349 : vector<16xf32>
        %mul3A_351 = arith.constant 6.400000e+01 : f32
        %mul3A_352 = vector.broadcast %mul3A_351 : f32 to vector<16xf32>
        %mul3A_353 = arith.mulf %get3A_228, %mul3A_352 : vector<16xf32>
        %mul3A_354 = arith.constant 2.240000e+02 : f32
        %mul3A_355 = vector.broadcast %mul3A_354 : f32 to vector<16xf32>
        %mul3A_356 = arith.mulf %get3A_236, %mul3A_355 : vector<16xf32>
        %add3A_357 = arith.addf %mul3A_353, %mul3A_356 : vector<16xf32>
        %min3A_358 = arith.minimumf %add3A_343, %add3A_266 : vector<16xf32>
        %max3A_359 = arith.maximumf %sub3A_336, %sub3A_259 : vector<16xf32>
        %sub3A_360 = arith.subf %min3A_358, %max3A_359 : vector<16xf32>
        %max3A_361 = arith.constant 0.000000e+00 : f32
        %max3A_362 = vector.broadcast %max3A_361 : f32 to vector<16xf32>
        %max3A_363 = arith.maximumf %sub3A_360, %max3A_362 : vector<16xf32>
        %min3A_364 = arith.minimumf %add3A_357, %add3A_280 : vector<16xf32>
        %max3A_365 = arith.maximumf %sub3A_350, %sub3A_273 : vector<16xf32>
        %sub3A_366 = arith.subf %min3A_364, %max3A_365 : vector<16xf32>
        %max3A_367 = arith.constant 0.000000e+00 : f32
        %max3A_368 = vector.broadcast %max3A_367 : f32 to vector<16xf32>
        %max3A_369 = arith.maximumf %sub3A_366, %max3A_368 : vector<16xf32>
        %mul3A_370 = arith.mulf %max3A_363, %max3A_369 : vector<16xf32>
        %sub3A_371 = arith.subf %add3A_343, %sub3A_336 : vector<16xf32>
        %sub3A_372 = arith.subf %add3A_357, %sub3A_350 : vector<16xf32>
        %mul3A_373 = arith.mulf %sub3A_371, %sub3A_372 : vector<16xf32>
        %add3A_374 = arith.addf %mul3A_373, %mul3A_283 : vector<16xf32>
        %sub3A_375 = arith.subf %add3A_374, %mul3A_370 : vector<16xf32>
        %div3A_376 = arith.divf %mul3A_370, %sub3A_375 : vector<16xf32>
        %ge3A = arith.cmpf oge, %div3A_329, %div3A_376 : vector<16xf32>
        %max3A_377 = arith.maximumf %div3A_329, %div3A_376 : vector<16xf32>
        %select_n3A_378 = arith.select %ge3A, %get3A_190, %get3A_194 : vector<16xi1>, vector<16xf32>
        %select_n3A_379 = arith.select %ge3A, %get3A_194, %get3A_190 : vector<16xi1>, vector<16xf32>
        %sub3A_380 = arith.subf %select_n3A_378, %max3A_377 : vector<16xf32>
        %mul3A_381 = arith.mulf %convert_element_type3A_183, %sub3A_380 : vector<16xf32>
        %mul3A_382 = arith.mulf %mul3A_381, %sub3A_380 : vector<16xf32>
        %mul3A_383 = arith.mulf %convert_element_type3A_183, %select_n3A_379 : vector<16xf32>
        %mul3A_384 = arith.mulf %mul3A_383, %select_n3A_379 : vector<16xf32>
        %get3A_385 = arith.constant 5 : i32
        %get3A_386 = arith.index_cast %get3A_385 : i32 to index
        %get3A_387 = arith.index_cast %mul3A_175 : i32 to index
        %get3A_388 = tpu.vector_load %arg6[%get3A_386, %get3A_387] {strides = array<i32>} : memref<30x512xf32, #tpu.memory_space<vmem>>, vector<16xf32>,
        %get3A_389 = arith.constant 6 : i32
        %get3A_390 = arith.index_cast %get3A_389 : i32 to index
        %get3A_391 = arith.index_cast %mul3A_175 : i32 to index
        %get3A_392 = tpu.vector_load %arg6[%get3A_390, %get3A_391] {strides = array<i32>} : memref<30x512xf32, #tpu.memory_space<vmem>>, vector<16xf32>,
        %select_n3A_393 = arith.select %ge3A, %get3A_208, %get3A_224 : vector<16xi1>, vector<16xf32>
        %select_n3A_394 = arith.select %ge3A, %get3A_240, %get3A_388 : vector<16xi1>, vector<16xf32>
        %sub3A_395 = arith.subf %select_n3A_393, %select_n3A_394 : vector<16xf32>
        %select_n3A_396 = arith.select %ge3A, %get3A_212, %get3A_228 : vector<16xi1>, vector<16xf32>
        %select_n3A_397 = arith.select %ge3A, %get3A_244, %get3A_392 : vector<16xi1>, vector<16xf32>
        %sub3A_398 = arith.subf %select_n3A_396, %select_n3A_397 : vector<16xf32>
        %mul3A_399 = arith.mulf %sub3A_395, %sub3A_395 : vector<16xf32>
        %mul3A_400 = arith.mulf %sub3A_398, %sub3A_398 : vector<16xf32>
        %add3A_401 = arith.addf %mul3A_399, %mul3A_400 : vector<16xf32>
        %get3A_402 = arith.constant 7 : i32
        %get3A_403 = arith.index_cast %get3A_402 : i32 to index
        %get3A_404 = arith.index_cast %mul3A_175 : i32 to index
        %get3A_405 = tpu.vector_load %arg6[%get3A_403, %get3A_404] {strides = array<i32>} : memref<30x512xf32, #tpu.memory_space<vmem>>, vector<16xf32>,
        %get3A_406 = arith.constant 8 : i32
        %get3A_407 = arith.index_cast %get3A_406 : i32 to index
        %get3A_408 = arith.index_cast %mul3A_175 : i32 to index
        %get3A_409 = tpu.vector_load %arg6[%get3A_407, %get3A_408] {strides = array<i32>} : memref<30x512xf32, #tpu.memory_space<vmem>>, vector<16xf32>,
        %select_n3A_410 = arith.select %ge3A, %get3A_216, %get3A_232 : vector<16xi1>, vector<16xf32>
        %select_n3A_411 = arith.select %ge3A, %get3A_248, %get3A_405 : vector<16xi1>, vector<16xf32>
        %select_n3A_412 = arith.select %ge3A, %get3A_220, %get3A_236 : vector<16xi1>, vector<16xf32>
        %select_n3A_413 = arith.select %ge3A, %get3A_252, %get3A_409 : vector<16xi1>, vector<16xf32>
        %add3A_414 = arith.addf %add3A_401, %select_n3A_410 : vector<16xf32>
        %add3A_415 = arith.addf %add3A_414, %select_n3A_411 : vector<16xf32>
        %mul3A_416 = arith.mulf %select_n3A_410, %select_n3A_411 : vector<16xf32>
        %bitcast3A = vector.bitcast %mul3A_416 : vector<16xf32> to vector<16xi32>
        %shift_right_arithmetic3A = arith.constant 1 : i32
        %shift_right_arithmetic3A_417 = vector.broadcast %shift_right_arithmetic3A : i32 to vector<16xi32>
        %shift_right_arithmetic3A_418 = arith.shrsi %bitcast3A, %shift_right_arithmetic3A_417 : vector<16xi32>
        %sub3A_419 = arith.constant 1597463007 : i32
        %sub3A_420 = vector.broadcast %sub3A_419 : i32 to vector<16xi32>
        %sub3A_421 = arith.subi %sub3A_420, %shift_right_arithmetic3A_418 : vector<16xi32>
        %bitcast3A_422 = vector.bitcast %sub3A_421 : vector<16xi32> to vector<16xf32>
        %mul3A_423 = arith.constant 5.000000e-01 : f32
        %mul3A_424 = vector.broadcast %mul3A_423 : f32 to vector<16xf32>
        %mul3A_425 = arith.mulf %mul3A_424, %mul3A_416 : vector<16xf32>
        %mul3A_426 = arith.mulf %mul3A_425, %bitcast3A_422 : vector<16xf32>
        %mul3A_427 = arith.mulf %mul3A_426, %bitcast3A_422 : vector<16xf32>
        %sub3A_428 = arith.constant 1.500000e+00 : f32
        %sub3A_429 = vector.broadcast %sub3A_428 : f32 to vector<16xf32>
        %sub3A_430 = arith.subf %sub3A_429, %mul3A_427 : vector<16xf32>
        %mul3A_431 = arith.mulf %bitcast3A_422, %sub3A_430 : vector<16xf32>
        %mul3A_432 = arith.constant 5.000000e-01 : f32
        %mul3A_433 = vector.broadcast %mul3A_432 : f32 to vector<16xf32>
        %mul3A_434 = arith.mulf %mul3A_433, %mul3A_416 : vector<16xf32>
        %mul3A_435 = arith.mulf %mul3A_434, %mul3A_431 : vector<16xf32>
        %mul3A_436 = arith.mulf %mul3A_435, %mul3A_431 : vector<16xf32>
        %sub3A_437 = arith.constant 1.500000e+00 : f32
        %sub3A_438 = vector.broadcast %sub3A_437 : f32 to vector<16xf32>
        %sub3A_439 = arith.subf %sub3A_438, %mul3A_436 : vector<16xf32>
        %mul3A_440 = arith.mulf %mul3A_431, %sub3A_439 : vector<16xf32>
        %mul3A_441 = arith.constant 5.000000e-01 : f32
        %mul3A_442 = vector.broadcast %mul3A_441 : f32 to vector<16xf32>
        %mul3A_443 = arith.mulf %mul3A_442, %mul3A_416 : vector<16xf32>
        %mul3A_444 = arith.mulf %mul3A_443, %mul3A_440 : vector<16xf32>
        %mul3A_445 = arith.mulf %mul3A_444, %mul3A_440 : vector<16xf32>
        %sub3A_446 = arith.constant 1.500000e+00 : f32
        %sub3A_447 = vector.broadcast %sub3A_446 : f32 to vector<16xf32>
        %sub3A_448 = arith.subf %sub3A_447, %mul3A_445 : vector<16xf32>
        %mul3A_449 = arith.mulf %mul3A_440, %sub3A_448 : vector<16xf32>
        %mul3A_450 = arith.mulf %mul3A_416, %mul3A_449 : vector<16xf32>
        %mul3A_451 = arith.constant 2.000000e+00 : f32
        %mul3A_452 = vector.broadcast %mul3A_451 : f32 to vector<16xf32>
        %mul3A_453 = arith.mulf %mul3A_452, %mul3A_450 : vector<16xf32>
        %sub3A_454 = arith.subf %add3A_415, %mul3A_453 : vector<16xf32>
        %add3A_455 = arith.addf %sub3A_454, %select_n3A_412 : vector<16xf32>
        %add3A_456 = arith.addf %add3A_455, %select_n3A_413 : vector<16xf32>
        %mul3A_457 = arith.mulf %select_n3A_412, %select_n3A_413 : vector<16xf32>
        %bitcast3A_458 = vector.bitcast %mul3A_457 : vector<16xf32> to vector<16xi32>
        %shift_right_arithmetic3A_459 = arith.constant 1 : i32
        %shift_right_arithmetic3A_460 = vector.broadcast %shift_right_arithmetic3A_459 : i32 to vector<16xi32>
        %shift_right_arithmetic3A_461 = arith.shrsi %bitcast3A_458, %shift_right_arithmetic3A_460 : vector<16xi32>
        %sub3A_462 = arith.constant 1597463007 : i32
        %sub3A_463 = vector.broadcast %sub3A_462 : i32 to vector<16xi32>
        %sub3A_464 = arith.subi %sub3A_463, %shift_right_arithmetic3A_461 : vector<16xi32>
        %bitcast3A_465 = vector.bitcast %sub3A_464 : vector<16xi32> to vector<16xf32>
        %mul3A_466 = arith.constant 5.000000e-01 : f32
        %mul3A_467 = vector.broadcast %mul3A_466 : f32 to vector<16xf32>
        %mul3A_468 = arith.mulf %mul3A_467, %mul3A_457 : vector<16xf32>
        %mul3A_469 = arith.mulf %mul3A_468, %bitcast3A_465 : vector<16xf32>
        %mul3A_470 = arith.mulf %mul3A_469, %bitcast3A_465 : vector<16xf32>
        %sub3A_471 = arith.constant 1.500000e+00 : f32
        %sub3A_472 = vector.broadcast %sub3A_471 : f32 to vector<16xf32>
        %sub3A_473 = arith.subf %sub3A_472, %mul3A_470 : vector<16xf32>
        %mul3A_474 = arith.mulf %bitcast3A_465, %sub3A_473 : vector<16xf32>
        %mul3A_475 = arith.constant 5.000000e-01 : f32
        %mul3A_476 = vector.broadcast %mul3A_475 : f32 to vector<16xf32>
        %mul3A_477 = arith.mulf %mul3A_476, %mul3A_457 : vector<16xf32>
        %mul3A_478 = arith.mulf %mul3A_477, %mul3A_474 : vector<16xf32>
        %mul3A_479 = arith.mulf %mul3A_478, %mul3A_474 : vector<16xf32>
        %sub3A_480 = arith.constant 1.500000e+00 : f32
        %sub3A_481 = vector.broadcast %sub3A_480 : f32 to vector<16xf32>
        %sub3A_482 = arith.subf %sub3A_481, %mul3A_479 : vector<16xf32>
        %mul3A_483 = arith.mulf %mul3A_474, %sub3A_482 : vector<16xf32>
        %mul3A_484 = arith.constant 5.000000e-01 : f32
        %mul3A_485 = vector.broadcast %mul3A_484 : f32 to vector<16xf32>
        %mul3A_486 = arith.mulf %mul3A_485, %mul3A_457 : vector<16xf32>
        %mul3A_487 = arith.mulf %mul3A_486, %mul3A_483 : vector<16xf32>
        %mul3A_488 = arith.mulf %mul3A_487, %mul3A_483 : vector<16xf32>
        %sub3A_489 = arith.constant 1.500000e+00 : f32
        %sub3A_490 = vector.broadcast %sub3A_489 : f32 to vector<16xf32>
        %sub3A_491 = arith.subf %sub3A_490, %mul3A_488 : vector<16xf32>
        %mul3A_492 = arith.mulf %mul3A_483, %sub3A_491 : vector<16xf32>
        %mul3A_493 = arith.mulf %mul3A_457, %mul3A_492 : vector<16xf32>
        %mul3A_494 = arith.constant 2.000000e+00 : f32
        %mul3A_495 = vector.broadcast %mul3A_494 : f32 to vector<16xf32>
        %mul3A_496 = arith.mulf %mul3A_495, %mul3A_493 : vector<16xf32>
        %sub3A_497 = arith.subf %add3A_456, %mul3A_496 : vector<16xf32>
        %broadcast_in_dim3A_498 = arith.constant 0.000000e+00 : f32
        %broadcast_in_dim3A_499 = vector.broadcast %broadcast_in_dim3A_498 : f32 to vector<16xf32>
        %get3A_500 = arith.constant 10 : i32
        %get3A_501 = arith.index_cast %get3A_500 : i32 to index
        %get3A_502 = arith.index_cast %mul3A_175 : i32 to index
        %get3A_503 = tpu.vector_load %arg5[%get3A_501, %get3A_502] {strides = array<i32>} : memref<30x512xf32, #tpu.memory_space<vmem>>, vector<16xf32>,
        %get3A_504 = arith.constant 10 : i32
        %get3A_505 = arith.index_cast %get3A_504 : i32 to index
        %get3A_506 = arith.index_cast %mul3A_175 : i32 to index
        %get3A_507 = tpu.vector_load %arg6[%get3A_505, %get3A_506] {strides = array<i32>} : memref<30x512xf32, #tpu.memory_space<vmem>>, vector<16xf32>,
        %sub3A_508 = arith.subf %get3A_503, %get3A_507 : vector<16xf32>
        %mul3A_509 = arith.mulf %sub3A_508, %sub3A_508 : vector<16xf32>
        %add3A_510 = arith.addf %broadcast_in_dim3A_499, %mul3A_509 : vector<16xf32>
        %get3A_511 = arith.constant 11 : i32
        %get3A_512 = arith.index_cast %get3A_511 : i32 to index
        %get3A_513 = arith.index_cast %mul3A_175 : i32 to index
        %get3A_514 = tpu.vector_load %arg5[%get3A_512, %get3A_513] {strides = array<i32>} : memref<30x512xf32, #tpu.memory_space<vmem>>, vector<16xf32>,
        %get3A_515 = arith.constant 11 : i32
        %get3A_516 = arith.index_cast %get3A_515 : i32 to index
        %get3A_517 = arith.index_cast %mul3A_175 : i32 to index
        %get3A_518 = tpu.vector_load %arg6[%get3A_516, %get3A_517] {strides = array<i32>} : memref<30x512xf32, #tpu.memory_space<vmem>>, vector<16xf32>,
        %sub3A_519 = arith.subf %get3A_514, %get3A_518 : vector<16xf32>
        %mul3A_520 = arith.mulf %sub3A_519, %sub3A_519 : vector<16xf32>
        %add3A_521 = arith.addf %add3A_510, %mul3A_520 : vector<16xf32>
        %get3A_522 = arith.constant 12 : i32
        %get3A_523 = arith.index_cast %get3A_522 : i32 to index
        %get3A_524 = arith.index_cast %mul3A_175 : i32 to index
        %get3A_525 = tpu.vector_load %arg5[%get3A_523, %get3A_524] {strides = array<i32>} : memref<30x512xf32, #tpu.memory_space<vmem>>, vector<16xf32>,
        %get3A_526 = arith.constant 12 : i32
        %get3A_527 = arith.index_cast %get3A_526 : i32 to index
        %get3A_528 = arith.index_cast %mul3A_175 : i32 to index
        %get3A_529 = tpu.vector_load %arg6[%get3A_527, %get3A_528] {strides = array<i32>} : memref<30x512xf32, #tpu.memory_space<vmem>>, vector<16xf32>,
        %sub3A_530 = arith.subf %get3A_525, %get3A_529 : vector<16xf32>
        %mul3A_531 = arith.mulf %sub3A_530, %sub3A_530 : vector<16xf32>
        %add3A_532 = arith.addf %add3A_521, %mul3A_531 : vector<16xf32>
        %get3A_533 = arith.constant 13 : i32
        %get3A_534 = arith.index_cast %get3A_533 : i32 to index
        %get3A_535 = arith.index_cast %mul3A_175 : i32 to index
        %get3A_536 = tpu.vector_load %arg5[%get3A_534, %get3A_535] {strides = array<i32>} : memref<30x512xf32, #tpu.memory_space<vmem>>, vector<16xf32>,
        %get3A_537 = arith.constant 13 : i32
        %get3A_538 = arith.index_cast %get3A_537 : i32 to index
        %get3A_539 = arith.index_cast %mul3A_175 : i32 to index
        %get3A_540 = tpu.vector_load %arg6[%get3A_538, %get3A_539] {strides = array<i32>} : memref<30x512xf32, #tpu.memory_space<vmem>>, vector<16xf32>,
        %sub3A_541 = arith.subf %get3A_536, %get3A_540 : vector<16xf32>
        %mul3A_542 = arith.mulf %sub3A_541, %sub3A_541 : vector<16xf32>
        %add3A_543 = arith.addf %add3A_532, %mul3A_542 : vector<16xf32>
        %get3A_544 = arith.constant 14 : i32
        %get3A_545 = arith.index_cast %get3A_544 : i32 to index
        %get3A_546 = arith.index_cast %mul3A_175 : i32 to index
        %get3A_547 = tpu.vector_load %arg5[%get3A_545, %get3A_546] {strides = array<i32>} : memref<30x512xf32, #tpu.memory_space<vmem>>, vector<16xf32>,
        %get3A_548 = arith.constant 14 : i32
        %get3A_549 = arith.index_cast %get3A_548 : i32 to index
        %get3A_550 = arith.index_cast %mul3A_175 : i32 to index
        %get3A_551 = tpu.vector_load %arg6[%get3A_549, %get3A_550] {strides = array<i32>} : memref<30x512xf32, #tpu.memory_space<vmem>>, vector<16xf32>,
        %sub3A_552 = arith.subf %get3A_547, %get3A_551 : vector<16xf32>
        %mul3A_553 = arith.mulf %sub3A_552, %sub3A_552 : vector<16xf32>
        %add3A_554 = arith.addf %add3A_543, %mul3A_553 : vector<16xf32>
        %get3A_555 = arith.constant 15 : i32
        %get3A_556 = arith.index_cast %get3A_555 : i32 to index
        %get3A_557 = arith.index_cast %mul3A_175 : i32 to index
        %get3A_558 = tpu.vector_load %arg5[%get3A_556, %get3A_557] {strides = array<i32>} : memref<30x512xf32, #tpu.memory_space<vmem>>, vector<16xf32>,
        %get3A_559 = arith.constant 15 : i32
        %get3A_560 = arith.index_cast %get3A_559 : i32 to index
        %get3A_561 = arith.index_cast %mul3A_175 : i32 to index
        %get3A_562 = tpu.vector_load %arg6[%get3A_560, %get3A_561] {strides = array<i32>} : memref<30x512xf32, #tpu.memory_space<vmem>>, vector<16xf32>,
        %sub3A_563 = arith.subf %get3A_558, %get3A_562 : vector<16xf32>
        %mul3A_564 = arith.mulf %sub3A_563, %sub3A_563 : vector<16xf32>
        %add3A_565 = arith.addf %add3A_554, %mul3A_564 : vector<16xf32>
        %get3A_566 = arith.constant 16 : i32
        %get3A_567 = arith.index_cast %get3A_566 : i32 to index
        %get3A_568 = arith.index_cast %mul3A_175 : i32 to index
        %get3A_569 = tpu.vector_load %arg5[%get3A_567, %get3A_568] {strides = array<i32>} : memref<30x512xf32, #tpu.memory_space<vmem>>, vector<16xf32>,
        %get3A_570 = arith.constant 16 : i32
        %get3A_571 = arith.index_cast %get3A_570 : i32 to index
        %get3A_572 = arith.index_cast %mul3A_175 : i32 to index
        %get3A_573 = tpu.vector_load %arg6[%get3A_571, %get3A_572] {strides = array<i32>} : memref<30x512xf32, #tpu.memory_space<vmem>>, vector<16xf32>,
        %sub3A_574 = arith.subf %get3A_569, %get3A_573 : vector<16xf32>
        %mul3A_575 = arith.mulf %sub3A_574, %sub3A_574 : vector<16xf32>
        %add3A_576 = arith.addf %add3A_565, %mul3A_575 : vector<16xf32>
        %get3A_577 = arith.constant 17 : i32
        %get3A_578 = arith.index_cast %get3A_577 : i32 to index
        %get3A_579 = arith.index_cast %mul3A_175 : i32 to index
        %get3A_580 = tpu.vector_load %arg5[%get3A_578, %get3A_579] {strides = array<i32>} : memref<30x512xf32, #tpu.memory_space<vmem>>, vector<16xf32>,
        %get3A_581 = arith.constant 17 : i32
        %get3A_582 = arith.index_cast %get3A_581 : i32 to index
        %get3A_583 = arith.index_cast %mul3A_175 : i32 to index
        %get3A_584 = tpu.vector_load %arg6[%get3A_582, %get3A_583] {strides = array<i32>} : memref<30x512xf32, #tpu.memory_space<vmem>>, vector<16xf32>,
        %sub3A_585 = arith.subf %get3A_580, %get3A_584 : vector<16xf32>
        %mul3A_586 = arith.mulf %sub3A_585, %sub3A_585 : vector<16xf32>
        %add3A_587 = arith.addf %add3A_576, %mul3A_586 : vector<16xf32>
        %get3A_588 = arith.constant 18 : i32
        %get3A_589 = arith.index_cast %get3A_588 : i32 to index
        %get3A_590 = arith.index_cast %mul3A_175 : i32 to index
        %get3A_591 = tpu.vector_load %arg5[%get3A_589, %get3A_590] {strides = array<i32>} : memref<30x512xf32, #tpu.memory_space<vmem>>, vector<16xf32>,
        %get3A_592 = arith.constant 18 : i32
        %get3A_593 = arith.index_cast %get3A_592 : i32 to index
        %get3A_594 = arith.index_cast %mul3A_175 : i32 to index
        %get3A_595 = tpu.vector_load %arg6[%get3A_593, %get3A_594] {strides = array<i32>} : memref<30x512xf32, #tpu.memory_space<vmem>>, vector<16xf32>,
        %sub3A_596 = arith.subf %get3A_591, %get3A_595 : vector<16xf32>
        %mul3A_597 = arith.mulf %sub3A_596, %sub3A_596 : vector<16xf32>
        %add3A_598 = arith.addf %add3A_587, %mul3A_597 : vector<16xf32>
        %get3A_599 = arith.constant 19 : i32
        %get3A_600 = arith.index_cast %get3A_599 : i32 to index
        %get3A_601 = arith.index_cast %mul3A_175 : i32 to index
        %get3A_602 = tpu.vector_load %arg5[%get3A_600, %get3A_601] {strides = array<i32>} : memref<30x512xf32, #tpu.memory_space<vmem>>, vector<16xf32>,
        %get3A_603 = arith.constant 19 : i32
        %get3A_604 = arith.index_cast %get3A_603 : i32 to index
        %get3A_605 = arith.index_cast %mul3A_175 : i32 to index
        %get3A_606 = tpu.vector_load %arg6[%get3A_604, %get3A_605] {strides = array<i32>} : memref<30x512xf32, #tpu.memory_space<vmem>>, vector<16xf32>,
        %sub3A_607 = arith.subf %get3A_602, %get3A_606 : vector<16xf32>
        %mul3A_608 = arith.mulf %sub3A_607, %sub3A_607 : vector<16xf32>
        %add3A_609 = arith.addf %add3A_598, %mul3A_608 : vector<16xf32>
        %get3A_610 = arith.constant 20 : i32
        %get3A_611 = arith.index_cast %get3A_610 : i32 to index
        %get3A_612 = arith.index_cast %mul3A_175 : i32 to index
        %get3A_613 = tpu.vector_load %arg5[%get3A_611, %get3A_612] {strides = array<i32>} : memref<30x512xf32, #tpu.memory_space<vmem>>, vector<16xf32>,
        %get3A_614 = arith.constant 20 : i32
        %get3A_615 = arith.index_cast %get3A_614 : i32 to index
        %get3A_616 = arith.index_cast %mul3A_175 : i32 to index
        %get3A_617 = tpu.vector_load %arg6[%get3A_615, %get3A_616] {strides = array<i32>} : memref<30x512xf32, #tpu.memory_space<vmem>>, vector<16xf32>,
        %sub3A_618 = arith.subf %get3A_613, %get3A_617 : vector<16xf32>
        %mul3A_619 = arith.mulf %sub3A_618, %sub3A_618 : vector<16xf32>
        %add3A_620 = arith.addf %add3A_609, %mul3A_619 : vector<16xf32>
        %get3A_621 = arith.constant 21 : i32
        %get3A_622 = arith.index_cast %get3A_621 : i32 to index
        %get3A_623 = arith.index_cast %mul3A_175 : i32 to index
        %get3A_624 = tpu.vector_load %arg5[%get3A_622, %get3A_623] {strides = array<i32>} : memref<30x512xf32, #tpu.memory_space<vmem>>, vector<16xf32>,
        %get3A_625 = arith.constant 21 : i32
        %get3A_626 = arith.index_cast %get3A_625 : i32 to index
        %get3A_627 = arith.index_cast %mul3A_175 : i32 to index
        %get3A_628 = tpu.vector_load %arg6[%get3A_626, %get3A_627] {strides = array<i32>} : memref<30x512xf32, #tpu.memory_space<vmem>>, vector<16xf32>,
        %sub3A_629 = arith.subf %get3A_624, %get3A_628 : vector<16xf32>
        %mul3A_630 = arith.mulf %sub3A_629, %sub3A_629 : vector<16xf32>
        %add3A_631 = arith.addf %add3A_620, %mul3A_630 : vector<16xf32>
        %get3A_632 = arith.constant 22 : i32
        %get3A_633 = arith.index_cast %get3A_632 : i32 to index
        %get3A_634 = arith.index_cast %mul3A_175 : i32 to index
        %get3A_635 = tpu.vector_load %arg5[%get3A_633, %get3A_634] {strides = array<i32>} : memref<30x512xf32, #tpu.memory_space<vmem>>, vector<16xf32>,
        %get3A_636 = arith.constant 22 : i32
        %get3A_637 = arith.index_cast %get3A_636 : i32 to index
        %get3A_638 = arith.index_cast %mul3A_175 : i32 to index
        %get3A_639 = tpu.vector_load %arg6[%get3A_637, %get3A_638] {strides = array<i32>} : memref<30x512xf32, #tpu.memory_space<vmem>>, vector<16xf32>,
        %sub3A_640 = arith.subf %get3A_635, %get3A_639 : vector<16xf32>
        %mul3A_641 = arith.mulf %sub3A_640, %sub3A_640 : vector<16xf32>
        %add3A_642 = arith.addf %add3A_631, %mul3A_641 : vector<16xf32>
        %get3A_643 = arith.constant 23 : i32
        %get3A_644 = arith.index_cast %get3A_643 : i32 to index
        %get3A_645 = arith.index_cast %mul3A_175 : i32 to index
        %get3A_646 = tpu.vector_load %arg5[%get3A_644, %get3A_645] {strides = array<i32>} : memref<30x512xf32, #tpu.memory_space<vmem>>, vector<16xf32>,
        %get3A_647 = arith.constant 23 : i32
        %get3A_648 = arith.index_cast %get3A_647 : i32 to index
        %get3A_649 = arith.index_cast %mul3A_175 : i32 to index
        %get3A_650 = tpu.vector_load %arg6[%get3A_648, %get3A_649] {strides = array<i32>} : memref<30x512xf32, #tpu.memory_space<vmem>>, vector<16xf32>,
        %sub3A_651 = arith.subf %get3A_646, %get3A_650 : vector<16xf32>
        %mul3A_652 = arith.mulf %sub3A_651, %sub3A_651 : vector<16xf32>
        %add3A_653 = arith.addf %add3A_642, %mul3A_652 : vector<16xf32>
        %get3A_654 = arith.constant 24 : i32
        %get3A_655 = arith.index_cast %get3A_654 : i32 to index
        %get3A_656 = arith.index_cast %mul3A_175 : i32 to index
        %get3A_657 = tpu.vector_load %arg5[%get3A_655, %get3A_656] {strides = array<i32>} : memref<30x512xf32, #tpu.memory_space<vmem>>, vector<16xf32>,
        %get3A_658 = arith.constant 24 : i32
        %get3A_659 = arith.index_cast %get3A_658 : i32 to index
        %get3A_660 = arith.index_cast %mul3A_175 : i32 to index
        %get3A_661 = tpu.vector_load %arg6[%get3A_659, %get3A_660] {strides = array<i32>} : memref<30x512xf32, #tpu.memory_space<vmem>>, vector<16xf32>,
        %sub3A_662 = arith.subf %get3A_657, %get3A_661 : vector<16xf32>
        %mul3A_663 = arith.mulf %sub3A_662, %sub3A_662 : vector<16xf32>
        %add3A_664 = arith.addf %add3A_653, %mul3A_663 : vector<16xf32>
        %get3A_665 = arith.constant 25 : i32
        %get3A_666 = arith.index_cast %get3A_665 : i32 to index
        %get3A_667 = arith.index_cast %mul3A_175 : i32 to index
        %get3A_668 = tpu.vector_load %arg5[%get3A_666, %get3A_667] {strides = array<i32>} : memref<30x512xf32, #tpu.memory_space<vmem>>, vector<16xf32>,
        %get3A_669 = arith.constant 25 : i32
        %get3A_670 = arith.index_cast %get3A_669 : i32 to index
        %get3A_671 = arith.index_cast %mul3A_175 : i32 to index
        %get3A_672 = tpu.vector_load %arg6[%get3A_670, %get3A_671] {strides = array<i32>} : memref<30x512xf32, #tpu.memory_space<vmem>>, vector<16xf32>,
        %sub3A_673 = arith.subf %get3A_668, %get3A_672 : vector<16xf32>
        %mul3A_674 = arith.mulf %sub3A_673, %sub3A_673 : vector<16xf32>
        %add3A_675 = arith.addf %add3A_664, %mul3A_674 : vector<16xf32>
        %get3A_676 = arith.constant 26 : i32
        %get3A_677 = arith.index_cast %get3A_676 : i32 to index
        %get3A_678 = arith.index_cast %mul3A_175 : i32 to index
        %get3A_679 = tpu.vector_load %arg5[%get3A_677, %get3A_678] {strides = array<i32>} : memref<30x512xf32, #tpu.memory_space<vmem>>, vector<16xf32>,
        %get3A_680 = arith.constant 26 : i32
        %get3A_681 = arith.index_cast %get3A_680 : i32 to index
        %get3A_682 = arith.index_cast %mul3A_175 : i32 to index
        %get3A_683 = tpu.vector_load %arg6[%get3A_681, %get3A_682] {strides = array<i32>} : memref<30x512xf32, #tpu.memory_space<vmem>>, vector<16xf32>,
        %sub3A_684 = arith.subf %get3A_679, %get3A_683 : vector<16xf32>
        %mul3A_685 = arith.mulf %sub3A_684, %sub3A_684 : vector<16xf32>
        %add3A_686 = arith.addf %add3A_675, %mul3A_685 : vector<16xf32>
        %get3A_687 = arith.constant 27 : i32
        %get3A_688 = arith.index_cast %get3A_687 : i32 to index
        %get3A_689 = arith.index_cast %mul3A_175 : i32 to index
        %get3A_690 = tpu.vector_load %arg5[%get3A_688, %get3A_689] {strides = array<i32>} : memref<30x512xf32, #tpu.memory_space<vmem>>, vector<16xf32>,
        %get3A_691 = arith.constant 27 : i32
        %get3A_692 = arith.index_cast %get3A_691 : i32 to index
        %get3A_693 = arith.index_cast %mul3A_175 : i32 to index
        %get3A_694 = tpu.vector_load %arg6[%get3A_692, %get3A_693] {strides = array<i32>} : memref<30x512xf32, #tpu.memory_space<vmem>>, vector<16xf32>,
        %sub3A_695 = arith.subf %get3A_690, %get3A_694 : vector<16xf32>
        %mul3A_696 = arith.mulf %sub3A_695, %sub3A_695 : vector<16xf32>
        %add3A_697 = arith.addf %add3A_686, %mul3A_696 : vector<16xf32>
        %get3A_698 = arith.constant 28 : i32
        %get3A_699 = arith.index_cast %get3A_698 : i32 to index
        %get3A_700 = arith.index_cast %mul3A_175 : i32 to index
        %get3A_701 = tpu.vector_load %arg5[%get3A_699, %get3A_700] {strides = array<i32>} : memref<30x512xf32, #tpu.memory_space<vmem>>, vector<16xf32>,
        %get3A_702 = arith.constant 28 : i32
        %get3A_703 = arith.index_cast %get3A_702 : i32 to index
        %get3A_704 = arith.index_cast %mul3A_175 : i32 to index
        %get3A_705 = tpu.vector_load %arg6[%get3A_703, %get3A_704] {strides = array<i32>} : memref<30x512xf32, #tpu.memory_space<vmem>>, vector<16xf32>,
        %sub3A_706 = arith.subf %get3A_701, %get3A_705 : vector<16xf32>
        %mul3A_707 = arith.mulf %sub3A_706, %sub3A_706 : vector<16xf32>
        %add3A_708 = arith.addf %add3A_697, %mul3A_707 : vector<16xf32>
        %get3A_709 = arith.constant 29 : i32
        %get3A_710 = arith.index_cast %get3A_709 : i32 to index
        %get3A_711 = arith.index_cast %mul3A_175 : i32 to index
        %get3A_712 = tpu.vector_load %arg5[%get3A_710, %get3A_711] {strides = array<i32>} : memref<30x512xf32, #tpu.memory_space<vmem>>, vector<16xf32>,
        %get3A_713 = arith.constant 29 : i32
        %get3A_714 = arith.index_cast %get3A_713 : i32 to index
        %get3A_715 = arith.index_cast %mul3A_175 : i32 to index
        %get3A_716 = tpu.vector_load %arg6[%get3A_714, %get3A_715] {strides = array<i32>} : memref<30x512xf32, #tpu.memory_space<vmem>>, vector<16xf32>,
        %sub3A_717 = arith.subf %get3A_712, %get3A_716 : vector<16xf32>
        %mul3A_718 = arith.mulf %sub3A_717, %sub3A_717 : vector<16xf32>
        %add3A_719 = arith.addf %add3A_708, %mul3A_718 : vector<16xf32>
        %mul3A_720 = arith.constant 5.000000e+00 : f32
        %mul3A_721 = vector.broadcast %mul3A_720 : f32 to vector<16xf32>
        %mul3A_722 = arith.mulf %mul3A_721, %convert_element_type3A_183 : vector<16xf32>
        %mul3A_723 = arith.mulf %mul3A_722, %sub3A_497 : vector<16xf32>
        %add3A_724 = arith.addf %mul3A_723, %mul3A_382 : vector<16xf32>
        %add3A_725 = arith.addf %add3A_724, %mul3A_384 : vector<16xf32>
        %mul3A_726 = arith.constant 5.000000e-01 : f32
        %mul3A_727 = vector.broadcast %mul3A_726 : f32 to vector<16xf32>
        %mul3A_728 = arith.mulf %mul3A_727, %mul3A_204 : vector<16xf32>
        %add3A_729 = arith.addf %add3A_725, %mul3A_728 : vector<16xf32>
        %mul3A_730 = arith.mulf %convert_element_type3A_183, %add3A_719 : vector<16xf32>
        %add3A_731 = arith.addf %add3A_729, %mul3A_730 : vector<16xf32>
        %get3A_732 = arith.constant 0 : index
        %get3A_733 = tpu.vector_load %arg10[%get3A_732] {strides = array<i32>} : memref<16xf32, #tpu.memory_space<vmem>>, vector<16xf32>,
        %add3A_734 = arith.addf %get3A_733, %add3A_731 : vector<16xf32>
        %swap3A_735 = arith.constant 0 : index
        %swap3A_736 = tpu.vector_load %arg10[%swap3A_735] {strides = array<i32>} : memref<16xf32, #tpu.memory_space<vmem>>, vector<16xf32>,
        tpu.vector_store %arg10[%swap3A_735], %add3A_734 {strides = array<i32>} : memref<16xf32, #tpu.memory_space<vmem>>, vector<16xf32>,
      }
      %scan3A_168 = arith.constant 32 : i32
    } else {
    }
    %get3A = arith.constant 0 : index
    %get3A_76 = tpu.vector_load %arg10[%get3A] {strides = array<i32>} : memref<16xf32, #tpu.memory_space<vmem>>, vector<16xf32>,
    %mul3A_77 = arith.constant 9.765625E-4 : f32
    %mul3A_78 = vector.broadcast %mul3A_77 : f32 to vector<16xf32>
    %mul3A_79 = arith.mulf %get3A_76, %mul3A_78 : vector<16xf32>
    %swap3A_80 = arith.constant 0 : index
    %swap3A_81 = tpu.vector_load %arg9[%swap3A_80] {strides = array<i32>} : memref<16xf32, #tpu.memory_space<vmem>>, vector<16xf32>,
    tpu.vector_store %arg9[%swap3A_80], %mul3A_79 {strides = array<i32>} : memref<16xf32, #tpu.memory_space<vmem>>, vector<16xf32>,
    %dma_start3A_82 = arith.constant 0 : i32
    %dma_start3A_83 = tpu.memref_slice %arg4[%add3A, %dma_start3A_82] : memref<32x16xf32, #tpu.memory_space<hbm>> -> memref<1x16xf32, #tpu.memory_space<hbm>>
    %dma_start3A_84 = tpu.memref_squeeze %dma_start3A_83 : memref<1x16xf32, #tpu.memory_space<hbm>> -> memref<16xf32, #tpu.memory_space<hbm>>
    %dma_start3A_85 = arith.constant 0 : i32
    %dma_start3A_86 = tpu.memref_slice %arg4[%add3A, %dma_start3A_85] : memref<32x16xf32, #tpu.memory_space<hbm>> -> memref<1x16xf32, #tpu.memory_space<hbm>>
    %dma_start3A_87 = tpu.memref_squeeze %dma_start3A_86 : memref<1x16xf32, #tpu.memory_space<hbm>> -> memref<16xf32, #tpu.memory_space<hbm>>
    tpu.enqueue_dma source(%arg9 : memref<16xf32, #tpu.memory_space<vmem>>) target(%dma_start3A_87 : memref<16xf32, #tpu.memory_space<hbm>>) target_semaphore(%arg13 : memref<!tpu.dma_semaphore, #tpu.memory_space<semaphore_mem>>)
    %dma_wait3A = arith.constant 0 : i32
    %dma_wait3A_88 = tpu.memref_slice %arg4[%add3A, %dma_wait3A] : memref<32x16xf32, #tpu.memory_space<hbm>> -> memref<1x16xf32, #tpu.memory_space<hbm>>
    %dma_wait3A_89 = tpu.memref_squeeze %dma_wait3A_88 : memref<1x16xf32, #tpu.memory_space<hbm>> -> memref<16xf32, #tpu.memory_space<hbm>>
    %dma_wait3A_90 = arith.constant 0 : i32
    %dma_wait3A_91 = tpu.memref_slice %arg4[%add3A, %dma_wait3A_90] : memref<32x16xf32, #tpu.memory_space<hbm>> -> memref<1x16xf32, #tpu.memory_space<hbm>>
    %dma_wait3A_92 = tpu.memref_squeeze %dma_wait3A_91 : memref<1x16xf32, #tpu.memory_space<hbm>> -> memref<16xf32, #tpu.memory_space<hbm>>
    tpu.wait_dma2 semaphore(%arg13 : memref<!tpu.dma_semaphore, #tpu.memory_space<semaphore_mem>>) src(%arg9 : memref<16xf32, #tpu.memory_space<vmem>>) dst(%dma_wait3A_92 : memref<16xf32, #tpu.memory_space<hbm>>)
    return
  }
}

</mosaic_0001>

<sc_bundles>
// kernel: kernel.3.cloned.1.call-start
scs
__scs_entry_jumppad:
0x0: {  	(pc) =	sbr.rel $0x88, $3  }
0x1: {  	(tag) =	ssettag $0x0;
	lr =	simm.s32 $0x1  }
0x2: {  	[smem:$0x3F9F] =	sst lr;
	_ =	strace $0xD0000000  }
0x3: {  	_ = 	snop  }
0x4: {  	_ = 	snop  }
0x5: {  	_ = 	snop  }
0x6: {  	_ = 	snop  }
0x7: {  	_ = 	snop  }
__scs_overlays_trampoline_lowered:
0x8: {  	[smem:$0x3FAE] =	sst s0  }
0x9: {  	[smem:$0x3FAF] =	sst s1  }
0xa: {  	[smem:$0x3FB0] =	sst s2  }
0xb: {  	[smem:$0x3FB1] =	sst s3  }
0xc: {  	[smem:$0x3FB2] =	sst s4  }
0xd: {  	[smem:$0x3FB3] =	sst s5  }
0xe: {  	[smem:$0x3FB4] =	sst s6  }
0xf: {  	[smem:$0x3FB5] =	sst s7  }
0x10: {  	[smem:$0x3FB6] =	sst s8  }
0x11: {  	[smem:$0x3FB7] =	sst s9;
	s0 =	simm.s32 @!p0 $0x0  }
0x12: {  	s1 =	sld [smem:$0x3F9D];
	s0 =	simm.s32 @p0 $0x1  }
0x13: {  	[smem:$0x3FB8] =	sst s0;
	s0 =	simm.s32 @!p1 $0x0  }
0x14: {  	s2 =	sld [smem:$0x3F9C];
	s0 =	simm.s32 @p1 $0x1  }
0x15: {  	[smem:$0x3FB9] =	sst s0;
	s0 =	simm.s32 @!p2 $0x0  }
0x16: {  	s3 =	sld [smem:$0x3FDB];
	s0 =	simm.s32 @p2 $0x1  }
0x17: {  	s4 =	simm.s32 $0x1BF5;
	[smem:$0x3FBB] =	sst s0  }
0x18: {  	s0 =	sld [smem:$0x3F9E];
	_ =	swait.ge [sflag:s4], $0x0  }
0x19: {  	s7 =	sld [smem:$0x3F9F]  }
0x1a: {  	s8 =	sadd.s32 $0xFFFFE003, lr  }
0x1b: {  	s9 =	sadd.s32 $0xFFFFFEF7, lr;
	s5 =	simm.s32 $0xFFFFFFFF;
	p2 =	slt.u32 s8, $0xFFFFF086  }
0x1c: {  	p1 =	slt.u32 s9, $0xF7A;
	s5 =	simm.s32 @!p2 $0x0  }
0x1d: {  	s5 =	simm.s32 @p1 $0x1;
	p0 =	seq.s32 s7, s2  }
0x1e: {  	s7 =	smul.u32 @!p0 $0xF7A, s2;
	p2 =	seq.s32 @!p0 s5, $0x0  }
0x1f: {  	s9 =	smul.u32 $0xF7A, s1;
	s8 =	simm.s32 @!p0 $0x1BF5;
	p2 =	por !p2, p0  }
0x20: {  	[sflag:s8] =	ssyncset.s32 @!p0 $0xFFFFF086;
	s6 =	sadd.s32 @!p0 s3, s7;
	s7 =	simm.s32 @!p0 $0x108  }
0x21: {  	s3 =	sadd.s32 s3, s9;
	s6 =	sadd.s32 @!p0 $0x88, s6;
	s7 =	simm.s32 @p2 $0x1082  }
0x22: {  	[simem:s7], [sflag:s8] =	dma.local @!p0 [hbm:s6], $0xF7A  }
0x23: {  	s9 =	sor.u32 $0xD0000000, s2;
	s6 =	simm.s32 $0x108;
	_ =	swait.ge @!p0 [sflag:s8], $0x0  }
0x24: {  	s3 =	sadd.s32 $0x88, s3;
	s6 =	simm.s32 @!p1 $0x1082;
	[sflag:s4] =	ssyncset.s32 $0xFFFFF086  }
0x25: {  	[simem:s6], [sflag:s4] =	dma.local [hbm:s3], $0xF7A  }
0x26: {  	[smem:$0x3F9F] =	sst s1;
	(tag) =	ssettag s2;
	_ =	strace s9  }
0x27: {  	s1 =	sld [smem:$0x3FAF]  }
0x28: {  	s2 =	sld [smem:$0x3FB0]  }
0x29: {  	s4 =	sld [smem:$0x3FB2]  }
0x2a: {  	p0 =	seq.s32 s5, $0x0;
	s5 =	sld [smem:$0x3FB3]  }
0x2b: {  	s6 =	sld [smem:$0x3FB4]  }
0x2c: {  	s7 =	sld [smem:$0x3FB5]  }
0x2d: {  	s3 =	simm.s32 $0x108;
	s8 =	sld [smem:$0x3FB6]  }
0x2e: {  	s3 =	simm.s32 @!p0 $0x1082;
	s9 =	sld [smem:$0x3FB7]  }
0x2f: {  	lr =	sadd.s32 s0, s3;
	s0 =	sld [smem:$0x3FAE]  }
0x30: {  	s3 =	sld [smem:$0x3FB1]  }
0x31: {  	[smem:$0x3FBA] =	sst s10  }
0x32: {  	s10 =	sld [smem:$0x3FB8];
	_ =	sdelay $0x3  }
0x33: {  	p0 =	seq.s32 s10, $0x1;
	s10 =	sld [smem:$0x3FBA];
	_ =	sdelay $0x3  }
0x34: {  	[smem:$0x3FBA] =	sst s10  }
0x35: {  	s10 =	sld [smem:$0x3FB9];
	_ =	sdelay $0x3  }
0x36: {  	p1 =	seq.s32 s10, $0x1;
	s10 =	sld [smem:$0x3FBA];
	_ =	sdelay $0x3  }
0x37: {  	[smem:$0x3FBA] =	sst s10  }
0x38: {  	s10 =	sld [smem:$0x3FBB]  }
0x39: {  	_ = 	snop;
	(pc) =	sbr.ind lr, $3  }
0x3a: {  	_ = 	snop  }
0x3b: {  	_ = 	snop  }
0x3c: {  	p2 =	seq.s32 s10, $0x1;
	s10 =	sld [smem:$0x3FBA]  }
0x3d: {  	_ =	shalt  }
0x3e: {  	_ =	shalt  }
0x3f: {  	_ =	shalt  }
0x40: {  	_ =	shalt  }
0x41: {  	_ =	shalt  }
0x42: {  	_ =	shalt  }
0x43: {  	_ =	shalt  }
0x44: {  	_ =	shalt  }
0x45: {  	_ =	shalt  }
0x46: {  	_ =	shalt  }
0x47: {  	_ =	shalt  }
0x48: {  	_ =	shalt  }
0x49: {  	_ =	shalt  }
0x4a: {  	_ =	shalt  }
0x4b: {  	_ =	shalt  }
0x4c: {  	_ =	shalt  }
0x4d: {  	_ =	shalt  }
0x4e: {  	_ =	shalt  }
0x4f: {  	_ =	shalt  }
0x50: {  	_ =	shalt  }
0x51: {  	_ =	shalt  }
0x52: {  	_ =	shalt  }
0x53: {  	_ =	shalt  }
0x54: {  	_ =	shalt  }
0x55: {  	_ =	shalt  }
0x56: {  	_ =	shalt  }
0x57: {  	_ =	shalt  }
0x58: {  	_ =	shalt  }
0x59: {  	_ =	shalt  }
0x5a: {  	_ =	shalt  }
0x5b: {  	_ =	shalt  }
0x5c: {  	_ =	shalt  }
0x5d: {  	_ =	shalt  }
0x5e: {  	_ =	shalt  }
0x5f: {  	_ =	shalt  }
0x60: {  	_ =	shalt  }
0x61: {  	_ =	shalt  }
0x62: {  	_ =	shalt  }
0x63: {  	_ =	shalt  }
0x64: {  	_ =	shalt  }
0x65: {  	_ =	shalt  }
0x66: {  	_ =	shalt  }
0x67: {  	_ =	shalt  }
0x68: {  	_ =	shalt  }
0x69: {  	_ =	shalt  }
0x6a: {  	_ =	shalt  }
0x6b: {  	_ =	shalt  }
0x6c: {  	_ =	shalt  }
0x6d: {  	_ =	shalt  }
0x6e: {  	_ =	shalt  }
0x6f: {  	_ =	shalt  }
0x70: {  	_ =	shalt  }
0x71: {  	_ =	shalt  }
0x72: {  	_ =	shalt  }
0x73: {  	_ =	shalt  }
0x74: {  	_ =	shalt  }
0x75: {  	_ =	shalt  }
0x76: {  	_ =	shalt  }
0x77: {  	_ =	shalt  }
0x78: {  	_ =	shalt  }
0x79: {  	_ =	shalt  }
0x7a: {  	_ =	shalt  }
0x7b: {  	_ =	shalt  }
0x7c: {  	_ =	shalt  }
0x7d: {  	_ =	shalt  }
0x7e: {  	_ =	shalt  }
0x7f: {  	_ =	shalt  }
0x80: {  	_ =	shalt  }
0x81: {  	_ =	shalt  }
0x82: {  	_ =	shalt  }
0x83: {  	_ =	shalt  }
0x84: {  	_ =	shalt  }
0x85: {  	_ =	shalt  }
0x86: {  	_ =	shalt  }
0x87: {  	_ =	shalt  }
.Lfunc_end0:
.L_simem_size_0:
called_computation_lowered:
.L_overlay_start_0:
0x88: {  	s2 =	sld [smem:$0x3FD9]  }
0x89: {  	s3 =	sld [smem:$0x3FFE];
	_ =	sdelay $0x1  }
0x8a: {  	s1 =	srdreg.scid  }
0x8b: {  	s0 =	sand.u32 $0x1, s1  }
0x8c: {  	s17 =	sshll.u32 s0, $0xA;
	s2 =	sadd.s32 s3, s2  }
0x8d: {  	s2 =	sadd.s32 s2, s17  }
0x8e: {  	[smem:$0x3FC6] =	sst s2  }
0x8f: {  	_ = 	snop  }
0x90: {  	s2 =	sld [smem:$0x3FC9]  }
0x91: {  	s18 =	sld [smem:$0x3FC8];
	(tm) =	ssettm $0x1  }
0x92: {  	s4 =	sld [smem:$0x3FFB];
	_ =	sdelay $0x3  }
0x93: {  	_ =	strace s4  }
0x94: {  	s4 =	sld [smem:$0x3FFC];
	_ =	sdelay $0x3  }
0x95: {  	_ =	strace s4  }
0x96: {  	s4 =	sld [smem:$0x3FFD];
	_ =	sdelay $0x3  }
0x97: {  	_ =	strace s4  }
0x98: {  	_ =	strace $0x8FFFFFFF  }
0x99: {  	s19 =	sld [smem:$0x3FDB];
	_ =	sdelay $0x1  }
0x9a: {  	s5 =	simm.s32 $_scs_section_size  }
0x9b: {  	s6 =	simm.s32 $_size__tile_overlayer_lowered;
	s7 =	simm.s32 $_tile_overlayer_lowered  }
0x9c: {  	s22 =	simm.s32 $0x1BFF;
	s21 =	sshll.u32 s7, $0x1;
	s4 =	sadd.s32 s5, s19  }
0x9d: {  	s8 =	simm.s32 $0x0;
	s20 =	sshll.u32 s6, $0x1;
	s6 =	sadd.s32 s21, s4  }
0x9e: {  	[timem:s8], [sflag:s22] =	dma.local [hbm:s6], s20  }
0x9f: {  	_ =	swait.ge [sflag:s22], s20  }
0xa0: {  	s5 =	ssub.s32 $0x0, s20;
	[sflag:s22] =	ssyncset.done $0x0  }
0xa1: {  	[sflag:s22] =	ssyncadd.s32 s5;
	_ =	sdelay $0x1  }
0xa2: {  	s23 =	simm.s32 $0x1B8B  }
0xa3: {  	_ =	swait.ge [sflag:s23], $0x1  }
0xa4: {  	[sflag:s23] =	ssyncset.done $0x0  }
0xa5: {  	s25 =	simm.s32 $0x1B8E;
	s24 =	sld [smem:$0x3FFE];
	[sflag:s23] =	ssyncadd.s32 $0xFFFFFFFF  }
0xa6: {  	s26 =	simm.s32 $execute0_lowered;
	[smem:$0x3FD2] =	sst s25  }
0xa7: {  	s6 =	sshll.u32 s26, $0x1;
	_ =	strace $0x80000046;
	[dreg:$0x1] =	wrdreg $0xFFFFFFFF  }
0xa8: {  	s28 =	simm.s32 $_size_execute0_lowered;
	s4 =	sadd.s32 s4, s6;
	[dreg:$0x0] =	wrdreg $0x0  }
0xa9: {  	s6 =	sshll.u32 s28, $0x1;
	[dreg:$0x2] =	wrdreg s4  }
0xaa: {  	[dreg:$0x3] =	wrdreg s6  }
0xab: {  	[dreg:$0x4] =	wrdreg $0xC0  }
0xac: {  	_ =	task [dreg:s8], $0x5FFFF  }
0xad: {  	[dreg:$0x1] =	wrdreg $0xFFFFFFFF  }
0xae: {  	[dreg:$0x0] =	wrdreg $0x60  }
0xaf: {  	[dreg:$0x2] =	wrdreg s2  }
0xb0: {  	[dreg:$0x3] =	wrdreg s18  }
0xb1: {  	[dreg:$0x4] =	wrdreg s24  }
0xb2: {  	[dreg:$0x5] =	wrdreg $0x9  }
0xb3: {  	_ =	task.clear_ibuf [dreg:s8], $0x6FFFF;
	_ =	strace $0x90000046  }
0xb4: {  	s29 =	simm.s32 $0x9;
	_ =	strace $0x80000048  }
0xb5: {  	_ =	swait.ge [sflag:s29], $0x1  }
0xb6: {  	[sflag:s29] =	ssyncadd.s32 $0xFFFFFFFF  }
0xb7: {  	_ =	strace $0x90000048  }
0xb8: {  	_ =	sfence  }
0xb9: {  	s30 =	sld [smem:$0x0];
	_ =	sdelay $0x2  }
0xba: {  	s31 =	sshll.u32 s1, $0xD;
	s1 =	sshrl.u32 s1, $0x2  }
0xbb: {  	s3 =	sand.u32 $0x4000, s31;
	s1 =	sadd.s32 s1, s30  }
0xbc: {  	s0 =	sor.u32 s3, s0;
	s1 =	sshll.u32 s1, $0x11  }
0xbd: {  	s0 =	sor.u32 s1, s0  }
0xbe: {  	s0 =	sadd.s32 $0x8F2B, s0  }
0xbf: {  	[sflag:s0] =	ssyncadd.remote.s32 $0x1  }
0xc0: {  	_ =	sfence.sel $0xFFFF  }
0xc1: {  	[dreg:$0x0] =	wrdreg $0xFFFFFFFF;
	(pc) =	sbr.abs _section_cstart, $3  }
0xc2: {  	[dreg:$0x1] =	wrdreg $0xFFFFFFFF  }
0xc3: {  	_ =	task.clear_ibuf [dreg:s8], $0x2FFFF;
	_ =	strace $0x9FFFFFFF  }
0xc4: {  	(tm) =	ssettm $0x7FFFFFFF  }
0xc5: {  	_ =	shalt  }
tec
execute0_lowered:
.L_overlay_start_1:
0x0: {  	(tag) =	ssettag $0x1  }
0x1: {  	s0 =	srdreg.scid  }
0x2: {  	s6 =	sand.u32 $0x1, s0  }
0x3: {  	s0 =	stileid.u32;
	s1 =	sshll.u32 s6, $0x4  }
0x4: {  	s18 =	sor.u32 s0, s1  }
0x5: {  	s1 =	smul.u32 $0xC, s18  }
0x6: {  	s2 =	smin.u32 s18, $0x8  }
0x7: {  	s1 =	sadd.s32 s2, s1;
	s2 =	sand.u32 $0x1, s2  }
0x8: {  	p0 =	seq.s32 s1, $0x0;
	p1 =	seq.s32 s2, $0x1  }
0x9: {  	s8 =	simm.s32 $0x1;
	p0 =	por !p0, !p1  }
0xa: {  	s10 =	rddreg [dreg:$0x2];
	s2 =	simm.s32 $0x1;
	p0 =	por !p0, !p0  }
0xb: {  	s14 =	simm.s32 $0x4000;
	s3 =	sshrl.u32 s1, $0x1;
	s2 =	simm.s32 @!p0 $0x0  }
0xc: {  	s15 =	simm.s32 $0x8000;
	s16 =	simm.s32 $0xC000;
	s7 =	ssub.s32 s3, s2  }
0xd: {  	s17 =	simm.s32 $0x2;
	s19 =	simm.s32 $0x3;
	s2 =	smul.u32 $0x6DB7, s7  }
0xe: {  	s20 =	simm.s32 $0x0;
	s6 =	ssub.s32 $0x2, s6;
	s31 =	sshll.u32 s0, $0x4  }
0xf: {  	s30 =	sshrl.u32 s6, $0x1;
	s13 =	sshll.u32 s18, $0x4;
	s2 =	sadd.s32 $0x1248, s2  }
0x10: {  	s13 =	sand.u32 $0x180, s13;
	s11 =	sshll.u32 s1, $0xC;
	s28 =	sand.u32 $0xFFFE, s2  }
0x11: {  	s4 =	smul.u32 $0x4925, s7;
	s2 =	sshll.u32 s2, $0xF;
	s3 =	sshrl.u32 s28, $0x1  }
0x12: {  	p5 =	slt.s32 s7, $0x1;
	s12 =	sshll.u32 s7, $0xD;
	s2 =	sor.u32 s2, s3  }
0x13: {  	s29 =	ssub.s32 s11, s12;
	s11 =	ssub.s32 s6, s30;
	s3 =	sand.u32 $0xFFFF, s2  }
0x14: {  	s6 =	simm.s32 $0x1;
	s12 =	sand.u32 $0x70, s31;
	p6 =	sgt.u32 s3, $0x1248  }
0x15: {  	s5 =	sshrl.u32 s4, $0x1F;
	s4 =	sshra.s32 s4, $0x12;
	p0 =	por !p5, !p6  }
0x16: {  	s10 =	sadd.s32 s10, s12;
	s11 =	smax.u32 s11, $0x1;
	p0 =	por !p0, !p0  }
0x17: {  	s12 =	simm.s32 $0x1000;
	s9 =	sadd.s32 s5, s4;
	s8 =	simm.s32 @!p0 $0x0  }
0x18: {  	s4 =	rddreg [dreg:$0x3];
	s5 =	simm.s32 $0x0;
	s8 =	ssub.s32 s9, s8  }
0x19: {  	s10 =	sadd.s32 s13, s10;
	[smem:$0x7FF] =	sst s5;
	s9 =	smul.u32 $0xFFFFFFF2, s8  }
0x1a: {  	s13 =	simm.s32 $0x2000;
	s2 =	rddreg [dreg:$0x0];
	s8 =	smul.u32 $0x70000, s8  }
.Ltmp0:
0x1b: {  	s3 =	rddreg [dreg:$0x1];
	s7 =	sadd.s32 s7, s9;
	(pc) =	sbr.rel .LBB2_1-.Ltmp0, $4  }
0x1c: {  	_ =	strace $0x80000047;
	s8 =	sadd.s32 s8, s29;
	s7 =	sshll.u32 s7, $0xF  }
0x1d: {  	p0 =	slt.u32 s18, $0x8;
	s9 =	simm.s32 $0xB;
	s7 =	sadd.s32 s7, s8  }
0x1e: {  	s9 =	simm.s32 @!p0 $0xA;
	p0 =	sgt.u32 s18, $0x7;
	s8 =	sshrl.u32 s7, $0x3  }
0x1f: {  	v0 =	vimm.f32 $0.0e+00;
	v1 =	vimm.s32 $0x0;
	s18 =	simm.s32 $0x10000;
	s7 =	sadd.s32 s2, s8;
	s8 =	sadd.s32 s3, s8  }
.LBB2_10:
0x20: {  	v2 =	vmul.f32 $9.765625000e-04, v2;
	s20 =	sadd.s32 $0x1, s20  }
0x21: {  	p1 =	sne.s32 s20, s11  }
.Ltmp1:
0x22: {  	[tilespmem:$0x10000] =	vst v2;
	(pc) =	sbr.rel @!p1 .LBB2_11-.Ltmp1, $4  }
0x23: {  	[hbm4b:s10+s5] =	stream.linear.scatter [tilespmem:s18], [sflag:$0x3], $0x80, $0x38;
	[tilespmem:$0x10100] =	vst v63  }
0x24: {  	_ =	swait.ge [sflag:s19], $0x80  }
0x25: {  	[sflag:s19] =	ssyncset.done $0x0  }
0x26: {  	[sflag:s19] =	ssyncadd.s32 $0xFFFFFF80  }
.LBB2_1:
0x27: {  	[tilespmem:$0x10080] =	vst v0  }
0x28: {  	[tilespmem:s5], [sflag:$0x1] =	stream.strided.gather [hbm4b:s7+s12], $0x4000, s13, s12, $0x38;
	[tilespmem:$0x10100] =	vst v63  }
0x29: {  	s21 =	simm.s32 $0x0  }
0x2a: {  	[tilespmem:s14], [sflag:$0x1] =	stream.strided.gather [hbm4b:s8+s12], $0x4000, s13, s12, $0x38;
	[tilespmem:$0x10100] =	vst v63  }
.LBB2_2:
0x2b: {  	s22 =	sshll.u32 s21, $0x1  }
0x2c: {  	s23 =	sadd.s32 s1, s22  }
0x2d: {  	s24 =	sadd.s32 $0x1, s23  }
0x2e: {  	s25 =	smulhi.u32 $0x92492493, s24;
	_ =	sdelay $0x1  }
0x2f: {  	s25 =	sshrl.u32 s25, $0x4  }
0x30: {  	s28 =	sshrl.u32 s24, $0x1;
	s26 =	smul.u32 $0xFFFFFFF2, s25  }
0x31: {  	s24 =	sshll.u32 s24, $0xC;
	s29 =	sshll.u32 s28, $0xD;
	s25 =	smul.u32 $0x70000, s25  }
0x32: {  	s24 =	ssub.s32 s24, s29;
	s26 =	sadd.s32 s28, s26  }
0x33: {  	s24 =	sadd.s32 s25, s24;
	s26 =	sshll.u32 s26, $0xF  }
0x34: {  	s24 =	sadd.s32 s26, s24  }
0x35: {  	s24 =	sshrl.u32 s24, $0x3  }
0x36: {  	s31 =	sadd.s32 s2, s24  }
0x37: {  	[tilespmem:s15], [sflag:$0x2] =	stream.strided.gather [hbm4b:s31+s12], $0x4000, s13, s12, $0x38;
	[tilespmem:$0x10100] =	vst v63  }
0x38: {  	s24 =	sadd.s32 s3, s24  }
0x39: {  	[tilespmem:s16], [sflag:$0x2] =	stream.strided.gather [hbm4b:s24+s12], $0x4000, s13, s12, $0x38;
	[tilespmem:$0x10100] =	vst v63  }
0x3a: {  	_ =	swait.ge [sflag:s6], $0x4000  }
0x3b: {  	[sflag:s6] =	ssyncset.done $0x0  }
0x3c: {  	[sflag:s6] =	ssyncadd.s32 $0xFFFFC000  }
0x3d: {  	_ =	swait.ge [sflag:s6], $0x4000  }
0x3e: {  	[sflag:s6] =	ssyncset.done $0x0  }
0x3f: {  	[sflag:s6] =	ssyncadd.s32 $0xFFFFC000  }
0x40: {  	s25 =	simm.s32 $0x0;
	s24 =	simm.s32 $0x0;
	v2 =	vld [tilespmem:$0x10080]  }
.LBB2_3:
0x41: {  	s26 =	sand.u32 $0x70, s25;
	s28 =	sand.u32 $0xC00, s24  }
0x42: {  	s26 =	sor.u32 s26, s28  }
0x43: {  	v4 =	vld [tilespmem:s26+$0x0]  }
0x44: {  	v5 =	vld [tilespmem:s26+$0x4000]  }
0x45: {  	v9 =	vld [tilespmem:s26+$0x4080]  }
0x46: {  	v8 =	vld [tilespmem:s26+$0x4100]  }
0x47: {  	v11 =	vld [tilespmem:s26+$0x80]  }
0x48: {  	s30 =	sand.u32 $0xFFFFFC00, s24;
	v12 =	vld [tilespmem:s26+$0x100]  }
0x49: {  	s28 =	sadd.s32 s30, s25;
	v17 =	vld [tilespmem:s26+$0x300]  }
0x4a: {  	s29 =	sor.u32 $0x180, s28;
	v22 =	vld [tilespmem:s26+$0x1000]  }
0x4b: {  	v10 =	vld [tilespmem:s29+$0x4000];
	v3 =	vmul.f32 $6.400000000e+01, v5  }
0x4c: {  	v13 =	vld [tilespmem:s29+$0x0];
	v6 =	vmul.f32 $2.240000000e+02, v8;
	v7 =	vmul.f32 $6.400000000e+01, v9  }
0x4d: {  	s29 =	sor.u32 s25, s24;
	v18 =	vmul.f32 $6.400000000e+01, v4;
	v19 =	vmul.f32 $2.240000000e+02, v12  }
0x4e: {  	v15 =	vld [tilespmem:s26+$0x280];
	s30 =	sor.u32 $0x380, s29;
	v56 =	vmul.f32 $6.400000000e+01, v11;
	v60 =	vmul.f32 $6.400000000e+01, v17  }
0x4f: {  	v20 =	vld [tilespmem:s30+$0x0];
	v30 =	vmul.f32 $2.240000000e+02, v22;
	v16 =	vsub.f32 v3, v6;
	v3 =	vadd.f32 v6, v3  }
0x50: {  	v14 =	vmul.f32 $2.240000000e+02, v10;
	v23 =	vsub.f32 v18, v19;
	v18 =	vadd.f32 v19, v18  }
0x51: {  	v21 =	vmul.f32 $2.240000000e+02, v13;
	v63 =	vadd.f32 v30, v60;
	v31 =	vsub.f32 v60, v30  }
0x52: {  	v55 =	vsub.f32 v7, v14;
	v7 =	vadd.f32 v14, v7  }
0x53: {  	v28 =	vmul.f32 $6.400000000e+01, v15;
	v24 =	vadd.f32 v21, v56;
	v14 =	vsub.f32 v56, v21  }
0x54: {  	v29 =	vmul.f32 $2.240000000e+02, v20;
	v57 =	vsub.f32 v3, v16;
	v58 =	vmin.f32 v18, v3  }
0x55: {  	v25 =	vmax.f32 v23, v16;
	v18 =	vsub.f32 v18, v23;
	v26 =	vsub.f32 v7, v55  }
0x56: {  	v21 =	vsub.f32 v58, v25;
	v59 =	vmin.f32 v24, v7;
	v61 =	vsub.f32 v28, v29  }
0x57: {  	v27 =	vmax.f32 v14, v55;
	v62 =	vadd.f32 v29, v28;
	v14 =	vsub.f32 v24, v14  }
0x58: {  	v7 =	vmin.f32 v63, v7;
	v6 =	vmax.f32 v31, v55;
	v24 =	vsub.f32 v63, v31  }
0x59: {  	v25 =	vsub.f32 v59, v27;
	v6 =	vsub.f32 v7, v6;
	v19 =	vmul.f32 v26, v57  }
0x5a: {  	v3 =	vmin.f32 v62, v3;
	v16 =	vmax.f32 v61, v16;
	v23 =	vsub.f32 v62, v61  }
0x5b: {  	v21 =	vmax.f32 v21, $0.0e+00;
	v14 =	vmul.f32 v14, v18;
	v3 =	vsub.f32 v3, v16  }
0x5c: {  	v25 =	vmax.f32 v25, $0.0e+00;
	v6 =	vmax.f32 v6, $0.0e+00;
	v33 =	vmul.f32 v24, v23  }
0x5d: {  	v32 =	vmul.f32 v25, v21;
	v14 =	vadd.f32 v19, v14;
	v3 =	vmax.f32 v3, $0.0e+00  }
0x5e: {  	v34 =	vmul.f32 v6, v3;
	v3 =	vadd.f32 v19, v33  }
0x5f: {  	v35 =	vsub.f32 v14, v32  }
0x60: {  	v3 =	vsub.f32 v3, v34  }
0x61: {  	(erf) = vrcp.f32 v35  }
0x62: {  	v36 =	vld [tilespmem:s26+$0x4280];
	(erf) = vrcp.f32 v3  }
0x63: {  	v40 =	vld [tilespmem:s26+$0x1100]  }
0x64: {  	v42 =	vld [tilespmem:s26+$0x5100]  }
0x65: {  	v45 =	vld [tilespmem:s26+$0x1200]  }
0x66: {  	v46 =	vld [tilespmem:s26+$0x5200]  }
0x67: {  	s31 =	sor.u32 $0x1180, s28;
	v52 =	vld [tilespmem:s26+$0x1300]  }
0x68: {  	v43 =	vld [tilespmem:s31+$0x0]  }
0x69: {  	v44 =	vld [tilespmem:s31+$0x4000]  }
0x6a: {  	v38 =	vld [tilespmem:s30+$0x4000];
	v6 =	vpop (erf)  }
0x6b: {  	v55 =	vld [tilespmem:s26+$0x5300];
	v41 =	vpop (erf)  }
0x6c: {  	v14 =	vld [tilespmem:s26+$0x4200];
	v6 =	vmul.f32 v6, v32;
	v7 =	vmul.f32 v41, v34  }
0x6d: {  	v3 =	vld [tilespmem:s26+$0x200]  }
0x6e: {  	v39 =	vld [tilespmem:s26+$0x5000];
	v51 =	vsub.f32 v40, v42;
	v18 =	vsub.f32 v43, v44;
	vm0 =	vge.f32 v6, v7  }
0x6f: {  	v47 =	vld [tilespmem:s26+$0x1280];
	s31 =	sor.u32 $0x1380, s29;
	v21 =	vsub.f32 v45, v46;
	v12 =	vsel vm0, v12, v20;
	v20 =	vsel vm0, v8, v38  }
0x70: {  	v56 =	vld [tilespmem:s31+$0x0];
	v18 =	vmul.f32 v18, v18;
	v4 =	vsel vm0, v4, v15;
	v15 =	vmul.f32 v20, v12  }
0x71: {  	v59 =	vld [tilespmem:s31+$0x4000];
	v31 =	vsub.f32 v52, v55;
	v60 =	vmul.f32 v21, v21;
	vm1 =	vgt.f32 v14, $0.0e+00  }
0x72: {  	v49 =	vld [tilespmem:s26+$0x5280];
	v14 =	vsub.f32 v3, v14;
	v50 =	vshra.s32 v15, $0x1;
	v54 =	vmul.f32 $5.000000000e-01, v15  }
0x73: {  	v37 =	vld [tilespmem:s26+$0x4300];
	v35 =	vmul.f32 v31, v31;
	v5 =	vsel vm0, v5, v36;
	v53 =	vsub.s32 $0x5F3759DF, v50  }
0x74: {  	v40 =	vld [tilespmem:s26+$0x2100];
	v14 =	vmul.f32 v14, v14;
	v48 =	vsub.f32 v4, v5;
	v57 =	vmul.f32 v53, v54  }
0x75: {  	v63 =	vld [tilespmem:s26+$0x2000];
	v5 =	vsel vm0, v13, v22;
	v4 =	vsel vm0, v10, v39;
	v13 =	vmul.f32 v51, v51  }
0x76: {  	v32 =	vld [tilespmem:s26+$0x6000];
	v36 =	vsub.f32 v56, v59;
	v8 =	vmul.f32 v4, v5;
	v61 =	vmul.f32 v53, v57  }
0x77: {  	v42 =	vld [tilespmem:s26+$0x6100];
	v11 =	vsel vm0, v11, v17;
	v10 =	vsub.f32 v47, v49;
	v13 =	vadd.f32 v18, v13  }
0x78: {  	v30 =	vld [tilespmem:s26+$0x1080];
	v58 =	vshra.s32 v8, $0x1;
	v21 =	vmul.f32 $5.000000000e-01, v8;
	v16 =	vsub.f32 $1.500000000e+00, v61  }
0x79: {  	v34 =	vld [tilespmem:s26+$0x2080];
	v10 =	vmul.f32 v10, v10;
	v62 =	vsub.s32 $0x5F3759DF, v58;
	v13 =	vadd.f32 v60, v13  }
0x7a: {  	v9 =	vsel vm0, v9, v37;
	v37 =	vld [tilespmem:s26+$0x6080];
	v33 =	vmul.f32 v62, v21;
	v16 =	vmul.f32 v53, v16  }
0x7b: {  	v38 =	vld [tilespmem:s26+$0x5080];
	v22 =	vsub.f32 v63, v32;
	v39 =	vmul.f32 v36, v36;
	v10 =	vadd.f32 v10, v13  }
0x7c: {  	s31 =	sor.u32 $0x2180, s28;
	v9 =	vsub.f32 v11, v9;
	v19 =	vmul.f32 v62, v33;
	v41 =	vmul.f32 v16, v54  }
0x7d: {  	v43 =	vld [tilespmem:s31+$0x0];
	v22 =	vmul.f32 v22, v22;
	v28 =	vmul.f32 v48, v48;
	v10 =	vadd.f32 v35, v10  }
0x7e: {  	v44 =	vld [tilespmem:s31+$0x4000];
	v18 =	vsub.f32 v40, v42;
	v19 =	vsub.f32 $1.500000000e+00, v19;
	v11 =	vmul.f32 v41, v16  }
0x7f: {  	v45 =	vld [tilespmem:s26+$0x2200];
	v9 =	vmul.f32 v9, v9;
	v25 =	vsub.f32 v34, v37;
	v10 =	vadd.f32 v39, v10  }
0x80: {  	v47 =	vld [tilespmem:s26+$0x6200];
	v23 =	vsub.f32 v30, v38;
	v17 =	vmul.f32 v62, v19;
	v11 =	vsub.f32 $1.500000000e+00, v11  }
0x81: {  	v48 =	vld [tilespmem:s26+$0x2280];
	v18 =	vmul.f32 v18, v18;
	v46 =	vmul.f32 v25, v25;
	v10 =	vadd.f32 v22, v10  }
0x82: {  	v29 =	vsel vm1, $0x3F800000, v1;
	v50 =	vld [tilespmem:s26+$0x6280];
	v49 =	vmul.f32 v17, v21;
	v11 =	vmul.f32 v11, v16  }
0x83: {  	v51 =	vld [tilespmem:s26+$0x2300];
	v23 =	vmul.f32 v23, v23;
	v13 =	vsub.f32 v43, v44;
	v10 =	vadd.f32 v46, v10  }
0x84: {  	s29 =	sor.u32 $0x2380, s29;
	v9 =	vadd.f32 v9, v28;
	v53 =	vld [tilespmem:s26+$0x6300];
	v16 =	vmul.f32 v49, v17;
	v52 =	vmul.f32 v11, v54  }
0x85: {  	v55 =	vld [tilespmem:s29+$0x0];
	v13 =	vmul.f32 v13, v13;
	v10 =	vadd.f32 v18, v10;
	v54 =	vsub.f32 v45, v47  }
0x86: {  	v56 =	vld [tilespmem:s29+$0x4000];
	v14 =	vadd.f32 v23, v14;
	v16 =	vsub.f32 $1.500000000e+00, v16;
	v23 =	vmul.f32 v52, v11  }
0x87: {  	v59 =	vld [tilespmem:s26+$0x3000];
	v58 =	vsub.f32 v48, v50;
	v10 =	vadd.f32 v13, v10;
	v57 =	vmul.f32 v54, v54  }
0x88: {  	v60 =	vsub.f32 $1.000000000e+00, v29;
	v61 =	vld [tilespmem:s26+$0x7000];
	v16 =	vmul.f32 v16, v17;
	v23 =	vsub.f32 $1.500000000e+00, v23  }
0x89: {  	v32 =	vld [tilespmem:s26+$0x7080];
	v62 =	vmul.f32 v58, v58;
	v63 =	vsub.f32 v51, v53;
	v10 =	vadd.f32 v57, v10  }
0x8a: {  	v28 =	vld [tilespmem:s26+$0x3080];
	v9 =	vadd.f32 v9, v12;
	v31 =	vmul.f32 v16, v21;
	v11 =	vmul.f32 v23, v11  }
0x8b: {  	s28 =	sor.u32 $0x3180, s28;
	v36 =	vld [tilespmem:s26+$0x7100];
	v34 =	vsub.f32 v55, v56;
	v33 =	vmul.f32 v63, v63;
	v10 =	vadd.f32 v62, v10  }
0x8c: {  	v38 =	vld [tilespmem:s28+$0x0];
	v9 =	vadd.f32 v9, v20;
	v12 =	vmul.f32 v31, v16;
	v11 =	vmul.f32 v11, v15  }
0x8d: {  	v37 =	vmul.f32 v34, v34;
	v35 =	vld [tilespmem:s26+$0x3100];
	v17 =	vsub.f32 v59, v61;
	v10 =	vadd.f32 v33, v10  }
0x8e: {  	v6 =	vmax.f32 v6, v7;
	v41 =	vld [tilespmem:s28+$0x4000];
	v40 =	vsub.f32 $1.500000000e+00, v12;
	v39 =	vadd.f32 v11, v11  }
0x8f: {  	v48 =	vld [tilespmem:s26+$0x7200];
	v43 =	vsub.f32 v28, v32;
	v42 =	vmul.f32 v17, v17;
	v10 =	vadd.f32 v37, v10  }
0x90: {  	v44 =	vsel vm0, v3, v30;
	v46 =	vld [tilespmem:s26+$0x3200];
	v45 =	vmul.f32 v40, v16;
	v7 =	vsub.f32 v9, v39  }
0x91: {  	v6 =	vsub.f32 v44, v6;
	v50 =	vld [tilespmem:s26+$0x3280];
	v47 =	vmul.f32 v43, v43;
	v10 =	vadd.f32 v42, v10  }
0x92: {  	v53 =	vld [tilespmem:s26+$0x7280];
	v15 =	vsub.f32 v35, v36;
	v49 =	vmul.f32 v45, v8;
	v5 =	vadd.f32 v7, v5  }
0x93: {  	v3 =	vsel vm0, v30, v3;
	v12 =	vsub.f32 v38, v41;
	v51 =	vadd.f32 v47, v10  }
0x94: {  	v52 =	vmul.f32 v15, v15;
	v54 =	vadd.f32 v49, v49;
	v4 =	vadd.f32 v5, v4  }
0x95: {  	v55 =	vmul.f32 v29, v6;
	v58 =	vmul.f32 $5.000000000e+00, v29;
	v57 =	vsub.f32 v46, v48  }
0x96: {  	v56 =	vmul.f32 v12, v12;
	v9 =	vadd.f32 v52, v51;
	v4 =	vsub.f32 v4, v54  }
0x97: {  	v6 =	vmul.f32 v55, v6;
	v59 =	vmul.f32 v29, v3;
	v8 =	vsub.f32 v50, v53  }
0x98: {  	v5 =	vmul.f32 v57, v57;
	v9 =	vadd.f32 v56, v9;
	v4 =	vmul.f32 v4, v58  }
0x99: {  	v60 =	vmul.f32 v14, v60;
	v3 =	vmul.f32 v59, v3  }
0x9a: {  	v61 =	vmul.f32 v8, v8;
	v5 =	vadd.f32 v5, v9;
	v4 =	vadd.f32 v4, v6;
	_ =	sdelay $0x1  }
0x9b: {  	v62 =	vmul.f32 $5.000000000e-01, v60;
	v5 =	vadd.f32 v61, v5;
	v3 =	vadd.f32 v4, v3;
	_ =	sdelay $0x1  }
0x9c: {  	v63 =	vmul.f32 v29, v5;
	v3 =	vadd.f32 v3, v62  }
0x9d: {  	p1 =	sne.s32 s25, $0x1F0  }
.Ltmp2:
0x9e: {  	v3 =	vadd.f32 v63, v3;
	(pc) =	sbr.rel @p1 .LBB2_3-.Ltmp2, $3  }
0x9f: {  	_ = 	snop  }
0xa0: {  	v2 =	vadd.f32 v3, v2;
	_ =	sdelay $0x1  }
0xa1: {  	s24 =	sadd.s32 $0x80, s24;
	s25 =	sadd.s32 $0x10, s25;
	[tilespmem:$0x10080] =	vst v2  }
0xa2: {  	p1 =	sge.u32 s22, s9  }
0xa3: {  	s22 =	sadd.s32 @!p1 $0x2, s23  }
0xa4: {  	s23 =	sshrl.u32 @!p1 s22, $0x2  }
0xa5: {  	s23 =	smulhi.u32 @!p1 $0x24924925, s23;
	_ =	sdelay $0x1  }
0xa6: {  	s25 =	sshrl.u32 @!p1 s22, $0x1;
	s24 =	smul.u32 @!p1 $0xFFFFFFF2, s23  }
0xa7: {  	s22 =	sshll.u32 @!p1 s22, $0xC;
	s26 =	sshll.u32 @!p1 s25, $0xD;
	s23 =	smul.u32 @!p1 $0x70000, s23  }
0xa8: {  	s22 =	ssub.s32 @!p1 s22, s26;
	s24 =	sadd.s32 @!p1 s25, s24  }
0xa9: {  	s22 =	sadd.s32 @!p1 s23, s22;
	s24 =	sshll.u32 @!p1 s24, $0xF  }
0xaa: {  	s22 =	sadd.s32 @!p1 s24, s22  }
0xab: {  	s26 =	simm.s32 @!p1 $0x0;
	s22 =	sshrl.u32 @!p1 s22, $0x3  }
0xac: {  	s25 =	simm.s32 @!p1 $0x2000;
	s24 =	simm.s32 @!p1 $0x1000;
	s23 =	sadd.s32 @!p1 s2, s22  }
0xad: {  	[tilespmem:s26], [sflag:$0x1] =	stream.strided.gather @!p1 [hbm4b:s23+s24], $0x4000, s25, s24, $0x38;
	[tilespmem:$0x10100] =	vst v63  }
0xae: {  	s22 =	sadd.s32 @!p1 s3, s22;
	s23 =	simm.s32 @!p1 $0x4000  }
0xaf: {  	[tilespmem:s23], [sflag:$0x1] =	stream.strided.gather @!p1 [hbm4b:s22+s24], $0x4000, s25, s24, $0x38;
	[tilespmem:$0x10100] =	vst v63  }
0xb0: {  	_ =	swait.ge [sflag:s17], $0x4000  }
0xb1: {  	[sflag:s17] =	ssyncset.done $0x0  }
0xb2: {  	[sflag:s17] =	ssyncadd.s32 $0xFFFFC000  }
0xb3: {  	_ =	swait.ge [sflag:s17], $0x4000  }
0xb4: {  	[sflag:s17] =	ssyncset.done $0x0  }
0xb5: {  	[sflag:s17] =	ssyncadd.s32 $0xFFFFC000  }
0xb6: {  	s22 =	simm.s32 $0x0;
	s23 =	simm.s32 $0x0;
	v2 =	vld [tilespmem:$0x10080]  }
.LBB2_5:
0xb7: {  	s24 =	sand.u32 $0x70, s23;
	s25 =	sand.u32 $0xC00, s22  }
0xb8: {  	s24 =	sor.u32 s24, s25  }
0xb9: {  	v4 =	vld [tilespmem:s24+$0x8000]  }
0xba: {  	v5 =	vld [tilespmem:s24+$0xC000]  }
0xbb: {  	v9 =	vld [tilespmem:s24+$0xC080]  }
0xbc: {  	v8 =	vld [tilespmem:s24+$0xC100]  }
0xbd: {  	v11 =	vld [tilespmem:s24+$0x8080]  }
0xbe: {  	s28 =	sand.u32 $0xFFFFFC00, s22;
	v12 =	vld [tilespmem:s24+$0x8100]  }
0xbf: {  	s25 =	sadd.s32 s28, s23;
	v17 =	vld [tilespmem:s24+$0x8300]  }
0xc0: {  	s26 =	sor.u32 $0x180, s25;
	v22 =	vld [tilespmem:s24+$0x9000]  }
0xc1: {  	v10 =	vld [tilespmem:s26+$0xC000];
	v3 =	vmul.f32 $6.400000000e+01, v5  }
0xc2: {  	v13 =	vld [tilespmem:s26+$0x8000];
	v6 =	vmul.f32 $2.240000000e+02, v8;
	v7 =	vmul.f32 $6.400000000e+01, v9  }
0xc3: {  	s26 =	sor.u32 s23, s22;
	v18 =	vmul.f32 $6.400000000e+01, v4;
	v19 =	vmul.f32 $2.240000000e+02, v12  }
0xc4: {  	v15 =	vld [tilespmem:s24+$0x8280];
	s28 =	sor.u32 $0x380, s26;
	v56 =	vmul.f32 $6.400000000e+01, v11;
	v60 =	vmul.f32 $6.400000000e+01, v17  }
0xc5: {  	v20 =	vld [tilespmem:s28+$0x8000];
	v30 =	vmul.f32 $2.240000000e+02, v22;
	v16 =	vsub.f32 v3, v6;
	v3 =	vadd.f32 v6, v3  }
0xc6: {  	v14 =	vmul.f32 $2.240000000e+02, v10;
	v23 =	vsub.f32 v18, v19;
	v18 =	vadd.f32 v19, v18  }
0xc7: {  	v21 =	vmul.f32 $2.240000000e+02, v13;
	v63 =	vadd.f32 v30, v60;
	v31 =	vsub.f32 v60, v30  }
0xc8: {  	v55 =	vsub.f32 v7, v14;
	v7 =	vadd.f32 v14, v7  }
0xc9: {  	v28 =	vmul.f32 $6.400000000e+01, v15;
	v24 =	vadd.f32 v21, v56;
	v14 =	vsub.f32 v56, v21  }
0xca: {  	v29 =	vmul.f32 $2.240000000e+02, v20;
	v57 =	vsub.f32 v3, v16;
	v58 =	vmin.f32 v18, v3  }
0xcb: {  	v25 =	vmax.f32 v23, v16;
	v18 =	vsub.f32 v18, v23;
	v26 =	vsub.f32 v7, v55  }
0xcc: {  	v21 =	vsub.f32 v58, v25;
	v59 =	vmin.f32 v24, v7;
	v61 =	vsub.f32 v28, v29  }
0xcd: {  	v27 =	vmax.f32 v14, v55;
	v62 =	vadd.f32 v29, v28;
	v14 =	vsub.f32 v24, v14  }
0xce: {  	v7 =	vmin.f32 v63, v7;
	v6 =	vmax.f32 v31, v55;
	v24 =	vsub.f32 v63, v31  }
0xcf: {  	v25 =	vsub.f32 v59, v27;
	v6 =	vsub.f32 v7, v6;
	v19 =	vmul.f32 v26, v57  }
0xd0: {  	v3 =	vmin.f32 v62, v3;
	v16 =	vmax.f32 v61, v16;
	v23 =	vsub.f32 v62, v61  }
0xd1: {  	v21 =	vmax.f32 v21, $0.0e+00;
	v14 =	vmul.f32 v14, v18;
	v3 =	vsub.f32 v3, v16  }
0xd2: {  	v25 =	vmax.f32 v25, $0.0e+00;
	v6 =	vmax.f32 v6, $0.0e+00;
	v33 =	vmul.f32 v24, v23  }
0xd3: {  	v32 =	vmul.f32 v25, v21;
	v14 =	vadd.f32 v19, v14;
	v3 =	vmax.f32 v3, $0.0e+00  }
0xd4: {  	v34 =	vmul.f32 v6, v3;
	v3 =	vadd.f32 v19, v33  }
0xd5: {  	v35 =	vsub.f32 v14, v32  }
0xd6: {  	v3 =	vsub.f32 v3, v34  }
0xd7: {  	(erf) = vrcp.f32 v35  }
0xd8: {  	v36 =	vld [tilespmem:s24+$0xC280];
	(erf) = vrcp.f32 v3  }
0xd9: {  	v40 =	vld [tilespmem:s24+$0x9100]  }
0xda: {  	v42 =	vld [tilespmem:s24+$0xD100]  }
0xdb: {  	v45 =	vld [tilespmem:s24+$0x9200]  }
0xdc: {  	v46 =	vld [tilespmem:s24+$0xD200]  }
0xdd: {  	s29 =	sor.u32 $0x1180, s25;
	v52 =	vld [tilespmem:s24+$0x9300]  }
0xde: {  	v43 =	vld [tilespmem:s29+$0x8000]  }
0xdf: {  	v44 =	vld [tilespmem:s29+$0xC000]  }
0xe0: {  	v38 =	vld [tilespmem:s28+$0xC000];
	v6 =	vpop (erf)  }
0xe1: {  	v55 =	vld [tilespmem:s24+$0xD300];
	v41 =	vpop (erf)  }
0xe2: {  	v14 =	vld [tilespmem:s24+$0xC200];
	v6 =	vmul.f32 v6, v32;
	v7 =	vmul.f32 v41, v34  }
0xe3: {  	v3 =	vld [tilespmem:s24+$0x8200]  }
0xe4: {  	v39 =	vld [tilespmem:s24+$0xD000];
	v51 =	vsub.f32 v40, v42;
	v18 =	vsub.f32 v43, v44;
	vm0 =	vge.f32 v6, v7  }
0xe5: {  	v47 =	vld [tilespmem:s24+$0x9280];
	s30 =	sor.u32 $0x1380, s26;
	v21 =	vsub.f32 v45, v46;
	v12 =	vsel vm0, v12, v20;
	v20 =	vsel vm0, v8, v38  }
0xe6: {  	v56 =	vld [tilespmem:s30+$0x8000];
	v18 =	vmul.f32 v18, v18;
	v4 =	vsel vm0, v4, v15;
	v15 =	vmul.f32 v20, v12  }
0xe7: {  	v59 =	vld [tilespmem:s30+$0xC000];
	v31 =	vsub.f32 v52, v55;
	v60 =	vmul.f32 v21, v21;
	vm1 =	vgt.f32 v14, $0.0e+00  }
0xe8: {  	v49 =	vld [tilespmem:s24+$0xD280];
	v14 =	vsub.f32 v3, v14;
	v50 =	vshra.s32 v15, $0x1;
	v54 =	vmul.f32 $5.000000000e-01, v15  }
0xe9: {  	v37 =	vld [tilespmem:s24+$0xC300];
	v35 =	vmul.f32 v31, v31;
	v5 =	vsel vm0, v5, v36;
	v53 =	vsub.s32 $0x5F3759DF, v50  }
0xea: {  	v40 =	vld [tilespmem:s24+$0xA100];
	v14 =	vmul.f32 v14, v14;
	v48 =	vsub.f32 v4, v5;
	v57 =	vmul.f32 v53, v54  }
0xeb: {  	v63 =	vld [tilespmem:s24+$0xA000];
	v5 =	vsel vm0, v13, v22;
	v4 =	vsel vm0, v10, v39;
	v13 =	vmul.f32 v51, v51  }
0xec: {  	v32 =	vld [tilespmem:s24+$0xE000];
	v36 =	vsub.f32 v56, v59;
	v8 =	vmul.f32 v4, v5;
	v61 =	vmul.f32 v53, v57  }
0xed: {  	v42 =	vld [tilespmem:s24+$0xE100];
	v11 =	vsel vm0, v11, v17;
	v10 =	vsub.f32 v47, v49;
	v13 =	vadd.f32 v18, v13  }
0xee: {  	v30 =	vld [tilespmem:s24+$0x9080];
	v58 =	vshra.s32 v8, $0x1;
	v21 =	vmul.f32 $5.000000000e-01, v8;
	v16 =	vsub.f32 $1.500000000e+00, v61  }
0xef: {  	v34 =	vld [tilespmem:s24+$0xA080];
	v10 =	vmul.f32 v10, v10;
	v62 =	vsub.s32 $0x5F3759DF, v58;
	v13 =	vadd.f32 v60, v13  }
0xf0: {  	v9 =	vsel vm0, v9, v37;
	v37 =	vld [tilespmem:s24+$0xE080];
	v33 =	vmul.f32 v62, v21;
	v16 =	vmul.f32 v53, v16  }
0xf1: {  	v38 =	vld [tilespmem:s24+$0xD080];
	v22 =	vsub.f32 v63, v32;
	v39 =	vmul.f32 v36, v36;
	v10 =	vadd.f32 v10, v13  }
0xf2: {  	s31 =	sor.u32 $0x2180, s25;
	v9 =	vsub.f32 v11, v9;
	v19 =	vmul.f32 v62, v33;
	v41 =	vmul.f32 v16, v54  }
0xf3: {  	v43 =	vld [tilespmem:s31+$0x8000];
	v22 =	vmul.f32 v22, v22;
	v28 =	vmul.f32 v48, v48;
	v10 =	vadd.f32 v35, v10  }
0xf4: {  	v44 =	vld [tilespmem:s31+$0xC000];
	v18 =	vsub.f32 v40, v42;
	v19 =	vsub.f32 $1.500000000e+00, v19;
	v11 =	vmul.f32 v41, v16  }
0xf5: {  	v45 =	vld [tilespmem:s24+$0xA200];
	v9 =	vmul.f32 v9, v9;
	v25 =	vsub.f32 v34, v37;
	v10 =	vadd.f32 v39, v10  }
0xf6: {  	v47 =	vld [tilespmem:s24+$0xE200];
	v23 =	vsub.f32 v30, v38;
	v17 =	vmul.f32 v62, v19;
	v11 =	vsub.f32 $1.500000000e+00, v11  }
0xf7: {  	v48 =	vld [tilespmem:s24+$0xA280];
	v18 =	vmul.f32 v18, v18;
	v46 =	vmul.f32 v25, v25;
	v10 =	vadd.f32 v22, v10  }
0xf8: {  	v29 =	vsel vm1, $0x3F800000, v1;
	v50 =	vld [tilespmem:s24+$0xE280];
	v49 =	vmul.f32 v17, v21;
	v11 =	vmul.f32 v11, v16  }
0xf9: {  	v51 =	vld [tilespmem:s24+$0xA300];
	v23 =	vmul.f32 v23, v23;
	v13 =	vsub.f32 v43, v44;
	v10 =	vadd.f32 v46, v10  }
0xfa: {  	s26 =	sor.u32 $0x2380, s26;
	v9 =	vadd.f32 v9, v28;
	v53 =	vld [tilespmem:s24+$0xE300];
	v16 =	vmul.f32 v49, v17;
	v52 =	vmul.f32 v11, v54  }
0xfb: {  	v55 =	vld [tilespmem:s26+$0x8000];
	v13 =	vmul.f32 v13, v13;
	v10 =	vadd.f32 v18, v10;
	v54 =	vsub.f32 v45, v47  }
0xfc: {  	v56 =	vld [tilespmem:s26+$0xC000];
	v14 =	vadd.f32 v23, v14;
	v16 =	vsub.f32 $1.500000000e+00, v16;
	v23 =	vmul.f32 v52, v11  }
0xfd: {  	v59 =	vld [tilespmem:s24+$0xB000];
	v58 =	vsub.f32 v48, v50;
	v10 =	vadd.f32 v13, v10;
	v57 =	vmul.f32 v54, v54  }
0xfe: {  	v60 =	vsub.f32 $1.000000000e+00, v29;
	v61 =	vld [tilespmem:s24+$0xF000];
	v16 =	vmul.f32 v16, v17;
	v23 =	vsub.f32 $1.500000000e+00, v23  }
0xff: {  	v32 =	vld [tilespmem:s24+$0xF080];
	v62 =	vmul.f32 v58, v58;
	v63 =	vsub.f32 v51, v53;
	v10 =	vadd.f32 v57, v10  }
0x100: {  	v28 =	vld [tilespmem:s24+$0xB080];
	v9 =	vadd.f32 v9, v12;
	v31 =	vmul.f32 v16, v21;
	v11 =	vmul.f32 v23, v11  }
0x101: {  	s25 =	sor.u32 $0x3180, s25;
	v36 =	vld [tilespmem:s24+$0xF100];
	v34 =	vsub.f32 v55, v56;
	v33 =	vmul.f32 v63, v63;
	v10 =	vadd.f32 v62, v10  }
0x102: {  	v38 =	vld [tilespmem:s25+$0x8000];
	v9 =	vadd.f32 v9, v20;
	v12 =	vmul.f32 v31, v16;
	v11 =	vmul.f32 v11, v15  }
0x103: {  	v37 =	vmul.f32 v34, v34;
	v35 =	vld [tilespmem:s24+$0xB100];
	v17 =	vsub.f32 v59, v61;
	v10 =	vadd.f32 v33, v10  }
0x104: {  	v6 =	vmax.f32 v6, v7;
	v41 =	vld [tilespmem:s25+$0xC000];
	v40 =	vsub.f32 $1.500000000e+00, v12;
	v39 =	vadd.f32 v11, v11  }
0x105: {  	v48 =	vld [tilespmem:s24+$0xF200];
	v43 =	vsub.f32 v28, v32;
	v42 =	vmul.f32 v17, v17;
	v10 =	vadd.f32 v37, v10  }
0x106: {  	v44 =	vsel vm0, v3, v30;
	v46 =	vld [tilespmem:s24+$0xB200];
	v45 =	vmul.f32 v40, v16;
	v7 =	vsub.f32 v9, v39  }
0x107: {  	v6 =	vsub.f32 v44, v6;
	v50 =	vld [tilespmem:s24+$0xB280];
	v47 =	vmul.f32 v43, v43;
	v10 =	vadd.f32 v42, v10  }
0x108: {  	v53 =	vld [tilespmem:s24+$0xF280];
	v15 =	vsub.f32 v35, v36;
	v49 =	vmul.f32 v45, v8;
	v5 =	vadd.f32 v7, v5  }
0x109: {  	v3 =	vsel vm0, v30, v3;
	v12 =	vsub.f32 v38, v41;
	v51 =	vadd.f32 v47, v10  }
0x10a: {  	v52 =	vmul.f32 v15, v15;
	v54 =	vadd.f32 v49, v49;
	v4 =	vadd.f32 v5, v4  }
0x10b: {  	v55 =	vmul.f32 v29, v6;
	v58 =	vmul.f32 $5.000000000e+00, v29;
	v57 =	vsub.f32 v46, v48  }
0x10c: {  	v56 =	vmul.f32 v12, v12;
	v9 =	vadd.f32 v52, v51;
	v4 =	vsub.f32 v4, v54  }
0x10d: {  	v6 =	vmul.f32 v55, v6;
	v59 =	vmul.f32 v29, v3;
	v8 =	vsub.f32 v50, v53  }
0x10e: {  	v5 =	vmul.f32 v57, v57;
	v9 =	vadd.f32 v56, v9;
	v4 =	vmul.f32 v4, v58  }
0x10f: {  	v60 =	vmul.f32 v14, v60;
	v3 =	vmul.f32 v59, v3  }
0x110: {  	v61 =	vmul.f32 v8, v8;
	v5 =	vadd.f32 v5, v9;
	v4 =	vadd.f32 v4, v6;
	_ =	sdelay $0x1  }
0x111: {  	v62 =	vmul.f32 $5.000000000e-01, v60;
	v5 =	vadd.f32 v61, v5;
	v3 =	vadd.f32 v4, v3;
	_ =	sdelay $0x1  }
0x112: {  	v63 =	vmul.f32 v29, v5;
	v3 =	vadd.f32 v3, v62  }
0x113: {  	p1 =	sne.s32 s23, $0x1F0  }
.Ltmp3:
0x114: {  	v3 =	vadd.f32 v63, v3;
	(pc) =	sbr.rel @p1 .LBB2_5-.Ltmp3, $3  }
0x115: {  	_ = 	snop  }
0x116: {  	v2 =	vadd.f32 v3, v2;
	_ =	sdelay $0x1  }
0x117: {  	s22 =	sadd.s32 $0x80, s22;
	s23 =	sadd.s32 $0x10, s23;
	[tilespmem:$0x10080] =	vst v2  }
0x118: {  	s21 =	sadd.s32 $0x1, s21  }
0x119: {  	p1 =	sne.s32 s21, $0x6  }
.Ltmp4:
0x11a: {  	_ = 	snop;
	(pc) =	sbr.rel @p1 .LBB2_2-.Ltmp4, $1  }
0x11b: {  	_ =	sdelay $0x3  }
.Ltmp5:
0x11c: {  	(pc) =	sbr.rel @p0 .LBB2_10-.Ltmp5, $1  }
0x11d: {  	_ =	sdelay $0x3  }
0x11e: {  	_ =	swait.ge [sflag:s6], $0x4000  }
0x11f: {  	[sflag:s6] =	ssyncset.done $0x0  }
0x120: {  	[sflag:s6] =	ssyncadd.s32 $0xFFFFC000  }
0x121: {  	_ =	swait.ge [sflag:s6], $0x4000  }
0x122: {  	[sflag:s6] =	ssyncset.done $0x0  }
0x123: {  	s21 =	simm.s32 $0x0;
	s22 =	simm.s32 $0x0;
	[sflag:s6] =	ssyncadd.s32 $0xFFFFC000  }
.LBB2_9:
0x124: {  	s23 =	sand.u32 $0x70, s22;
	s24 =	sand.u32 $0xC00, s21  }
0x125: {  	s23 =	sor.u32 s23, s24  }
0x126: {  	v4 =	vld [tilespmem:s23+$0x0]  }
0x127: {  	v5 =	vld [tilespmem:s23+$0x4000]  }
0x128: {  	v9 =	vld [tilespmem:s23+$0x4080]  }
0x129: {  	v8 =	vld [tilespmem:s23+$0x4100]  }
0x12a: {  	v11 =	vld [tilespmem:s23+$0x80]  }
0x12b: {  	v12 =	vld [tilespmem:s23+$0x100]  }
0x12c: {  	s26 =	sand.u32 $0xFFFFFC00, s21;
	s28 =	sor.u32 s22, s21;
	v15 =	vld [tilespmem:s23+$0x280]  }
0x12d: {  	s24 =	sadd.s32 s26, s22;
	s26 =	sor.u32 $0x380, s28;
	v17 =	vld [tilespmem:s23+$0x300]  }
0x12e: {  	v20 =	vld [tilespmem:s26+$0x0]  }
0x12f: {  	s25 =	sor.u32 $0x180, s24;
	v22 =	vld [tilespmem:s23+$0x1000];
	v3 =	vmul.f32 $6.400000000e+01, v5  }
0x130: {  	v10 =	vld [tilespmem:s25+$0x4000];
	v6 =	vmul.f32 $2.240000000e+02, v8;
	v7 =	vmul.f32 $6.400000000e+01, v9  }
0x131: {  	v13 =	vld [tilespmem:s25+$0x0];
	v18 =	vmul.f32 $6.400000000e+01, v4;
	v19 =	vmul.f32 $2.240000000e+02, v12  }
0x132: {  	v56 =	vmul.f32 $6.400000000e+01, v11;
	v28 =	vmul.f32 $6.400000000e+01, v15  }
0x133: {  	v29 =	vmul.f32 $2.240000000e+02, v20;
	v60 =	vmul.f32 $6.400000000e+01, v17;
	v16 =	vsub.f32 v3, v6  }
0x134: {  	v30 =	vmul.f32 $2.240000000e+02, v22;
	v3 =	vadd.f32 v6, v3;
	v23 =	vsub.f32 v18, v19  }
0x135: {  	v14 =	vmul.f32 $2.240000000e+02, v10;
	v18 =	vadd.f32 v19, v18;
	v61 =	vsub.f32 v28, v29  }
0x136: {  	v21 =	vmul.f32 $2.240000000e+02, v13;
	v62 =	vadd.f32 v29, v28;
	v63 =	vadd.f32 v30, v60  }
0x137: {  	v31 =	vsub.f32 v60, v30;
	v55 =	vsub.f32 v7, v14  }
0x138: {  	v7 =	vadd.f32 v14, v7;
	v24 =	vadd.f32 v21, v56  }
0x139: {  	v14 =	vsub.f32 v56, v21;
	v57 =	vsub.f32 v3, v16  }
0x13a: {  	v58 =	vmin.f32 v18, v3;
	v25 =	vmax.f32 v23, v16;
	v18 =	vsub.f32 v18, v23  }
0x13b: {  	v3 =	vmin.f32 v62, v3;
	v16 =	vmax.f32 v61, v16;
	v23 =	vsub.f32 v62, v61  }
0x13c: {  	v26 =	vsub.f32 v7, v55;
	v21 =	vsub.f32 v58, v25;
	v59 =	vmin.f32 v24, v7  }
0x13d: {  	v27 =	vmax.f32 v14, v55;
	v14 =	vsub.f32 v24, v14;
	v7 =	vmin.f32 v63, v7  }
0x13e: {  	v6 =	vmax.f32 v31, v55;
	v24 =	vsub.f32 v63, v31;
	v3 =	vsub.f32 v3, v16  }
0x13f: {  	v25 =	vsub.f32 v59, v27;
	v6 =	vsub.f32 v7, v6  }
0x140: {  	v19 =	vmul.f32 v26, v57;
	v21 =	vmax.f32 v21, $0.0e+00;
	v14 =	vmul.f32 v14, v18  }
0x141: {  	v33 =	vmul.f32 v24, v23;
	v3 =	vmax.f32 v3, $0.0e+00;
	v25 =	vmax.f32 v25, $0.0e+00  }
0x142: {  	v6 =	vmax.f32 v6, $0.0e+00;
	v32 =	vmul.f32 v25, v21;
	v14 =	vadd.f32 v19, v14  }
0x143: {  	v34 =	vmul.f32 v6, v3;
	v3 =	vadd.f32 v19, v33  }
0x144: {  	v35 =	vsub.f32 v14, v32  }
0x145: {  	v3 =	vsub.f32 v3, v34  }
0x146: {  	(erf) = vrcp.f32 v35  }
0x147: {  	v36 =	vld [tilespmem:s23+$0x4280];
	(erf) = vrcp.f32 v3  }
0x148: {  	v38 =	vld [tilespmem:s26+$0x4000]  }
0x149: {  	v40 =	vld [tilespmem:s23+$0x1100]  }
0x14a: {  	v42 =	vld [tilespmem:s23+$0x5100]  }
0x14b: {  	v45 =	vld [tilespmem:s23+$0x1200]  }
0x14c: {  	s29 =	sor.u32 $0x1180, s24;
	v46 =	vld [tilespmem:s23+$0x5200]  }
0x14d: {  	v43 =	vld [tilespmem:s29+$0x0]  }
0x14e: {  	v44 =	vld [tilespmem:s29+$0x4000]  }
0x14f: {  	v52 =	vld [tilespmem:s23+$0x1300];
	v6 =	vpop (erf)  }
0x150: {  	v55 =	vld [tilespmem:s23+$0x5300];
	v41 =	vpop (erf)  }
0x151: {  	v14 =	vld [tilespmem:s23+$0x4200];
	v6 =	vmul.f32 v6, v32;
	v7 =	vmul.f32 v41, v34  }
0x152: {  	v3 =	vld [tilespmem:s23+$0x200]  }
0x153: {  	v39 =	vld [tilespmem:s23+$0x5000];
	v51 =	vsub.f32 v40, v42;
	v18 =	vsub.f32 v43, v44;
	vm0 =	vge.f32 v6, v7  }
0x154: {  	s30 =	sor.u32 $0x1380, s28;
	v47 =	vld [tilespmem:s23+$0x1280];
	v21 =	vsub.f32 v45, v46;
	v12 =	vsel vm0, v12, v20;
	v20 =	vsel vm0, v8, v38  }
0x155: {  	v56 =	vld [tilespmem:s30+$0x0];
	v18 =	vmul.f32 v18, v18;
	v4 =	vsel vm0, v4, v15;
	v15 =	vmul.f32 v20, v12  }
0x156: {  	v59 =	vld [tilespmem:s30+$0x4000];
	v31 =	vsub.f32 v52, v55;
	v60 =	vmul.f32 v21, v21;
	vm1 =	vgt.f32 v14, $0.0e+00  }
0x157: {  	v49 =	vld [tilespmem:s23+$0x5280];
	v14 =	vsub.f32 v3, v14;
	v50 =	vshra.s32 v15, $0x1;
	v54 =	vmul.f32 $5.000000000e-01, v15  }
0x158: {  	v37 =	vld [tilespmem:s23+$0x4300];
	v35 =	vmul.f32 v31, v31;
	v5 =	vsel vm0, v5, v36;
	v53 =	vsub.s32 $0x5F3759DF, v50  }
0x159: {  	v40 =	vld [tilespmem:s23+$0x2100];
	v14 =	vmul.f32 v14, v14;
	v48 =	vsub.f32 v4, v5;
	v57 =	vmul.f32 v53, v54  }
0x15a: {  	v63 =	vld [tilespmem:s23+$0x2000];
	v5 =	vsel vm0, v13, v22;
	v4 =	vsel vm0, v10, v39;
	v13 =	vmul.f32 v51, v51  }
0x15b: {  	v32 =	vld [tilespmem:s23+$0x6000];
	v36 =	vsub.f32 v56, v59;
	v8 =	vmul.f32 v4, v5;
	v61 =	vmul.f32 v53, v57  }
0x15c: {  	v42 =	vld [tilespmem:s23+$0x6100];
	v11 =	vsel vm0, v11, v17;
	v10 =	vsub.f32 v47, v49;
	v13 =	vadd.f32 v18, v13  }
0x15d: {  	v30 =	vld [tilespmem:s23+$0x1080];
	v58 =	vshra.s32 v8, $0x1;
	v21 =	vmul.f32 $5.000000000e-01, v8;
	v16 =	vsub.f32 $1.500000000e+00, v61  }
0x15e: {  	v34 =	vld [tilespmem:s23+$0x2080];
	v10 =	vmul.f32 v10, v10;
	v62 =	vsub.s32 $0x5F3759DF, v58;
	v13 =	vadd.f32 v60, v13  }
0x15f: {  	v9 =	vsel vm0, v9, v37;
	v37 =	vld [tilespmem:s23+$0x6080];
	v33 =	vmul.f32 v62, v21;
	v16 =	vmul.f32 v53, v16  }
0x160: {  	v38 =	vld [tilespmem:s23+$0x5080];
	v22 =	vsub.f32 v63, v32;
	v39 =	vmul.f32 v36, v36;
	v10 =	vadd.f32 v10, v13  }
0x161: {  	s31 =	sor.u32 $0x2180, s24;
	v9 =	vsub.f32 v11, v9;
	v19 =	vmul.f32 v62, v33;
	v41 =	vmul.f32 v16, v54  }
0x162: {  	v43 =	vld [tilespmem:s31+$0x0];
	v22 =	vmul.f32 v22, v22;
	v28 =	vmul.f32 v48, v48;
	v10 =	vadd.f32 v35, v10  }
0x163: {  	v44 =	vld [tilespmem:s31+$0x4000];
	v18 =	vsub.f32 v40, v42;
	v19 =	vsub.f32 $1.500000000e+00, v19;
	v11 =	vmul.f32 v41, v16  }
0x164: {  	v45 =	vld [tilespmem:s23+$0x2200];
	v9 =	vmul.f32 v9, v9;
	v25 =	vsub.f32 v34, v37;
	v10 =	vadd.f32 v39, v10  }
0x165: {  	v47 =	vld [tilespmem:s23+$0x6200];
	v23 =	vsub.f32 v30, v38;
	v17 =	vmul.f32 v62, v19;
	v11 =	vsub.f32 $1.500000000e+00, v11  }
0x166: {  	v48 =	vld [tilespmem:s23+$0x2280];
	v18 =	vmul.f32 v18, v18;
	v46 =	vmul.f32 v25, v25;
	v10 =	vadd.f32 v22, v10  }
0x167: {  	v29 =	vsel vm1, $0x3F800000, v1;
	v50 =	vld [tilespmem:s23+$0x6280];
	v49 =	vmul.f32 v17, v21;
	v11 =	vmul.f32 v11, v16  }
0x168: {  	v51 =	vld [tilespmem:s23+$0x2300];
	v23 =	vmul.f32 v23, v23;
	v13 =	vsub.f32 v43, v44;
	v10 =	vadd.f32 v46, v10  }
0x169: {  	s25 =	sor.u32 $0x2380, s28;
	v9 =	vadd.f32 v9, v28;
	v53 =	vld [tilespmem:s23+$0x6300];
	v16 =	vmul.f32 v49, v17;
	v52 =	vmul.f32 v11, v54  }
0x16a: {  	v55 =	vld [tilespmem:s25+$0x0];
	v13 =	vmul.f32 v13, v13;
	v10 =	vadd.f32 v18, v10;
	v54 =	vsub.f32 v45, v47  }
0x16b: {  	v56 =	vld [tilespmem:s25+$0x4000];
	v14 =	vadd.f32 v23, v14;
	v16 =	vsub.f32 $1.500000000e+00, v16;
	v23 =	vmul.f32 v52, v11  }
0x16c: {  	v59 =	vld [tilespmem:s23+$0x3000];
	v58 =	vsub.f32 v48, v50;
	v10 =	vadd.f32 v13, v10;
	v57 =	vmul.f32 v54, v54  }
0x16d: {  	v60 =	vsub.f32 $1.000000000e+00, v29;
	v61 =	vld [tilespmem:s23+$0x7000];
	v16 =	vmul.f32 v16, v17;
	v23 =	vsub.f32 $1.500000000e+00, v23  }
0x16e: {  	v32 =	vld [tilespmem:s23+$0x7080];
	v62 =	vmul.f32 v58, v58;
	v63 =	vsub.f32 v51, v53;
	v10 =	vadd.f32 v57, v10  }
0x16f: {  	v28 =	vld [tilespmem:s23+$0x3080];
	v9 =	vadd.f32 v9, v12;
	v31 =	vmul.f32 v16, v21;
	v11 =	vmul.f32 v23, v11  }
0x170: {  	s24 =	sor.u32 $0x3180, s24;
	v36 =	vld [tilespmem:s23+$0x7100];
	v34 =	vsub.f32 v55, v56;
	v33 =	vmul.f32 v63, v63;
	v10 =	vadd.f32 v62, v10  }
0x171: {  	v38 =	vld [tilespmem:s24+$0x0];
	v9 =	vadd.f32 v9, v20;
	v12 =	vmul.f32 v31, v16;
	v11 =	vmul.f32 v11, v15  }
0x172: {  	v37 =	vmul.f32 v34, v34;
	v35 =	vld [tilespmem:s23+$0x3100];
	v17 =	vsub.f32 v59, v61;
	v10 =	vadd.f32 v33, v10  }
0x173: {  	v6 =	vmax.f32 v6, v7;
	v41 =	vld [tilespmem:s24+$0x4000];
	v40 =	vsub.f32 $1.500000000e+00, v12;
	v39 =	vadd.f32 v11, v11  }
0x174: {  	v48 =	vld [tilespmem:s23+$0x7200];
	v43 =	vsub.f32 v28, v32;
	v42 =	vmul.f32 v17, v17;
	v10 =	vadd.f32 v37, v10  }
0x175: {  	v44 =	vsel vm0, v3, v30;
	v46 =	vld [tilespmem:s23+$0x3200];
	v45 =	vmul.f32 v40, v16;
	v7 =	vsub.f32 v9, v39  }
0x176: {  	v6 =	vsub.f32 v44, v6;
	v50 =	vld [tilespmem:s23+$0x3280];
	v47 =	vmul.f32 v43, v43;
	v10 =	vadd.f32 v42, v10  }
0x177: {  	v53 =	vld [tilespmem:s23+$0x7280];
	v15 =	vsub.f32 v35, v36;
	v49 =	vmul.f32 v45, v8;
	v5 =	vadd.f32 v7, v5  }
0x178: {  	v3 =	vsel vm0, v30, v3;
	v12 =	vsub.f32 v38, v41;
	v51 =	vadd.f32 v47, v10  }
0x179: {  	v52 =	vmul.f32 v15, v15;
	v54 =	vadd.f32 v49, v49;
	v4 =	vadd.f32 v5, v4  }
0x17a: {  	v55 =	vmul.f32 v29, v6;
	v58 =	vmul.f32 $5.000000000e+00, v29;
	v57 =	vsub.f32 v46, v48  }
0x17b: {  	v56 =	vmul.f32 v12, v12;
	v9 =	vadd.f32 v52, v51;
	v4 =	vsub.f32 v4, v54  }
0x17c: {  	v6 =	vmul.f32 v55, v6;
	v59 =	vmul.f32 v29, v3;
	v8 =	vsub.f32 v50, v53  }
0x17d: {  	v5 =	vmul.f32 v57, v57;
	v9 =	vadd.f32 v56, v9;
	v4 =	vmul.f32 v4, v58  }
0x17e: {  	v60 =	vmul.f32 v14, v60;
	v3 =	vmul.f32 v59, v3  }
0x17f: {  	v61 =	vmul.f32 v8, v8;
	v5 =	vadd.f32 v5, v9;
	v4 =	vadd.f32 v4, v6;
	_ =	sdelay $0x1  }
0x180: {  	v62 =	vmul.f32 $5.000000000e-01, v60;
	v5 =	vadd.f32 v61, v5;
	v3 =	vadd.f32 v4, v3;
	_ =	sdelay $0x1  }
0x181: {  	v63 =	vmul.f32 v29, v5;
	v3 =	vadd.f32 v3, v62  }
0x182: {  	p1 =	sne.s32 s22, $0x1F0  }
.Ltmp6:
0x183: {  	v3 =	vadd.f32 v63, v3;
	(pc) =	sbr.rel @p1 .LBB2_9-.Ltmp6, $3  }
0x184: {  	_ = 	snop  }
0x185: {  	v2 =	vadd.f32 v3, v2;
	_ =	sdelay $0x1  }
0x186: {  	s21 =	sadd.s32 $0x80, s21;
	s22 =	sadd.s32 $0x10, s22;
	[tilespmem:$0x10080] =	vst v2  }
.Ltmp7:
0x187: {  	_ = 	snop;
	(pc) =	sbr.rel .LBB2_10-.Ltmp7, $1  }
0x188: {  	_ =	sdelay $0x3  }
.LBB2_11:
0x189: {  	_ =	sfence.sel $0x180000  }
0x18a: {  	[bflag:$0x0] =	sbarrier.arrive $0xFFFF  }
0x18b: {  	p0 =	sne.s32 s0, $0x0;
	_ =	strace $0x90000047  }
0x18c: {  	s0 =	sadd.s32 @!p0 $0x100000, s4;
	[bflag:$0x2] =	sbarrier.arrive $0xFFFF  }
0x18d: {  	[sflag:s0] =	ssyncadd.tile.s32 @!p0 $0x1;
	_ =	shalt  }
.Lfunc_end2:
_tile_overlayer_lowered:
.L_overlay_start_2:
0x18e: {  	(tag) =	ssettag $0x2  }
0x18f: {  	s0 =	rddreg [dreg:$0x0];
	s2 =	stileid.u32  }
0x190: {  	s1 =	rddreg [dreg:$0x1];
	p0 =	sne.s32 s2, $0x0  }
0x191: {  	s3 =	rddreg [dreg:$0x2];
	[bflag:$0x3] =	sbarrier.arrive $0xFFFF;
	s2 =	simm.s32 @!p0 $0x1C04  }
0x192: {  	[timem:s3], [sflag:s2] =	dma.local @!p0 [hbm:s0], s1  }
0x193: {  	s0 =	simm.s32 @!p0 $0x4  }
0x194: {  	_ =	swait.ge @!p0 [sflag:s0], s1  }
0x195: {  	s1 =	ssub.s32 @!p0 $0x0, s1;
	[sflag:s0] =	ssyncset.done @!p0 $0x0  }
0x196: {  	[sflag:s0] =	ssyncadd.s32 @!p0 s1  }
0x197: {  	[bflag:$0x3] =	sbarrier.arrive $0xFFFF  }
0x198: {  	_ =	shalt  }

</sc_bundles>
